<compile_context>
chip_gen: v7x
topology: tpu7x:2x2x1
jax: 0.10.2.dev20260603
libtpu: 0.0.44.dev20260713+nightly
codegen_flags: <defaults>
</compile_context>

<pallas_src>
import functools

import jax
import jax.numpy as jnp
from jax import lax
from jax.experimental import pallas as pl
from jax.experimental.pallas import tpu as pltpu
from jax.experimental.pallas import tpu_sc as plsc

B = 16384
L = 20
D = 32
NC = 2
NS = 16
NW = NC * NS
PER_W = B // NW
C = 64
NCHUNK = PER_W // C
IDX_PER_CHUNK = C * L


def _embed_body(
    idx_hbm, w_hbm, table_hbm, out_hbm,
    idx_v0, idx_v1, rows_v0, rows_v1, w_v0, w_v1, out_v, sem0, sem1,
):
    cid = lax.axis_index("c")
    sid = lax.axis_index("s")
    wid = cid * NS + sid

    idx_b = (idx_v0, idx_v1)
    rows_b = (rows_v0, rows_v1)
    w_b = (w_v0, w_v1)
    sems = (sem0, sem1)

    lane = lax.iota(jnp.int32, 16)

    def stage(ci, b):
        base = wid * PER_W + ci * C
        pltpu.sync_copy(idx_hbm.at[:, pl.ds(base, C)], idx_b[b])
        for l in range(L):
            pltpu.async_copy(
                table_hbm.at[idx_b[b].at[l]],
                rows_b[b].at[pl.ds(l * C, C)],
                sems[b],
            )
        pltpu.sync_copy(w_hbm.at[:, pl.ds(base, C)], w_b[b])

    def drain(b):
        for l in range(L):
            pltpu.make_async_copy(
                table_hbm.at[idx_b[b].at[l]],
                rows_b[b].at[pl.ds(l * C, C)],
                sems[b],
            ).wait()

    def combine(ci, b):
        rows_v = rows_b[b]
        w_v = w_b[b]

        lo_l = lane
        hi_l = lane % 4 + 16

        def b_body(bb, carry):
            bsplat = jnp.full((16,), 0, jnp.int32) + bb
            wcol0 = plsc.load_gather(w_v, [lo_l, bsplat])
            wcol1 = plsc.load_gather(w_v, [hi_l, bsplat])
            acc0 = jnp.zeros((16,), jnp.float32)
            acc1 = jnp.zeros((16,), jnp.float32)
            for l in range(L):
                src = wcol0 if l < 16 else wcol1
                wl = src.at[jnp.full((16,), l % 16 if l < 16 else l % 4, jnp.int32)].get(
                    mode="promise_in_bounds"
                )
                r = l * C + bb
                acc0 = acc0 + wl * rows_v[r, pl.ds(0, 16)]
                acc1 = acc1 + wl * rows_v[r, pl.ds(16, 16)]
            out_v[bb, pl.ds(0, 16)] = acc0
            out_v[bb, pl.ds(16, 16)] = acc1
            return carry

        lax.fori_loop(0, C, b_body, 0)
        base = wid * PER_W + ci * C
        pltpu.sync_copy(out_v, out_hbm.at[pl.ds(base, C)])

    stage(0, 0)

    def outer(c2, carry):
        for b in range(2):
            ci = c2 * 2 + b

            @pl.when(ci + 1 < NCHUNK)
            def _():
                stage(ci + 1, 1 - b)

            drain(b)
            combine(ci, b)
        return carry

    lax.fori_loop(0, NCHUNK // 2, outer, 0)


_embed_call = functools.partial(
    pl.kernel,
    mesh=plsc.VectorSubcoreMesh(core_axis_name="c", subcore_axis_name="s"),
    compiler_params=pltpu.CompilerParams(
        needs_layout_passes=False, use_tc_tiling_on_sc=False
    ),
    out_type=jax.ShapeDtypeStruct((B, D), jnp.float32),
    scratch_types=[
        pltpu.VMEM((L, C), jnp.int32),
        pltpu.VMEM((L, C), jnp.int32),
        pltpu.VMEM((IDX_PER_CHUNK, D), jnp.float32),
        pltpu.VMEM((IDX_PER_CHUNK, D), jnp.float32),
        pltpu.VMEM((L, C), jnp.float32),
        pltpu.VMEM((L, C), jnp.float32),
        pltpu.VMEM((C, D), jnp.float32),
        pltpu.SemaphoreType.DMA,
        pltpu.SemaphoreType.DMA,
    ],
)(_embed_body)


@jax.jit
def kernel(indices, weights, table):
    idx_t = indices.astype(jnp.int32).T
    w_t = weights.astype(jnp.float32).T
    return _embed_call(idx_t, w_t, table)

# --- scband reference (transcript-rebuilt; emitter-appended) ---
"""Pipeline reference for scband-sparse-core-embed-8538394985094 (READ-ONLY COPY).

The authoritative reference and input builder live on the scoring server;
editing this copy changes nothing except your own understanding.
"""

import jax, jax.numpy as jnp
import numpy as np

VOCAB = 1000000
EMBED_DIM = 32
BATCH = 16384
HIST = 20

def setup_inputs(seed: int = 0) -> dict:
    key = jax.random.key(seed)
    k_idx, k_w, k_tbl = jax.random.split(key, 3)
    indices = jax.random.randint(k_idx, (BATCH, HIST), 0, VOCAB, dtype=jnp.int64 if jax.config.jax_enable_x64 else jnp.int32)
    weights = jax.random.uniform(k_w, (BATCH, HIST), dtype=jnp.float32)
    # Embedding table param (sc_embedding_variables), row-sharded in the real module.
    table = jax.random.normal(k_tbl, (VOCAB, EMBED_DIM), dtype=jnp.float32) * 0.01
    return {"indices": indices, "weights": weights, "table": table}

def reference(indices, weights, table):
    # Faithful math of tpu_sparse_dense_matmul for a single multi-valent feature
    # with SUM combiner: activation[b] = sum_l weights[b, l] * table[indices[b, l]]
    gathered = jnp.take(table, indices, axis=0)          # [B, L, D] gather (SparseCore)
    out = jnp.sum(gathered * weights[..., None], axis=1)  # weighted sum combine
    return out

if __name__ == "__main__":
    import jax
    _d = setup_inputs()
    print(jax.jit(kernel)(*tuple(_d.values())))

</pallas_src>

<mosaic_0001>
#map = affine_map<(d0, d1) -> (0, 0)>
module attributes {stable_mosaic.version = 14 : i64} {
  func.func @_embed_body(%arg0: i32, %arg1: i32, %arg2: memref<20x16384xi32, #tpu.memory_space<hbm>>, %arg3: memref<20x16384xf32, #tpu.memory_space<hbm>>, %arg4: memref<1000000x32xf32, #tpu.memory_space<hbm>>, %arg5: memref<16384x32xf32, #tpu.memory_space<hbm>>, %arg6: memref<20x64xi32, #tpu.memory_space<vmem>>, %arg7: memref<20x64xi32, #tpu.memory_space<vmem>>, %arg8: memref<1280x32xf32, #tpu.memory_space<vmem>>, %arg9: memref<1280x32xf32, #tpu.memory_space<vmem>>, %arg10: memref<20x64xf32, #tpu.memory_space<vmem>>, %arg11: memref<20x64xf32, #tpu.memory_space<vmem>>, %arg12: memref<64x32xf32, #tpu.memory_space<vmem>>, %arg13: memref<!tpu.dma_semaphore, #tpu.memory_space<semaphore_mem>>, %arg14: memref<!tpu.dma_semaphore, #tpu.memory_space<semaphore_mem>>) attributes {dimension_semantics = [#tpu.dimension_semantics<core_parallel>, #tpu.dimension_semantics<subcore_parallel>], iteration_bounds = array<i64: 2, 16>, scalar_prefetch = 0 : i64, scratch_operands = 9 : i64, tpu.core_type = #tpu.core_type<sc_vector_subcore>, window_params = [{transform_indices = #map}, {transform_indices = #map}, {transform_indices = #map}, {transform_indices = #map}]} {
    %mul3A = arith.constant 16 : i32
    %mul3A_0 = arith.muli %arg0, %mul3A : i32
    %add3A = arith.addi %mul3A_0, %arg1 : i32
    %iota3A = tpu.iota {dimensions = array<i32: 0>} : vector<16xi32>
    %mul3A_1 = arith.constant 512 : i32
    %mul3A_2 = arith.muli %add3A, %mul3A_1 : i32
    %add3A_3 = arith.constant 0 : i32
    %add3A_4 = arith.addi %mul3A_2, %add3A_3 : i32
    "tpu.region"() ({
      %run_scoped3A = tpu.sem_alloc : memref<!tpu.dma_semaphore, #tpu.memory_space<semaphore_mem>>
      %dma_start3A_209 = arith.constant 0 : i32
      %dma_start3A_210 = tpu.memref_slice %arg2[%dma_start3A_209, %add3A_4] : memref<20x16384xi32, #tpu.memory_space<hbm>> -> memref<20x64xi32, #tpu.memory_space<hbm>>
      %dma_start3A_211 = arith.constant 0 : i32
      %dma_start3A_212 = tpu.memref_slice %arg2[%dma_start3A_211, %add3A_4] : memref<20x16384xi32, #tpu.memory_space<hbm>> -> memref<20x64xi32, #tpu.memory_space<hbm>>
      tpu.enqueue_dma source(%dma_start3A_212 : memref<20x64xi32, #tpu.memory_space<hbm>>) target(%arg6 : memref<20x64xi32, #tpu.memory_space<vmem>>) target_semaphore(%run_scoped3A : memref<!tpu.dma_semaphore, #tpu.memory_space<semaphore_mem>>)
      %dma_wait3A = arith.constant 0 : i32
      %dma_wait3A_213 = tpu.memref_slice %arg2[%dma_wait3A, %add3A_4] : memref<20x16384xi32, #tpu.memory_space<hbm>> -> memref<20x64xi32, #tpu.memory_space<hbm>>
      %dma_wait3A_214 = arith.constant 0 : i32
      %dma_wait3A_215 = tpu.memref_slice %arg2[%dma_wait3A_214, %add3A_4] : memref<20x16384xi32, #tpu.memory_space<hbm>> -> memref<20x64xi32, #tpu.memory_space<hbm>>
      tpu.wait_dma2 semaphore(%run_scoped3A : memref<!tpu.dma_semaphore, #tpu.memory_space<semaphore_mem>>) src(%dma_wait3A_215 : memref<20x64xi32, #tpu.memory_space<hbm>>) dst(%arg6 : memref<20x64xi32, #tpu.memory_space<vmem>>)
      tpu.yield
    }) : () -> ()
    %dma_start3A = arith.constant 0 : i32
    %dma_start3A_5 = arith.constant 0 : i32
    %dma_start3A_6 = arith.constant 0 : i32
    %dma_start3A_7 = tpu.memref_slice %arg8[%dma_start3A_5, %dma_start3A_6] : memref<1280x32xf32, #tpu.memory_space<vmem>> -> memref<64x32xf32, #tpu.memory_space<vmem>>
    %dma_start3A_8 = arith.constant 0 : i32
    %dma_start3A_9 = tpu.memref_slice %arg6[%dma_start3A, %dma_start3A_8] : memref<20x64xi32, #tpu.memory_space<vmem>> -> memref<1x64xi32, #tpu.memory_space<vmem>>
    %dma_start3A_10 = tpu.memref_squeeze %dma_start3A_9 : memref<1x64xi32, #tpu.memory_space<vmem>> -> memref<64xi32, #tpu.memory_space<vmem>>
    %dma_start3A_11 = arith.constant 0 : i32
    %dma_start3A_12 = arith.constant 0 : i32
    %dma_start3A_13 = tpu.memref_slice %arg4[%dma_start3A_11, %dma_start3A_12] : memref<1000000x32xf32, #tpu.memory_space<hbm>> -> memref<1000000x32xf32, #tpu.memory_space<hbm>>
    tpu.enqueue_indirect_dma source(%dma_start3A_13 : memref<1000000x32xf32, #tpu.memory_space<hbm>>) target(%dma_start3A_7 : memref<64x32xf32, #tpu.memory_space<vmem>>) offsets(%dma_start3A_10 : memref<64xi32, #tpu.memory_space<vmem>>) semaphore(%arg13 : memref<!tpu.dma_semaphore, #tpu.memory_space<semaphore_mem>>)
    %dma_start3A_14 = arith.constant 1 : i32
    %dma_start3A_15 = arith.constant 64 : i32
    %dma_start3A_16 = arith.constant 0 : i32
    %dma_start3A_17 = tpu.memref_slice %arg8[%dma_start3A_15, %dma_start3A_16] : memref<1280x32xf32, #tpu.memory_space<vmem>> -> memref<64x32xf32, #tpu.memory_space<vmem>>
    %dma_start3A_18 = arith.constant 0 : i32
    %dma_start3A_19 = tpu.memref_slice %arg6[%dma_start3A_14, %dma_start3A_18] : memref<20x64xi32, #tpu.memory_space<vmem>> -> memref<1x64xi32, #tpu.memory_space<vmem>>
    %dma_start3A_20 = tpu.memref_squeeze %dma_start3A_19 : memref<1x64xi32, #tpu.memory_space<vmem>> -> memref<64xi32, #tpu.memory_space<vmem>>
    %dma_start3A_21 = arith.constant 0 : i32
    %dma_start3A_22 = arith.constant 0 : i32
    %dma_start3A_23 = tpu.memref_slice %arg4[%dma_start3A_21, %dma_start3A_22] : memref<1000000x32xf32, #tpu.memory_space<hbm>> -> memref<1000000x32xf32, #tpu.memory_space<hbm>>
    tpu.enqueue_indirect_dma source(%dma_start3A_23 : memref<1000000x32xf32, #tpu.memory_space<hbm>>) target(%dma_start3A_17 : memref<64x32xf32, #tpu.memory_space<vmem>>) offsets(%dma_start3A_20 : memref<64xi32, #tpu.memory_space<vmem>>) semaphore(%arg13 : memref<!tpu.dma_semaphore, #tpu.memory_space<semaphore_mem>>)
    %dma_start3A_24 = arith.constant 2 : i32
    %dma_start3A_25 = arith.constant 128 : i32
    %dma_start3A_26 = arith.constant 0 : i32
    %dma_start3A_27 = tpu.memref_slice %arg8[%dma_start3A_25, %dma_start3A_26] : memref<1280x32xf32, #tpu.memory_space<vmem>> -> memref<64x32xf32, #tpu.memory_space<vmem>>
    %dma_start3A_28 = arith.constant 0 : i32
    %dma_start3A_29 = tpu.memref_slice %arg6[%dma_start3A_24, %dma_start3A_28] : memref<20x64xi32, #tpu.memory_space<vmem>> -> memref<1x64xi32, #tpu.memory_space<vmem>>
    %dma_start3A_30 = tpu.memref_squeeze %dma_start3A_29 : memref<1x64xi32, #tpu.memory_space<vmem>> -> memref<64xi32, #tpu.memory_space<vmem>>
    %dma_start3A_31 = arith.constant 0 : i32
    %dma_start3A_32 = arith.constant 0 : i32
    %dma_start3A_33 = tpu.memref_slice %arg4[%dma_start3A_31, %dma_start3A_32] : memref<1000000x32xf32, #tpu.memory_space<hbm>> -> memref<1000000x32xf32, #tpu.memory_space<hbm>>
    tpu.enqueue_indirect_dma source(%dma_start3A_33 : memref<1000000x32xf32, #tpu.memory_space<hbm>>) target(%dma_start3A_27 : memref<64x32xf32, #tpu.memory_space<vmem>>) offsets(%dma_start3A_30 : memref<64xi32, #tpu.memory_space<vmem>>) semaphore(%arg13 : memref<!tpu.dma_semaphore, #tpu.memory_space<semaphore_mem>>)
    %dma_start3A_34 = arith.constant 3 : i32
    %dma_start3A_35 = arith.constant 192 : i32
    %dma_start3A_36 = arith.constant 0 : i32
    %dma_start3A_37 = tpu.memref_slice %arg8[%dma_start3A_35, %dma_start3A_36] : memref<1280x32xf32, #tpu.memory_space<vmem>> -> memref<64x32xf32, #tpu.memory_space<vmem>>
    %dma_start3A_38 = arith.constant 0 : i32
    %dma_start3A_39 = tpu.memref_slice %arg6[%dma_start3A_34, %dma_start3A_38] : memref<20x64xi32, #tpu.memory_space<vmem>> -> memref<1x64xi32, #tpu.memory_space<vmem>>
    %dma_start3A_40 = tpu.memref_squeeze %dma_start3A_39 : memref<1x64xi32, #tpu.memory_space<vmem>> -> memref<64xi32, #tpu.memory_space<vmem>>
    %dma_start3A_41 = arith.constant 0 : i32
    %dma_start3A_42 = arith.constant 0 : i32
    %dma_start3A_43 = tpu.memref_slice %arg4[%dma_start3A_41, %dma_start3A_42] : memref<1000000x32xf32, #tpu.memory_space<hbm>> -> memref<1000000x32xf32, #tpu.memory_space<hbm>>
    tpu.enqueue_indirect_dma source(%dma_start3A_43 : memref<1000000x32xf32, #tpu.memory_space<hbm>>) target(%dma_start3A_37 : memref<64x32xf32, #tpu.memory_space<vmem>>) offsets(%dma_start3A_40 : memref<64xi32, #tpu.memory_space<vmem>>) semaphore(%arg13 : memref<!tpu.dma_semaphore, #tpu.memory_space<semaphore_mem>>)
    %dma_start3A_44 = arith.constant 4 : i32
    %dma_start3A_45 = arith.constant 256 : i32
    %dma_start3A_46 = arith.constant 0 : i32
    %dma_start3A_47 = tpu.memref_slice %arg8[%dma_start3A_45, %dma_start3A_46] : memref<1280x32xf32, #tpu.memory_space<vmem>> -> memref<64x32xf32, #tpu.memory_space<vmem>>
    %dma_start3A_48 = arith.constant 0 : i32
    %dma_start3A_49 = tpu.memref_slice %arg6[%dma_start3A_44, %dma_start3A_48] : memref<20x64xi32, #tpu.memory_space<vmem>> -> memref<1x64xi32, #tpu.memory_space<vmem>>
    %dma_start3A_50 = tpu.memref_squeeze %dma_start3A_49 : memref<1x64xi32, #tpu.memory_space<vmem>> -> memref<64xi32, #tpu.memory_space<vmem>>
    %dma_start3A_51 = arith.constant 0 : i32
    %dma_start3A_52 = arith.constant 0 : i32
    %dma_start3A_53 = tpu.memref_slice %arg4[%dma_start3A_51, %dma_start3A_52] : memref<1000000x32xf32, #tpu.memory_space<hbm>> -> memref<1000000x32xf32, #tpu.memory_space<hbm>>
    tpu.enqueue_indirect_dma source(%dma_start3A_53 : memref<1000000x32xf32, #tpu.memory_space<hbm>>) target(%dma_start3A_47 : memref<64x32xf32, #tpu.memory_space<vmem>>) offsets(%dma_start3A_50 : memref<64xi32, #tpu.memory_space<vmem>>) semaphore(%arg13 : memref<!tpu.dma_semaphore, #tpu.memory_space<semaphore_mem>>)
    %dma_start3A_54 = arith.constant 5 : i32
    %dma_start3A_55 = arith.constant 320 : i32
    %dma_start3A_56 = arith.constant 0 : i32
    %dma_start3A_57 = tpu.memref_slice %arg8[%dma_start3A_55, %dma_start3A_56] : memref<1280x32xf32, #tpu.memory_space<vmem>> -> memref<64x32xf32, #tpu.memory_space<vmem>>
    %dma_start3A_58 = arith.constant 0 : i32
    %dma_start3A_59 = tpu.memref_slice %arg6[%dma_start3A_54, %dma_start3A_58] : memref<20x64xi32, #tpu.memory_space<vmem>> -> memref<1x64xi32, #tpu.memory_space<vmem>>
    %dma_start3A_60 = tpu.memref_squeeze %dma_start3A_59 : memref<1x64xi32, #tpu.memory_space<vmem>> -> memref<64xi32, #tpu.memory_space<vmem>>
    %dma_start3A_61 = arith.constant 0 : i32
    %dma_start3A_62 = arith.constant 0 : i32
    %dma_start3A_63 = tpu.memref_slice %arg4[%dma_start3A_61, %dma_start3A_62] : memref<1000000x32xf32, #tpu.memory_space<hbm>> -> memref<1000000x32xf32, #tpu.memory_space<hbm>>
    tpu.enqueue_indirect_dma source(%dma_start3A_63 : memref<1000000x32xf32, #tpu.memory_space<hbm>>) target(%dma_start3A_57 : memref<64x32xf32, #tpu.memory_space<vmem>>) offsets(%dma_start3A_60 : memref<64xi32, #tpu.memory_space<vmem>>) semaphore(%arg13 : memref<!tpu.dma_semaphore, #tpu.memory_space<semaphore_mem>>)
    %dma_start3A_64 = arith.constant 6 : i32
    %dma_start3A_65 = arith.constant 384 : i32
    %dma_start3A_66 = arith.constant 0 : i32
    %dma_start3A_67 = tpu.memref_slice %arg8[%dma_start3A_65, %dma_start3A_66] : memref<1280x32xf32, #tpu.memory_space<vmem>> -> memref<64x32xf32, #tpu.memory_space<vmem>>
    %dma_start3A_68 = arith.constant 0 : i32
    %dma_start3A_69 = tpu.memref_slice %arg6[%dma_start3A_64, %dma_start3A_68] : memref<20x64xi32, #tpu.memory_space<vmem>> -> memref<1x64xi32, #tpu.memory_space<vmem>>
    %dma_start3A_70 = tpu.memref_squeeze %dma_start3A_69 : memref<1x64xi32, #tpu.memory_space<vmem>> -> memref<64xi32, #tpu.memory_space<vmem>>
    %dma_start3A_71 = arith.constant 0 : i32
    %dma_start3A_72 = arith.constant 0 : i32
    %dma_start3A_73 = tpu.memref_slice %arg4[%dma_start3A_71, %dma_start3A_72] : memref<1000000x32xf32, #tpu.memory_space<hbm>> -> memref<1000000x32xf32, #tpu.memory_space<hbm>>
    tpu.enqueue_indirect_dma source(%dma_start3A_73 : memref<1000000x32xf32, #tpu.memory_space<hbm>>) target(%dma_start3A_67 : memref<64x32xf32, #tpu.memory_space<vmem>>) offsets(%dma_start3A_70 : memref<64xi32, #tpu.memory_space<vmem>>) semaphore(%arg13 : memref<!tpu.dma_semaphore, #tpu.memory_space<semaphore_mem>>)
    %dma_start3A_74 = arith.constant 7 : i32
    %dma_start3A_75 = arith.constant 448 : i32
    %dma_start3A_76 = arith.constant 0 : i32
    %dma_start3A_77 = tpu.memref_slice %arg8[%dma_start3A_75, %dma_start3A_76] : memref<1280x32xf32, #tpu.memory_space<vmem>> -> memref<64x32xf32, #tpu.memory_space<vmem>>
    %dma_start3A_78 = arith.constant 0 : i32
    %dma_start3A_79 = tpu.memref_slice %arg6[%dma_start3A_74, %dma_start3A_78] : memref<20x64xi32, #tpu.memory_space<vmem>> -> memref<1x64xi32, #tpu.memory_space<vmem>>
    %dma_start3A_80 = tpu.memref_squeeze %dma_start3A_79 : memref<1x64xi32, #tpu.memory_space<vmem>> -> memref<64xi32, #tpu.memory_space<vmem>>
    %dma_start3A_81 = arith.constant 0 : i32
    %dma_start3A_82 = arith.constant 0 : i32
    %dma_start3A_83 = tpu.memref_slice %arg4[%dma_start3A_81, %dma_start3A_82] : memref<1000000x32xf32, #tpu.memory_space<hbm>> -> memref<1000000x32xf32, #tpu.memory_space<hbm>>
    tpu.enqueue_indirect_dma source(%dma_start3A_83 : memref<1000000x32xf32, #tpu.memory_space<hbm>>) target(%dma_start3A_77 : memref<64x32xf32, #tpu.memory_space<vmem>>) offsets(%dma_start3A_80 : memref<64xi32, #tpu.memory_space<vmem>>) semaphore(%arg13 : memref<!tpu.dma_semaphore, #tpu.memory_space<semaphore_mem>>)
    %dma_start3A_84 = arith.constant 8 : i32
    %dma_start3A_85 = arith.constant 512 : i32
    %dma_start3A_86 = arith.constant 0 : i32
    %dma_start3A_87 = tpu.memref_slice %arg8[%dma_start3A_85, %dma_start3A_86] : memref<1280x32xf32, #tpu.memory_space<vmem>> -> memref<64x32xf32, #tpu.memory_space<vmem>>
    %dma_start3A_88 = arith.constant 0 : i32
    %dma_start3A_89 = tpu.memref_slice %arg6[%dma_start3A_84, %dma_start3A_88] : memref<20x64xi32, #tpu.memory_space<vmem>> -> memref<1x64xi32, #tpu.memory_space<vmem>>
    %dma_start3A_90 = tpu.memref_squeeze %dma_start3A_89 : memref<1x64xi32, #tpu.memory_space<vmem>> -> memref<64xi32, #tpu.memory_space<vmem>>
    %dma_start3A_91 = arith.constant 0 : i32
    %dma_start3A_92 = arith.constant 0 : i32
    %dma_start3A_93 = tpu.memref_slice %arg4[%dma_start3A_91, %dma_start3A_92] : memref<1000000x32xf32, #tpu.memory_space<hbm>> -> memref<1000000x32xf32, #tpu.memory_space<hbm>>
    tpu.enqueue_indirect_dma source(%dma_start3A_93 : memref<1000000x32xf32, #tpu.memory_space<hbm>>) target(%dma_start3A_87 : memref<64x32xf32, #tpu.memory_space<vmem>>) offsets(%dma_start3A_90 : memref<64xi32, #tpu.memory_space<vmem>>) semaphore(%arg13 : memref<!tpu.dma_semaphore, #tpu.memory_space<semaphore_mem>>)
    %dma_start3A_94 = arith.constant 9 : i32
    %dma_start3A_95 = arith.constant 576 : i32
    %dma_start3A_96 = arith.constant 0 : i32
    %dma_start3A_97 = tpu.memref_slice %arg8[%dma_start3A_95, %dma_start3A_96] : memref<1280x32xf32, #tpu.memory_space<vmem>> -> memref<64x32xf32, #tpu.memory_space<vmem>>
    %dma_start3A_98 = arith.constant 0 : i32
    %dma_start3A_99 = tpu.memref_slice %arg6[%dma_start3A_94, %dma_start3A_98] : memref<20x64xi32, #tpu.memory_space<vmem>> -> memref<1x64xi32, #tpu.memory_space<vmem>>
    %dma_start3A_100 = tpu.memref_squeeze %dma_start3A_99 : memref<1x64xi32, #tpu.memory_space<vmem>> -> memref<64xi32, #tpu.memory_space<vmem>>
    %dma_start3A_101 = arith.constant 0 : i32
    %dma_start3A_102 = arith.constant 0 : i32
    %dma_start3A_103 = tpu.memref_slice %arg4[%dma_start3A_101, %dma_start3A_102] : memref<1000000x32xf32, #tpu.memory_space<hbm>> -> memref<1000000x32xf32, #tpu.memory_space<hbm>>
    tpu.enqueue_indirect_dma source(%dma_start3A_103 : memref<1000000x32xf32, #tpu.memory_space<hbm>>) target(%dma_start3A_97 : memref<64x32xf32, #tpu.memory_space<vmem>>) offsets(%dma_start3A_100 : memref<64xi32, #tpu.memory_space<vmem>>) semaphore(%arg13 : memref<!tpu.dma_semaphore, #tpu.memory_space<semaphore_mem>>)
    %dma_start3A_104 = arith.constant 10 : i32
    %dma_start3A_105 = arith.constant 640 : i32
    %dma_start3A_106 = arith.constant 0 : i32
    %dma_start3A_107 = tpu.memref_slice %arg8[%dma_start3A_105, %dma_start3A_106] : memref<1280x32xf32, #tpu.memory_space<vmem>> -> memref<64x32xf32, #tpu.memory_space<vmem>>
    %dma_start3A_108 = arith.constant 0 : i32
    %dma_start3A_109 = tpu.memref_slice %arg6[%dma_start3A_104, %dma_start3A_108] : memref<20x64xi32, #tpu.memory_space<vmem>> -> memref<1x64xi32, #tpu.memory_space<vmem>>
    %dma_start3A_110 = tpu.memref_squeeze %dma_start3A_109 : memref<1x64xi32, #tpu.memory_space<vmem>> -> memref<64xi32, #tpu.memory_space<vmem>>
    %dma_start3A_111 = arith.constant 0 : i32
    %dma_start3A_112 = arith.constant 0 : i32
    %dma_start3A_113 = tpu.memref_slice %arg4[%dma_start3A_111, %dma_start3A_112] : memref<1000000x32xf32, #tpu.memory_space<hbm>> -> memref<1000000x32xf32, #tpu.memory_space<hbm>>
    tpu.enqueue_indirect_dma source(%dma_start3A_113 : memref<1000000x32xf32, #tpu.memory_space<hbm>>) target(%dma_start3A_107 : memref<64x32xf32, #tpu.memory_space<vmem>>) offsets(%dma_start3A_110 : memref<64xi32, #tpu.memory_space<vmem>>) semaphore(%arg13 : memref<!tpu.dma_semaphore, #tpu.memory_space<semaphore_mem>>)
    %dma_start3A_114 = arith.constant 11 : i32
    %dma_start3A_115 = arith.constant 704 : i32
    %dma_start3A_116 = arith.constant 0 : i32
    %dma_start3A_117 = tpu.memref_slice %arg8[%dma_start3A_115, %dma_start3A_116] : memref<1280x32xf32, #tpu.memory_space<vmem>> -> memref<64x32xf32, #tpu.memory_space<vmem>>
    %dma_start3A_118 = arith.constant 0 : i32
    %dma_start3A_119 = tpu.memref_slice %arg6[%dma_start3A_114, %dma_start3A_118] : memref<20x64xi32, #tpu.memory_space<vmem>> -> memref<1x64xi32, #tpu.memory_space<vmem>>
    %dma_start3A_120 = tpu.memref_squeeze %dma_start3A_119 : memref<1x64xi32, #tpu.memory_space<vmem>> -> memref<64xi32, #tpu.memory_space<vmem>>
    %dma_start3A_121 = arith.constant 0 : i32
    %dma_start3A_122 = arith.constant 0 : i32
    %dma_start3A_123 = tpu.memref_slice %arg4[%dma_start3A_121, %dma_start3A_122] : memref<1000000x32xf32, #tpu.memory_space<hbm>> -> memref<1000000x32xf32, #tpu.memory_space<hbm>>
    tpu.enqueue_indirect_dma source(%dma_start3A_123 : memref<1000000x32xf32, #tpu.memory_space<hbm>>) target(%dma_start3A_117 : memref<64x32xf32, #tpu.memory_space<vmem>>) offsets(%dma_start3A_120 : memref<64xi32, #tpu.memory_space<vmem>>) semaphore(%arg13 : memref<!tpu.dma_semaphore, #tpu.memory_space<semaphore_mem>>)
    %dma_start3A_124 = arith.constant 12 : i32
    %dma_start3A_125 = arith.constant 768 : i32
    %dma_start3A_126 = arith.constant 0 : i32
    %dma_start3A_127 = tpu.memref_slice %arg8[%dma_start3A_125, %dma_start3A_126] : memref<1280x32xf32, #tpu.memory_space<vmem>> -> memref<64x32xf32, #tpu.memory_space<vmem>>
    %dma_start3A_128 = arith.constant 0 : i32
    %dma_start3A_129 = tpu.memref_slice %arg6[%dma_start3A_124, %dma_start3A_128] : memref<20x64xi32, #tpu.memory_space<vmem>> -> memref<1x64xi32, #tpu.memory_space<vmem>>
    %dma_start3A_130 = tpu.memref_squeeze %dma_start3A_129 : memref<1x64xi32, #tpu.memory_space<vmem>> -> memref<64xi32, #tpu.memory_space<vmem>>
    %dma_start3A_131 = arith.constant 0 : i32
    %dma_start3A_132 = arith.constant 0 : i32
    %dma_start3A_133 = tpu.memref_slice %arg4[%dma_start3A_131, %dma_start3A_132] : memref<1000000x32xf32, #tpu.memory_space<hbm>> -> memref<1000000x32xf32, #tpu.memory_space<hbm>>
    tpu.enqueue_indirect_dma source(%dma_start3A_133 : memref<1000000x32xf32, #tpu.memory_space<hbm>>) target(%dma_start3A_127 : memref<64x32xf32, #tpu.memory_space<vmem>>) offsets(%dma_start3A_130 : memref<64xi32, #tpu.memory_space<vmem>>) semaphore(%arg13 : memref<!tpu.dma_semaphore, #tpu.memory_space<semaphore_mem>>)
    %dma_start3A_134 = arith.constant 13 : i32
    %dma_start3A_135 = arith.constant 832 : i32
    %dma_start3A_136 = arith.constant 0 : i32
    %dma_start3A_137 = tpu.memref_slice %arg8[%dma_start3A_135, %dma_start3A_136] : memref<1280x32xf32, #tpu.memory_space<vmem>> -> memref<64x32xf32, #tpu.memory_space<vmem>>
    %dma_start3A_138 = arith.constant 0 : i32
    %dma_start3A_139 = tpu.memref_slice %arg6[%dma_start3A_134, %dma_start3A_138] : memref<20x64xi32, #tpu.memory_space<vmem>> -> memref<1x64xi32, #tpu.memory_space<vmem>>
    %dma_start3A_140 = tpu.memref_squeeze %dma_start3A_139 : memref<1x64xi32, #tpu.memory_space<vmem>> -> memref<64xi32, #tpu.memory_space<vmem>>
    %dma_start3A_141 = arith.constant 0 : i32
    %dma_start3A_142 = arith.constant 0 : i32
    %dma_start3A_143 = tpu.memref_slice %arg4[%dma_start3A_141, %dma_start3A_142] : memref<1000000x32xf32, #tpu.memory_space<hbm>> -> memref<1000000x32xf32, #tpu.memory_space<hbm>>
    tpu.enqueue_indirect_dma source(%dma_start3A_143 : memref<1000000x32xf32, #tpu.memory_space<hbm>>) target(%dma_start3A_137 : memref<64x32xf32, #tpu.memory_space<vmem>>) offsets(%dma_start3A_140 : memref<64xi32, #tpu.memory_space<vmem>>) semaphore(%arg13 : memref<!tpu.dma_semaphore, #tpu.memory_space<semaphore_mem>>)
    %dma_start3A_144 = arith.constant 14 : i32
    %dma_start3A_145 = arith.constant 896 : i32
    %dma_start3A_146 = arith.constant 0 : i32
    %dma_start3A_147 = tpu.memref_slice %arg8[%dma_start3A_145, %dma_start3A_146] : memref<1280x32xf32, #tpu.memory_space<vmem>> -> memref<64x32xf32, #tpu.memory_space<vmem>>
    %dma_start3A_148 = arith.constant 0 : i32
    %dma_start3A_149 = tpu.memref_slice %arg6[%dma_start3A_144, %dma_start3A_148] : memref<20x64xi32, #tpu.memory_space<vmem>> -> memref<1x64xi32, #tpu.memory_space<vmem>>
    %dma_start3A_150 = tpu.memref_squeeze %dma_start3A_149 : memref<1x64xi32, #tpu.memory_space<vmem>> -> memref<64xi32, #tpu.memory_space<vmem>>
    %dma_start3A_151 = arith.constant 0 : i32
    %dma_start3A_152 = arith.constant 0 : i32
    %dma_start3A_153 = tpu.memref_slice %arg4[%dma_start3A_151, %dma_start3A_152] : memref<1000000x32xf32, #tpu.memory_space<hbm>> -> memref<1000000x32xf32, #tpu.memory_space<hbm>>
    tpu.enqueue_indirect_dma source(%dma_start3A_153 : memref<1000000x32xf32, #tpu.memory_space<hbm>>) target(%dma_start3A_147 : memref<64x32xf32, #tpu.memory_space<vmem>>) offsets(%dma_start3A_150 : memref<64xi32, #tpu.memory_space<vmem>>) semaphore(%arg13 : memref<!tpu.dma_semaphore, #tpu.memory_space<semaphore_mem>>)
    %dma_start3A_154 = arith.constant 15 : i32
    %dma_start3A_155 = arith.constant 960 : i32
    %dma_start3A_156 = arith.constant 0 : i32
    %dma_start3A_157 = tpu.memref_slice %arg8[%dma_start3A_155, %dma_start3A_156] : memref<1280x32xf32, #tpu.memory_space<vmem>> -> memref<64x32xf32, #tpu.memory_space<vmem>>
    %dma_start3A_158 = arith.constant 0 : i32
    %dma_start3A_159 = tpu.memref_slice %arg6[%dma_start3A_154, %dma_start3A_158] : memref<20x64xi32, #tpu.memory_space<vmem>> -> memref<1x64xi32, #tpu.memory_space<vmem>>
    %dma_start3A_160 = tpu.memref_squeeze %dma_start3A_159 : memref<1x64xi32, #tpu.memory_space<vmem>> -> memref<64xi32, #tpu.memory_space<vmem>>
    %dma_start3A_161 = arith.constant 0 : i32
    %dma_start3A_162 = arith.constant 0 : i32
    %dma_start3A_163 = tpu.memref_slice %arg4[%dma_start3A_161, %dma_start3A_162] : memref<1000000x32xf32, #tpu.memory_space<hbm>> -> memref<1000000x32xf32, #tpu.memory_space<hbm>>
    tpu.enqueue_indirect_dma source(%dma_start3A_163 : memref<1000000x32xf32, #tpu.memory_space<hbm>>) target(%dma_start3A_157 : memref<64x32xf32, #tpu.memory_space<vmem>>) offsets(%dma_start3A_160 : memref<64xi32, #tpu.memory_space<vmem>>) semaphore(%arg13 : memref<!tpu.dma_semaphore, #tpu.memory_space<semaphore_mem>>)
    %dma_start3A_164 = arith.constant 16 : i32
    %dma_start3A_165 = arith.constant 1024 : i32
    %dma_start3A_166 = arith.constant 0 : i32
    %dma_start3A_167 = tpu.memref_slice %arg8[%dma_start3A_165, %dma_start3A_166] : memref<1280x32xf32, #tpu.memory_space<vmem>> -> memref<64x32xf32, #tpu.memory_space<vmem>>
    %dma_start3A_168 = arith.constant 0 : i32
    %dma_start3A_169 = tpu.memref_slice %arg6[%dma_start3A_164, %dma_start3A_168] : memref<20x64xi32, #tpu.memory_space<vmem>> -> memref<1x64xi32, #tpu.memory_space<vmem>>
    %dma_start3A_170 = tpu.memref_squeeze %dma_start3A_169 : memref<1x64xi32, #tpu.memory_space<vmem>> -> memref<64xi32, #tpu.memory_space<vmem>>
    %dma_start3A_171 = arith.constant 0 : i32
    %dma_start3A_172 = arith.constant 0 : i32
    %dma_start3A_173 = tpu.memref_slice %arg4[%dma_start3A_171, %dma_start3A_172] : memref<1000000x32xf32, #tpu.memory_space<hbm>> -> memref<1000000x32xf32, #tpu.memory_space<hbm>>
    tpu.enqueue_indirect_dma source(%dma_start3A_173 : memref<1000000x32xf32, #tpu.memory_space<hbm>>) target(%dma_start3A_167 : memref<64x32xf32, #tpu.memory_space<vmem>>) offsets(%dma_start3A_170 : memref<64xi32, #tpu.memory_space<vmem>>) semaphore(%arg13 : memref<!tpu.dma_semaphore, #tpu.memory_space<semaphore_mem>>)
    %dma_start3A_174 = arith.constant 17 : i32
    %dma_start3A_175 = arith.constant 1088 : i32
    %dma_start3A_176 = arith.constant 0 : i32
    %dma_start3A_177 = tpu.memref_slice %arg8[%dma_start3A_175, %dma_start3A_176] : memref<1280x32xf32, #tpu.memory_space<vmem>> -> memref<64x32xf32, #tpu.memory_space<vmem>>
    %dma_start3A_178 = arith.constant 0 : i32
    %dma_start3A_179 = tpu.memref_slice %arg6[%dma_start3A_174, %dma_start3A_178] : memref<20x64xi32, #tpu.memory_space<vmem>> -> memref<1x64xi32, #tpu.memory_space<vmem>>
    %dma_start3A_180 = tpu.memref_squeeze %dma_start3A_179 : memref<1x64xi32, #tpu.memory_space<vmem>> -> memref<64xi32, #tpu.memory_space<vmem>>
    %dma_start3A_181 = arith.constant 0 : i32
    %dma_start3A_182 = arith.constant 0 : i32
    %dma_start3A_183 = tpu.memref_slice %arg4[%dma_start3A_181, %dma_start3A_182] : memref<1000000x32xf32, #tpu.memory_space<hbm>> -> memref<1000000x32xf32, #tpu.memory_space<hbm>>
    tpu.enqueue_indirect_dma source(%dma_start3A_183 : memref<1000000x32xf32, #tpu.memory_space<hbm>>) target(%dma_start3A_177 : memref<64x32xf32, #tpu.memory_space<vmem>>) offsets(%dma_start3A_180 : memref<64xi32, #tpu.memory_space<vmem>>) semaphore(%arg13 : memref<!tpu.dma_semaphore, #tpu.memory_space<semaphore_mem>>)
    %dma_start3A_184 = arith.constant 18 : i32
    %dma_start3A_185 = arith.constant 1152 : i32
    %dma_start3A_186 = arith.constant 0 : i32
    %dma_start3A_187 = tpu.memref_slice %arg8[%dma_start3A_185, %dma_start3A_186] : memref<1280x32xf32, #tpu.memory_space<vmem>> -> memref<64x32xf32, #tpu.memory_space<vmem>>
    %dma_start3A_188 = arith.constant 0 : i32
    %dma_start3A_189 = tpu.memref_slice %arg6[%dma_start3A_184, %dma_start3A_188] : memref<20x64xi32, #tpu.memory_space<vmem>> -> memref<1x64xi32, #tpu.memory_space<vmem>>
    %dma_start3A_190 = tpu.memref_squeeze %dma_start3A_189 : memref<1x64xi32, #tpu.memory_space<vmem>> -> memref<64xi32, #tpu.memory_space<vmem>>
    %dma_start3A_191 = arith.constant 0 : i32
    %dma_start3A_192 = arith.constant 0 : i32
    %dma_start3A_193 = tpu.memref_slice %arg4[%dma_start3A_191, %dma_start3A_192] : memref<1000000x32xf32, #tpu.memory_space<hbm>> -> memref<1000000x32xf32, #tpu.memory_space<hbm>>
    tpu.enqueue_indirect_dma source(%dma_start3A_193 : memref<1000000x32xf32, #tpu.memory_space<hbm>>) target(%dma_start3A_187 : memref<64x32xf32, #tpu.memory_space<vmem>>) offsets(%dma_start3A_190 : memref<64xi32, #tpu.memory_space<vmem>>) semaphore(%arg13 : memref<!tpu.dma_semaphore, #tpu.memory_space<semaphore_mem>>)
    %dma_start3A_194 = arith.constant 19 : i32
    %dma_start3A_195 = arith.constant 1216 : i32
    %dma_start3A_196 = arith.constant 0 : i32
    %dma_start3A_197 = tpu.memref_slice %arg8[%dma_start3A_195, %dma_start3A_196] : memref<1280x32xf32, #tpu.memory_space<vmem>> -> memref<64x32xf32, #tpu.memory_space<vmem>>
    %dma_start3A_198 = arith.constant 0 : i32
    %dma_start3A_199 = tpu.memref_slice %arg6[%dma_start3A_194, %dma_start3A_198] : memref<20x64xi32, #tpu.memory_space<vmem>> -> memref<1x64xi32, #tpu.memory_space<vmem>>
    %dma_start3A_200 = tpu.memref_squeeze %dma_start3A_199 : memref<1x64xi32, #tpu.memory_space<vmem>> -> memref<64xi32, #tpu.memory_space<vmem>>
    %dma_start3A_201 = arith.constant 0 : i32
    %dma_start3A_202 = arith.constant 0 : i32
    %dma_start3A_203 = tpu.memref_slice %arg4[%dma_start3A_201, %dma_start3A_202] : memref<1000000x32xf32, #tpu.memory_space<hbm>> -> memref<1000000x32xf32, #tpu.memory_space<hbm>>
    tpu.enqueue_indirect_dma source(%dma_start3A_203 : memref<1000000x32xf32, #tpu.memory_space<hbm>>) target(%dma_start3A_197 : memref<64x32xf32, #tpu.memory_space<vmem>>) offsets(%dma_start3A_200 : memref<64xi32, #tpu.memory_space<vmem>>) semaphore(%arg13 : memref<!tpu.dma_semaphore, #tpu.memory_space<semaphore_mem>>)
    "tpu.region"() ({
      %run_scoped3A = tpu.sem_alloc : memref<!tpu.dma_semaphore, #tpu.memory_space<semaphore_mem>>
      %dma_start3A_209 = arith.constant 0 : i32
      %dma_start3A_210 = tpu.memref_slice %arg3[%dma_start3A_209, %add3A_4] : memref<20x16384xf32, #tpu.memory_space<hbm>> -> memref<20x64xf32, #tpu.memory_space<hbm>>
      %dma_start3A_211 = arith.constant 0 : i32
      %dma_start3A_212 = tpu.memref_slice %arg3[%dma_start3A_211, %add3A_4] : memref<20x16384xf32, #tpu.memory_space<hbm>> -> memref<20x64xf32, #tpu.memory_space<hbm>>
      tpu.enqueue_dma source(%dma_start3A_212 : memref<20x64xf32, #tpu.memory_space<hbm>>) target(%arg10 : memref<20x64xf32, #tpu.memory_space<vmem>>) target_semaphore(%run_scoped3A : memref<!tpu.dma_semaphore, #tpu.memory_space<semaphore_mem>>)
      %dma_wait3A = arith.constant 0 : i32
      %dma_wait3A_213 = tpu.memref_slice %arg3[%dma_wait3A, %add3A_4] : memref<20x16384xf32, #tpu.memory_space<hbm>> -> memref<20x64xf32, #tpu.memory_space<hbm>>
      %dma_wait3A_214 = arith.constant 0 : i32
      %dma_wait3A_215 = tpu.memref_slice %arg3[%dma_wait3A_214, %add3A_4] : memref<20x16384xf32, #tpu.memory_space<hbm>> -> memref<20x64xf32, #tpu.memory_space<hbm>>
      tpu.wait_dma2 semaphore(%run_scoped3A : memref<!tpu.dma_semaphore, #tpu.memory_space<semaphore_mem>>) src(%dma_wait3A_215 : memref<20x64xf32, #tpu.memory_space<hbm>>) dst(%arg10 : memref<20x64xf32, #tpu.memory_space<vmem>>)
      tpu.yield
    }) : () -> ()
    %scan3A = arith.constant 0 : i32
    %scan3A_204 = arith.constant 0 : i32
    %scan3A_205 = arith.constant 4 : i32
    %scan3A_206 = arith.addi %scan3A_204, %scan3A_205 : i32
    %scan3A_207 = arith.constant 1 : i32
    scf.for %scan3A_209 = %scan3A_204 to %scan3A_206 step %scan3A_207  : i32 {
      %mul3A_210 = arith.constant 2 : i32
      %mul3A_211 = arith.muli %scan3A_209, %mul3A_210 : i32
      %add3A_212 = arith.constant 0 : i32
      %add3A_213 = arith.addi %mul3A_211, %add3A_212 : i32
      %add3A_214 = arith.constant 1 : i32
      %add3A_215 = arith.addi %add3A_213, %add3A_214 : i32
      %lt3A = arith.constant 8 : i32
      %lt3A_216 = arith.cmpi slt, %add3A_215, %lt3A : i32
      %convert_element_type3A = arith.extui %lt3A_216 : i1 to i32
      %cond3A = arith.constant 0 : i32
      %cond3A_217 = arith.cmpi ne, %convert_element_type3A, %cond3A : i32
      scf.if %cond3A_217 {
        %add3A_694 = arith.constant 1 : i32
        %add3A_695 = arith.addi %add3A_213, %add3A_694 : i32
        %mul3A_696 = arith.constant 512 : i32
        %mul3A_697 = arith.muli %add3A, %mul3A_696 : i32
        %mul3A_698 = arith.constant 64 : i32
        %mul3A_699 = arith.muli %add3A_695, %mul3A_698 : i32
        %add3A_700 = arith.addi %mul3A_697, %mul3A_699 : i32
        "tpu.region"() ({
          %run_scoped3A = tpu.sem_alloc : memref<!tpu.dma_semaphore, #tpu.memory_space<semaphore_mem>>
          %dma_start3A_901 = arith.constant 0 : i32
          %dma_start3A_902 = tpu.memref_slice %arg2[%dma_start3A_901, %add3A_700] : memref<20x16384xi32, #tpu.memory_space<hbm>> -> memref<20x64xi32, #tpu.memory_space<hbm>>
          %dma_start3A_903 = arith.constant 0 : i32
          %dma_start3A_904 = tpu.memref_slice %arg2[%dma_start3A_903, %add3A_700] : memref<20x16384xi32, #tpu.memory_space<hbm>> -> memref<20x64xi32, #tpu.memory_space<hbm>>
          tpu.enqueue_dma source(%dma_start3A_904 : memref<20x64xi32, #tpu.memory_space<hbm>>) target(%arg7 : memref<20x64xi32, #tpu.memory_space<vmem>>) target_semaphore(%run_scoped3A : memref<!tpu.dma_semaphore, #tpu.memory_space<semaphore_mem>>)
          %dma_wait3A_905 = arith.constant 0 : i32
          %dma_wait3A_906 = tpu.memref_slice %arg2[%dma_wait3A_905, %add3A_700] : memref<20x16384xi32, #tpu.memory_space<hbm>> -> memref<20x64xi32, #tpu.memory_space<hbm>>
          %dma_wait3A_907 = arith.constant 0 : i32
          %dma_wait3A_908 = tpu.memref_slice %arg2[%dma_wait3A_907, %add3A_700] : memref<20x16384xi32, #tpu.memory_space<hbm>> -> memref<20x64xi32, #tpu.memory_space<hbm>>
          tpu.wait_dma2 semaphore(%run_scoped3A : memref<!tpu.dma_semaphore, #tpu.memory_space<semaphore_mem>>) src(%dma_wait3A_908 : memref<20x64xi32, #tpu.memory_space<hbm>>) dst(%arg7 : memref<20x64xi32, #tpu.memory_space<vmem>>)
          tpu.yield
        }) : () -> ()
        %dma_start3A_701 = arith.constant 0 : i32
        %dma_start3A_702 = arith.constant 0 : i32
        %dma_start3A_703 = arith.constant 0 : i32
        %dma_start3A_704 = tpu.memref_slice %arg9[%dma_start3A_702, %dma_start3A_703] : memref<1280x32xf32, #tpu.memory_space<vmem>> -> memref<64x32xf32, #tpu.memory_space<vmem>>
        %dma_start3A_705 = arith.constant 0 : i32
        %dma_start3A_706 = tpu.memref_slice %arg7[%dma_start3A_701, %dma_start3A_705] : memref<20x64xi32, #tpu.memory_space<vmem>> -> memref<1x64xi32, #tpu.memory_space<vmem>>
        %dma_start3A_707 = tpu.memref_squeeze %dma_start3A_706 : memref<1x64xi32, #tpu.memory_space<vmem>> -> memref<64xi32, #tpu.memory_space<vmem>>
        %dma_start3A_708 = arith.constant 0 : i32
        %dma_start3A_709 = arith.constant 0 : i32
        %dma_start3A_710 = tpu.memref_slice %arg4[%dma_start3A_708, %dma_start3A_709] : memref<1000000x32xf32, #tpu.memory_space<hbm>> -> memref<1000000x32xf32, #tpu.memory_space<hbm>>
        tpu.enqueue_indirect_dma source(%dma_start3A_710 : memref<1000000x32xf32, #tpu.memory_space<hbm>>) target(%dma_start3A_704 : memref<64x32xf32, #tpu.memory_space<vmem>>) offsets(%dma_start3A_707 : memref<64xi32, #tpu.memory_space<vmem>>) semaphore(%arg14 : memref<!tpu.dma_semaphore, #tpu.memory_space<semaphore_mem>>)
        %dma_start3A_711 = arith.constant 1 : i32
        %dma_start3A_712 = arith.constant 64 : i32
        %dma_start3A_713 = arith.constant 0 : i32
        %dma_start3A_714 = tpu.memref_slice %arg9[%dma_start3A_712, %dma_start3A_713] : memref<1280x32xf32, #tpu.memory_space<vmem>> -> memref<64x32xf32, #tpu.memory_space<vmem>>
        %dma_start3A_715 = arith.constant 0 : i32
        %dma_start3A_716 = tpu.memref_slice %arg7[%dma_start3A_711, %dma_start3A_715] : memref<20x64xi32, #tpu.memory_space<vmem>> -> memref<1x64xi32, #tpu.memory_space<vmem>>
        %dma_start3A_717 = tpu.memref_squeeze %dma_start3A_716 : memref<1x64xi32, #tpu.memory_space<vmem>> -> memref<64xi32, #tpu.memory_space<vmem>>
        %dma_start3A_718 = arith.constant 0 : i32
        %dma_start3A_719 = arith.constant 0 : i32
        %dma_start3A_720 = tpu.memref_slice %arg4[%dma_start3A_718, %dma_start3A_719] : memref<1000000x32xf32, #tpu.memory_space<hbm>> -> memref<1000000x32xf32, #tpu.memory_space<hbm>>
        tpu.enqueue_indirect_dma source(%dma_start3A_720 : memref<1000000x32xf32, #tpu.memory_space<hbm>>) target(%dma_start3A_714 : memref<64x32xf32, #tpu.memory_space<vmem>>) offsets(%dma_start3A_717 : memref<64xi32, #tpu.memory_space<vmem>>) semaphore(%arg14 : memref<!tpu.dma_semaphore, #tpu.memory_space<semaphore_mem>>)
        %dma_start3A_721 = arith.constant 2 : i32
        %dma_start3A_722 = arith.constant 128 : i32
        %dma_start3A_723 = arith.constant 0 : i32
        %dma_start3A_724 = tpu.memref_slice %arg9[%dma_start3A_722, %dma_start3A_723] : memref<1280x32xf32, #tpu.memory_space<vmem>> -> memref<64x32xf32, #tpu.memory_space<vmem>>
        %dma_start3A_725 = arith.constant 0 : i32
        %dma_start3A_726 = tpu.memref_slice %arg7[%dma_start3A_721, %dma_start3A_725] : memref<20x64xi32, #tpu.memory_space<vmem>> -> memref<1x64xi32, #tpu.memory_space<vmem>>
        %dma_start3A_727 = tpu.memref_squeeze %dma_start3A_726 : memref<1x64xi32, #tpu.memory_space<vmem>> -> memref<64xi32, #tpu.memory_space<vmem>>
        %dma_start3A_728 = arith.constant 0 : i32
        %dma_start3A_729 = arith.constant 0 : i32
        %dma_start3A_730 = tpu.memref_slice %arg4[%dma_start3A_728, %dma_start3A_729] : memref<1000000x32xf32, #tpu.memory_space<hbm>> -> memref<1000000x32xf32, #tpu.memory_space<hbm>>
        tpu.enqueue_indirect_dma source(%dma_start3A_730 : memref<1000000x32xf32, #tpu.memory_space<hbm>>) target(%dma_start3A_724 : memref<64x32xf32, #tpu.memory_space<vmem>>) offsets(%dma_start3A_727 : memref<64xi32, #tpu.memory_space<vmem>>) semaphore(%arg14 : memref<!tpu.dma_semaphore, #tpu.memory_space<semaphore_mem>>)
        %dma_start3A_731 = arith.constant 3 : i32
        %dma_start3A_732 = arith.constant 192 : i32
        %dma_start3A_733 = arith.constant 0 : i32
        %dma_start3A_734 = tpu.memref_slice %arg9[%dma_start3A_732, %dma_start3A_733] : memref<1280x32xf32, #tpu.memory_space<vmem>> -> memref<64x32xf32, #tpu.memory_space<vmem>>
        %dma_start3A_735 = arith.constant 0 : i32
        %dma_start3A_736 = tpu.memref_slice %arg7[%dma_start3A_731, %dma_start3A_735] : memref<20x64xi32, #tpu.memory_space<vmem>> -> memref<1x64xi32, #tpu.memory_space<vmem>>
        %dma_start3A_737 = tpu.memref_squeeze %dma_start3A_736 : memref<1x64xi32, #tpu.memory_space<vmem>> -> memref<64xi32, #tpu.memory_space<vmem>>
        %dma_start3A_738 = arith.constant 0 : i32
        %dma_start3A_739 = arith.constant 0 : i32
        %dma_start3A_740 = tpu.memref_slice %arg4[%dma_start3A_738, %dma_start3A_739] : memref<1000000x32xf32, #tpu.memory_space<hbm>> -> memref<1000000x32xf32, #tpu.memory_space<hbm>>
        tpu.enqueue_indirect_dma source(%dma_start3A_740 : memref<1000000x32xf32, #tpu.memory_space<hbm>>) target(%dma_start3A_734 : memref<64x32xf32, #tpu.memory_space<vmem>>) offsets(%dma_start3A_737 : memref<64xi32, #tpu.memory_space<vmem>>) semaphore(%arg14 : memref<!tpu.dma_semaphore, #tpu.memory_space<semaphore_mem>>)
        %dma_start3A_741 = arith.constant 4 : i32
        %dma_start3A_742 = arith.constant 256 : i32
        %dma_start3A_743 = arith.constant 0 : i32
        %dma_start3A_744 = tpu.memref_slice %arg9[%dma_start3A_742, %dma_start3A_743] : memref<1280x32xf32, #tpu.memory_space<vmem>> -> memref<64x32xf32, #tpu.memory_space<vmem>>
        %dma_start3A_745 = arith.constant 0 : i32
        %dma_start3A_746 = tpu.memref_slice %arg7[%dma_start3A_741, %dma_start3A_745] : memref<20x64xi32, #tpu.memory_space<vmem>> -> memref<1x64xi32, #tpu.memory_space<vmem>>
        %dma_start3A_747 = tpu.memref_squeeze %dma_start3A_746 : memref<1x64xi32, #tpu.memory_space<vmem>> -> memref<64xi32, #tpu.memory_space<vmem>>
        %dma_start3A_748 = arith.constant 0 : i32
        %dma_start3A_749 = arith.constant 0 : i32
        %dma_start3A_750 = tpu.memref_slice %arg4[%dma_start3A_748, %dma_start3A_749] : memref<1000000x32xf32, #tpu.memory_space<hbm>> -> memref<1000000x32xf32, #tpu.memory_space<hbm>>
        tpu.enqueue_indirect_dma source(%dma_start3A_750 : memref<1000000x32xf32, #tpu.memory_space<hbm>>) target(%dma_start3A_744 : memref<64x32xf32, #tpu.memory_space<vmem>>) offsets(%dma_start3A_747 : memref<64xi32, #tpu.memory_space<vmem>>) semaphore(%arg14 : memref<!tpu.dma_semaphore, #tpu.memory_space<semaphore_mem>>)
        %dma_start3A_751 = arith.constant 5 : i32
        %dma_start3A_752 = arith.constant 320 : i32
        %dma_start3A_753 = arith.constant 0 : i32
        %dma_start3A_754 = tpu.memref_slice %arg9[%dma_start3A_752, %dma_start3A_753] : memref<1280x32xf32, #tpu.memory_space<vmem>> -> memref<64x32xf32, #tpu.memory_space<vmem>>
        %dma_start3A_755 = arith.constant 0 : i32
        %dma_start3A_756 = tpu.memref_slice %arg7[%dma_start3A_751, %dma_start3A_755] : memref<20x64xi32, #tpu.memory_space<vmem>> -> memref<1x64xi32, #tpu.memory_space<vmem>>
        %dma_start3A_757 = tpu.memref_squeeze %dma_start3A_756 : memref<1x64xi32, #tpu.memory_space<vmem>> -> memref<64xi32, #tpu.memory_space<vmem>>
        %dma_start3A_758 = arith.constant 0 : i32
        %dma_start3A_759 = arith.constant 0 : i32
        %dma_start3A_760 = tpu.memref_slice %arg4[%dma_start3A_758, %dma_start3A_759] : memref<1000000x32xf32, #tpu.memory_space<hbm>> -> memref<1000000x32xf32, #tpu.memory_space<hbm>>
        tpu.enqueue_indirect_dma source(%dma_start3A_760 : memref<1000000x32xf32, #tpu.memory_space<hbm>>) target(%dma_start3A_754 : memref<64x32xf32, #tpu.memory_space<vmem>>) offsets(%dma_start3A_757 : memref<64xi32, #tpu.memory_space<vmem>>) semaphore(%arg14 : memref<!tpu.dma_semaphore, #tpu.memory_space<semaphore_mem>>)
        %dma_start3A_761 = arith.constant 6 : i32
        %dma_start3A_762 = arith.constant 384 : i32
        %dma_start3A_763 = arith.constant 0 : i32
        %dma_start3A_764 = tpu.memref_slice %arg9[%dma_start3A_762, %dma_start3A_763] : memref<1280x32xf32, #tpu.memory_space<vmem>> -> memref<64x32xf32, #tpu.memory_space<vmem>>
        %dma_start3A_765 = arith.constant 0 : i32
        %dma_start3A_766 = tpu.memref_slice %arg7[%dma_start3A_761, %dma_start3A_765] : memref<20x64xi32, #tpu.memory_space<vmem>> -> memref<1x64xi32, #tpu.memory_space<vmem>>
        %dma_start3A_767 = tpu.memref_squeeze %dma_start3A_766 : memref<1x64xi32, #tpu.memory_space<vmem>> -> memref<64xi32, #tpu.memory_space<vmem>>
        %dma_start3A_768 = arith.constant 0 : i32
        %dma_start3A_769 = arith.constant 0 : i32
        %dma_start3A_770 = tpu.memref_slice %arg4[%dma_start3A_768, %dma_start3A_769] : memref<1000000x32xf32, #tpu.memory_space<hbm>> -> memref<1000000x32xf32, #tpu.memory_space<hbm>>
        tpu.enqueue_indirect_dma source(%dma_start3A_770 : memref<1000000x32xf32, #tpu.memory_space<hbm>>) target(%dma_start3A_764 : memref<64x32xf32, #tpu.memory_space<vmem>>) offsets(%dma_start3A_767 : memref<64xi32, #tpu.memory_space<vmem>>) semaphore(%arg14 : memref<!tpu.dma_semaphore, #tpu.memory_space<semaphore_mem>>)
        %dma_start3A_771 = arith.constant 7 : i32
        %dma_start3A_772 = arith.constant 448 : i32
        %dma_start3A_773 = arith.constant 0 : i32
        %dma_start3A_774 = tpu.memref_slice %arg9[%dma_start3A_772, %dma_start3A_773] : memref<1280x32xf32, #tpu.memory_space<vmem>> -> memref<64x32xf32, #tpu.memory_space<vmem>>
        %dma_start3A_775 = arith.constant 0 : i32
        %dma_start3A_776 = tpu.memref_slice %arg7[%dma_start3A_771, %dma_start3A_775] : memref<20x64xi32, #tpu.memory_space<vmem>> -> memref<1x64xi32, #tpu.memory_space<vmem>>
        %dma_start3A_777 = tpu.memref_squeeze %dma_start3A_776 : memref<1x64xi32, #tpu.memory_space<vmem>> -> memref<64xi32, #tpu.memory_space<vmem>>
        %dma_start3A_778 = arith.constant 0 : i32
        %dma_start3A_779 = arith.constant 0 : i32
        %dma_start3A_780 = tpu.memref_slice %arg4[%dma_start3A_778, %dma_start3A_779] : memref<1000000x32xf32, #tpu.memory_space<hbm>> -> memref<1000000x32xf32, #tpu.memory_space<hbm>>
        tpu.enqueue_indirect_dma source(%dma_start3A_780 : memref<1000000x32xf32, #tpu.memory_space<hbm>>) target(%dma_start3A_774 : memref<64x32xf32, #tpu.memory_space<vmem>>) offsets(%dma_start3A_777 : memref<64xi32, #tpu.memory_space<vmem>>) semaphore(%arg14 : memref<!tpu.dma_semaphore, #tpu.memory_space<semaphore_mem>>)
        %dma_start3A_781 = arith.constant 8 : i32
        %dma_start3A_782 = arith.constant 512 : i32
        %dma_start3A_783 = arith.constant 0 : i32
        %dma_start3A_784 = tpu.memref_slice %arg9[%dma_start3A_782, %dma_start3A_783] : memref<1280x32xf32, #tpu.memory_space<vmem>> -> memref<64x32xf32, #tpu.memory_space<vmem>>
        %dma_start3A_785 = arith.constant 0 : i32
        %dma_start3A_786 = tpu.memref_slice %arg7[%dma_start3A_781, %dma_start3A_785] : memref<20x64xi32, #tpu.memory_space<vmem>> -> memref<1x64xi32, #tpu.memory_space<vmem>>
        %dma_start3A_787 = tpu.memref_squeeze %dma_start3A_786 : memref<1x64xi32, #tpu.memory_space<vmem>> -> memref<64xi32, #tpu.memory_space<vmem>>
        %dma_start3A_788 = arith.constant 0 : i32
        %dma_start3A_789 = arith.constant 0 : i32
        %dma_start3A_790 = tpu.memref_slice %arg4[%dma_start3A_788, %dma_start3A_789] : memref<1000000x32xf32, #tpu.memory_space<hbm>> -> memref<1000000x32xf32, #tpu.memory_space<hbm>>
        tpu.enqueue_indirect_dma source(%dma_start3A_790 : memref<1000000x32xf32, #tpu.memory_space<hbm>>) target(%dma_start3A_784 : memref<64x32xf32, #tpu.memory_space<vmem>>) offsets(%dma_start3A_787 : memref<64xi32, #tpu.memory_space<vmem>>) semaphore(%arg14 : memref<!tpu.dma_semaphore, #tpu.memory_space<semaphore_mem>>)
        %dma_start3A_791 = arith.constant 9 : i32
        %dma_start3A_792 = arith.constant 576 : i32
        %dma_start3A_793 = arith.constant 0 : i32
        %dma_start3A_794 = tpu.memref_slice %arg9[%dma_start3A_792, %dma_start3A_793] : memref<1280x32xf32, #tpu.memory_space<vmem>> -> memref<64x32xf32, #tpu.memory_space<vmem>>
        %dma_start3A_795 = arith.constant 0 : i32
        %dma_start3A_796 = tpu.memref_slice %arg7[%dma_start3A_791, %dma_start3A_795] : memref<20x64xi32, #tpu.memory_space<vmem>> -> memref<1x64xi32, #tpu.memory_space<vmem>>
        %dma_start3A_797 = tpu.memref_squeeze %dma_start3A_796 : memref<1x64xi32, #tpu.memory_space<vmem>> -> memref<64xi32, #tpu.memory_space<vmem>>
        %dma_start3A_798 = arith.constant 0 : i32
        %dma_start3A_799 = arith.constant 0 : i32
        %dma_start3A_800 = tpu.memref_slice %arg4[%dma_start3A_798, %dma_start3A_799] : memref<1000000x32xf32, #tpu.memory_space<hbm>> -> memref<1000000x32xf32, #tpu.memory_space<hbm>>
        tpu.enqueue_indirect_dma source(%dma_start3A_800 : memref<1000000x32xf32, #tpu.memory_space<hbm>>) target(%dma_start3A_794 : memref<64x32xf32, #tpu.memory_space<vmem>>) offsets(%dma_start3A_797 : memref<64xi32, #tpu.memory_space<vmem>>) semaphore(%arg14 : memref<!tpu.dma_semaphore, #tpu.memory_space<semaphore_mem>>)
        %dma_start3A_801 = arith.constant 10 : i32
        %dma_start3A_802 = arith.constant 640 : i32
        %dma_start3A_803 = arith.constant 0 : i32
        %dma_start3A_804 = tpu.memref_slice %arg9[%dma_start3A_802, %dma_start3A_803] : memref<1280x32xf32, #tpu.memory_space<vmem>> -> memref<64x32xf32, #tpu.memory_space<vmem>>
        %dma_start3A_805 = arith.constant 0 : i32
        %dma_start3A_806 = tpu.memref_slice %arg7[%dma_start3A_801, %dma_start3A_805] : memref<20x64xi32, #tpu.memory_space<vmem>> -> memref<1x64xi32, #tpu.memory_space<vmem>>
        %dma_start3A_807 = tpu.memref_squeeze %dma_start3A_806 : memref<1x64xi32, #tpu.memory_space<vmem>> -> memref<64xi32, #tpu.memory_space<vmem>>
        %dma_start3A_808 = arith.constant 0 : i32
        %dma_start3A_809 = arith.constant 0 : i32
        %dma_start3A_810 = tpu.memref_slice %arg4[%dma_start3A_808, %dma_start3A_809] : memref<1000000x32xf32, #tpu.memory_space<hbm>> -> memref<1000000x32xf32, #tpu.memory_space<hbm>>
        tpu.enqueue_indirect_dma source(%dma_start3A_810 : memref<1000000x32xf32, #tpu.memory_space<hbm>>) target(%dma_start3A_804 : memref<64x32xf32, #tpu.memory_space<vmem>>) offsets(%dma_start3A_807 : memref<64xi32, #tpu.memory_space<vmem>>) semaphore(%arg14 : memref<!tpu.dma_semaphore, #tpu.memory_space<semaphore_mem>>)
        %dma_start3A_811 = arith.constant 11 : i32
        %dma_start3A_812 = arith.constant 704 : i32
        %dma_start3A_813 = arith.constant 0 : i32
        %dma_start3A_814 = tpu.memref_slice %arg9[%dma_start3A_812, %dma_start3A_813] : memref<1280x32xf32, #tpu.memory_space<vmem>> -> memref<64x32xf32, #tpu.memory_space<vmem>>
        %dma_start3A_815 = arith.constant 0 : i32
        %dma_start3A_816 = tpu.memref_slice %arg7[%dma_start3A_811, %dma_start3A_815] : memref<20x64xi32, #tpu.memory_space<vmem>> -> memref<1x64xi32, #tpu.memory_space<vmem>>
        %dma_start3A_817 = tpu.memref_squeeze %dma_start3A_816 : memref<1x64xi32, #tpu.memory_space<vmem>> -> memref<64xi32, #tpu.memory_space<vmem>>
        %dma_start3A_818 = arith.constant 0 : i32
        %dma_start3A_819 = arith.constant 0 : i32
        %dma_start3A_820 = tpu.memref_slice %arg4[%dma_start3A_818, %dma_start3A_819] : memref<1000000x32xf32, #tpu.memory_space<hbm>> -> memref<1000000x32xf32, #tpu.memory_space<hbm>>
        tpu.enqueue_indirect_dma source(%dma_start3A_820 : memref<1000000x32xf32, #tpu.memory_space<hbm>>) target(%dma_start3A_814 : memref<64x32xf32, #tpu.memory_space<vmem>>) offsets(%dma_start3A_817 : memref<64xi32, #tpu.memory_space<vmem>>) semaphore(%arg14 : memref<!tpu.dma_semaphore, #tpu.memory_space<semaphore_mem>>)
        %dma_start3A_821 = arith.constant 12 : i32
        %dma_start3A_822 = arith.constant 768 : i32
        %dma_start3A_823 = arith.constant 0 : i32
        %dma_start3A_824 = tpu.memref_slice %arg9[%dma_start3A_822, %dma_start3A_823] : memref<1280x32xf32, #tpu.memory_space<vmem>> -> memref<64x32xf32, #tpu.memory_space<vmem>>
        %dma_start3A_825 = arith.constant 0 : i32
        %dma_start3A_826 = tpu.memref_slice %arg7[%dma_start3A_821, %dma_start3A_825] : memref<20x64xi32, #tpu.memory_space<vmem>> -> memref<1x64xi32, #tpu.memory_space<vmem>>
        %dma_start3A_827 = tpu.memref_squeeze %dma_start3A_826 : memref<1x64xi32, #tpu.memory_space<vmem>> -> memref<64xi32, #tpu.memory_space<vmem>>
        %dma_start3A_828 = arith.constant 0 : i32
        %dma_start3A_829 = arith.constant 0 : i32
        %dma_start3A_830 = tpu.memref_slice %arg4[%dma_start3A_828, %dma_start3A_829] : memref<1000000x32xf32, #tpu.memory_space<hbm>> -> memref<1000000x32xf32, #tpu.memory_space<hbm>>
        tpu.enqueue_indirect_dma source(%dma_start3A_830 : memref<1000000x32xf32, #tpu.memory_space<hbm>>) target(%dma_start3A_824 : memref<64x32xf32, #tpu.memory_space<vmem>>) offsets(%dma_start3A_827 : memref<64xi32, #tpu.memory_space<vmem>>) semaphore(%arg14 : memref<!tpu.dma_semaphore, #tpu.memory_space<semaphore_mem>>)
        %dma_start3A_831 = arith.constant 13 : i32
        %dma_start3A_832 = arith.constant 832 : i32
        %dma_start3A_833 = arith.constant 0 : i32
        %dma_start3A_834 = tpu.memref_slice %arg9[%dma_start3A_832, %dma_start3A_833] : memref<1280x32xf32, #tpu.memory_space<vmem>> -> memref<64x32xf32, #tpu.memory_space<vmem>>
        %dma_start3A_835 = arith.constant 0 : i32
        %dma_start3A_836 = tpu.memref_slice %arg7[%dma_start3A_831, %dma_start3A_835] : memref<20x64xi32, #tpu.memory_space<vmem>> -> memref<1x64xi32, #tpu.memory_space<vmem>>
        %dma_start3A_837 = tpu.memref_squeeze %dma_start3A_836 : memref<1x64xi32, #tpu.memory_space<vmem>> -> memref<64xi32, #tpu.memory_space<vmem>>
        %dma_start3A_838 = arith.constant 0 : i32
        %dma_start3A_839 = arith.constant 0 : i32
        %dma_start3A_840 = tpu.memref_slice %arg4[%dma_start3A_838, %dma_start3A_839] : memref<1000000x32xf32, #tpu.memory_space<hbm>> -> memref<1000000x32xf32, #tpu.memory_space<hbm>>
        tpu.enqueue_indirect_dma source(%dma_start3A_840 : memref<1000000x32xf32, #tpu.memory_space<hbm>>) target(%dma_start3A_834 : memref<64x32xf32, #tpu.memory_space<vmem>>) offsets(%dma_start3A_837 : memref<64xi32, #tpu.memory_space<vmem>>) semaphore(%arg14 : memref<!tpu.dma_semaphore, #tpu.memory_space<semaphore_mem>>)
        %dma_start3A_841 = arith.constant 14 : i32
        %dma_start3A_842 = arith.constant 896 : i32
        %dma_start3A_843 = arith.constant 0 : i32
        %dma_start3A_844 = tpu.memref_slice %arg9[%dma_start3A_842, %dma_start3A_843] : memref<1280x32xf32, #tpu.memory_space<vmem>> -> memref<64x32xf32, #tpu.memory_space<vmem>>
        %dma_start3A_845 = arith.constant 0 : i32
        %dma_start3A_846 = tpu.memref_slice %arg7[%dma_start3A_841, %dma_start3A_845] : memref<20x64xi32, #tpu.memory_space<vmem>> -> memref<1x64xi32, #tpu.memory_space<vmem>>
        %dma_start3A_847 = tpu.memref_squeeze %dma_start3A_846 : memref<1x64xi32, #tpu.memory_space<vmem>> -> memref<64xi32, #tpu.memory_space<vmem>>
        %dma_start3A_848 = arith.constant 0 : i32
        %dma_start3A_849 = arith.constant 0 : i32
        %dma_start3A_850 = tpu.memref_slice %arg4[%dma_start3A_848, %dma_start3A_849] : memref<1000000x32xf32, #tpu.memory_space<hbm>> -> memref<1000000x32xf32, #tpu.memory_space<hbm>>
        tpu.enqueue_indirect_dma source(%dma_start3A_850 : memref<1000000x32xf32, #tpu.memory_space<hbm>>) target(%dma_start3A_844 : memref<64x32xf32, #tpu.memory_space<vmem>>) offsets(%dma_start3A_847 : memref<64xi32, #tpu.memory_space<vmem>>) semaphore(%arg14 : memref<!tpu.dma_semaphore, #tpu.memory_space<semaphore_mem>>)
        %dma_start3A_851 = arith.constant 15 : i32
        %dma_start3A_852 = arith.constant 960 : i32
        %dma_start3A_853 = arith.constant 0 : i32
        %dma_start3A_854 = tpu.memref_slice %arg9[%dma_start3A_852, %dma_start3A_853] : memref<1280x32xf32, #tpu.memory_space<vmem>> -> memref<64x32xf32, #tpu.memory_space<vmem>>
        %dma_start3A_855 = arith.constant 0 : i32
        %dma_start3A_856 = tpu.memref_slice %arg7[%dma_start3A_851, %dma_start3A_855] : memref<20x64xi32, #tpu.memory_space<vmem>> -> memref<1x64xi32, #tpu.memory_space<vmem>>
        %dma_start3A_857 = tpu.memref_squeeze %dma_start3A_856 : memref<1x64xi32, #tpu.memory_space<vmem>> -> memref<64xi32, #tpu.memory_space<vmem>>
        %dma_start3A_858 = arith.constant 0 : i32
        %dma_start3A_859 = arith.constant 0 : i32
        %dma_start3A_860 = tpu.memref_slice %arg4[%dma_start3A_858, %dma_start3A_859] : memref<1000000x32xf32, #tpu.memory_space<hbm>> -> memref<1000000x32xf32, #tpu.memory_space<hbm>>
        tpu.enqueue_indirect_dma source(%dma_start3A_860 : memref<1000000x32xf32, #tpu.memory_space<hbm>>) target(%dma_start3A_854 : memref<64x32xf32, #tpu.memory_space<vmem>>) offsets(%dma_start3A_857 : memref<64xi32, #tpu.memory_space<vmem>>) semaphore(%arg14 : memref<!tpu.dma_semaphore, #tpu.memory_space<semaphore_mem>>)
        %dma_start3A_861 = arith.constant 16 : i32
        %dma_start3A_862 = arith.constant 1024 : i32
        %dma_start3A_863 = arith.constant 0 : i32
        %dma_start3A_864 = tpu.memref_slice %arg9[%dma_start3A_862, %dma_start3A_863] : memref<1280x32xf32, #tpu.memory_space<vmem>> -> memref<64x32xf32, #tpu.memory_space<vmem>>
        %dma_start3A_865 = arith.constant 0 : i32
        %dma_start3A_866 = tpu.memref_slice %arg7[%dma_start3A_861, %dma_start3A_865] : memref<20x64xi32, #tpu.memory_space<vmem>> -> memref<1x64xi32, #tpu.memory_space<vmem>>
        %dma_start3A_867 = tpu.memref_squeeze %dma_start3A_866 : memref<1x64xi32, #tpu.memory_space<vmem>> -> memref<64xi32, #tpu.memory_space<vmem>>
        %dma_start3A_868 = arith.constant 0 : i32
        %dma_start3A_869 = arith.constant 0 : i32
        %dma_start3A_870 = tpu.memref_slice %arg4[%dma_start3A_868, %dma_start3A_869] : memref<1000000x32xf32, #tpu.memory_space<hbm>> -> memref<1000000x32xf32, #tpu.memory_space<hbm>>
        tpu.enqueue_indirect_dma source(%dma_start3A_870 : memref<1000000x32xf32, #tpu.memory_space<hbm>>) target(%dma_start3A_864 : memref<64x32xf32, #tpu.memory_space<vmem>>) offsets(%dma_start3A_867 : memref<64xi32, #tpu.memory_space<vmem>>) semaphore(%arg14 : memref<!tpu.dma_semaphore, #tpu.memory_space<semaphore_mem>>)
        %dma_start3A_871 = arith.constant 17 : i32
        %dma_start3A_872 = arith.constant 1088 : i32
        %dma_start3A_873 = arith.constant 0 : i32
        %dma_start3A_874 = tpu.memref_slice %arg9[%dma_start3A_872, %dma_start3A_873] : memref<1280x32xf32, #tpu.memory_space<vmem>> -> memref<64x32xf32, #tpu.memory_space<vmem>>
        %dma_start3A_875 = arith.constant 0 : i32
        %dma_start3A_876 = tpu.memref_slice %arg7[%dma_start3A_871, %dma_start3A_875] : memref<20x64xi32, #tpu.memory_space<vmem>> -> memref<1x64xi32, #tpu.memory_space<vmem>>
        %dma_start3A_877 = tpu.memref_squeeze %dma_start3A_876 : memref<1x64xi32, #tpu.memory_space<vmem>> -> memref<64xi32, #tpu.memory_space<vmem>>
        %dma_start3A_878 = arith.constant 0 : i32
        %dma_start3A_879 = arith.constant 0 : i32
        %dma_start3A_880 = tpu.memref_slice %arg4[%dma_start3A_878, %dma_start3A_879] : memref<1000000x32xf32, #tpu.memory_space<hbm>> -> memref<1000000x32xf32, #tpu.memory_space<hbm>>
        tpu.enqueue_indirect_dma source(%dma_start3A_880 : memref<1000000x32xf32, #tpu.memory_space<hbm>>) target(%dma_start3A_874 : memref<64x32xf32, #tpu.memory_space<vmem>>) offsets(%dma_start3A_877 : memref<64xi32, #tpu.memory_space<vmem>>) semaphore(%arg14 : memref<!tpu.dma_semaphore, #tpu.memory_space<semaphore_mem>>)
        %dma_start3A_881 = arith.constant 18 : i32
        %dma_start3A_882 = arith.constant 1152 : i32
        %dma_start3A_883 = arith.constant 0 : i32
        %dma_start3A_884 = tpu.memref_slice %arg9[%dma_start3A_882, %dma_start3A_883] : memref<1280x32xf32, #tpu.memory_space<vmem>> -> memref<64x32xf32, #tpu.memory_space<vmem>>
        %dma_start3A_885 = arith.constant 0 : i32
        %dma_start3A_886 = tpu.memref_slice %arg7[%dma_start3A_881, %dma_start3A_885] : memref<20x64xi32, #tpu.memory_space<vmem>> -> memref<1x64xi32, #tpu.memory_space<vmem>>
        %dma_start3A_887 = tpu.memref_squeeze %dma_start3A_886 : memref<1x64xi32, #tpu.memory_space<vmem>> -> memref<64xi32, #tpu.memory_space<vmem>>
        %dma_start3A_888 = arith.constant 0 : i32
        %dma_start3A_889 = arith.constant 0 : i32
        %dma_start3A_890 = tpu.memref_slice %arg4[%dma_start3A_888, %dma_start3A_889] : memref<1000000x32xf32, #tpu.memory_space<hbm>> -> memref<1000000x32xf32, #tpu.memory_space<hbm>>
        tpu.enqueue_indirect_dma source(%dma_start3A_890 : memref<1000000x32xf32, #tpu.memory_space<hbm>>) target(%dma_start3A_884 : memref<64x32xf32, #tpu.memory_space<vmem>>) offsets(%dma_start3A_887 : memref<64xi32, #tpu.memory_space<vmem>>) semaphore(%arg14 : memref<!tpu.dma_semaphore, #tpu.memory_space<semaphore_mem>>)
        %dma_start3A_891 = arith.constant 19 : i32
        %dma_start3A_892 = arith.constant 1216 : i32
        %dma_start3A_893 = arith.constant 0 : i32
        %dma_start3A_894 = tpu.memref_slice %arg9[%dma_start3A_892, %dma_start3A_893] : memref<1280x32xf32, #tpu.memory_space<vmem>> -> memref<64x32xf32, #tpu.memory_space<vmem>>
        %dma_start3A_895 = arith.constant 0 : i32
        %dma_start3A_896 = tpu.memref_slice %arg7[%dma_start3A_891, %dma_start3A_895] : memref<20x64xi32, #tpu.memory_space<vmem>> -> memref<1x64xi32, #tpu.memory_space<vmem>>
        %dma_start3A_897 = tpu.memref_squeeze %dma_start3A_896 : memref<1x64xi32, #tpu.memory_space<vmem>> -> memref<64xi32, #tpu.memory_space<vmem>>
        %dma_start3A_898 = arith.constant 0 : i32
        %dma_start3A_899 = arith.constant 0 : i32
        %dma_start3A_900 = tpu.memref_slice %arg4[%dma_start3A_898, %dma_start3A_899] : memref<1000000x32xf32, #tpu.memory_space<hbm>> -> memref<1000000x32xf32, #tpu.memory_space<hbm>>
        tpu.enqueue_indirect_dma source(%dma_start3A_900 : memref<1000000x32xf32, #tpu.memory_space<hbm>>) target(%dma_start3A_894 : memref<64x32xf32, #tpu.memory_space<vmem>>) offsets(%dma_start3A_897 : memref<64xi32, #tpu.memory_space<vmem>>) semaphore(%arg14 : memref<!tpu.dma_semaphore, #tpu.memory_space<semaphore_mem>>)
        "tpu.region"() ({
          %run_scoped3A = tpu.sem_alloc : memref<!tpu.dma_semaphore, #tpu.memory_space<semaphore_mem>>
          %dma_start3A_901 = arith.constant 0 : i32
          %dma_start3A_902 = tpu.memref_slice %arg3[%dma_start3A_901, %add3A_700] : memref<20x16384xf32, #tpu.memory_space<hbm>> -> memref<20x64xf32, #tpu.memory_space<hbm>>
          %dma_start3A_903 = arith.constant 0 : i32
          %dma_start3A_904 = tpu.memref_slice %arg3[%dma_start3A_903, %add3A_700] : memref<20x16384xf32, #tpu.memory_space<hbm>> -> memref<20x64xf32, #tpu.memory_space<hbm>>
          tpu.enqueue_dma source(%dma_start3A_904 : memref<20x64xf32, #tpu.memory_space<hbm>>) target(%arg11 : memref<20x64xf32, #tpu.memory_space<vmem>>) target_semaphore(%run_scoped3A : memref<!tpu.dma_semaphore, #tpu.memory_space<semaphore_mem>>)
          %dma_wait3A_905 = arith.constant 0 : i32
          %dma_wait3A_906 = tpu.memref_slice %arg3[%dma_wait3A_905, %add3A_700] : memref<20x16384xf32, #tpu.memory_space<hbm>> -> memref<20x64xf32, #tpu.memory_space<hbm>>
          %dma_wait3A_907 = arith.constant 0 : i32
          %dma_wait3A_908 = tpu.memref_slice %arg3[%dma_wait3A_907, %add3A_700] : memref<20x16384xf32, #tpu.memory_space<hbm>> -> memref<20x64xf32, #tpu.memory_space<hbm>>
          tpu.wait_dma2 semaphore(%run_scoped3A : memref<!tpu.dma_semaphore, #tpu.memory_space<semaphore_mem>>) src(%dma_wait3A_908 : memref<20x64xf32, #tpu.memory_space<hbm>>) dst(%arg11 : memref<20x64xf32, #tpu.memory_space<vmem>>)
          tpu.yield
        }) : () -> ()
      } else {
      }
      %dma_wait3A = arith.constant 0 : i32
      %dma_wait3A_218 = arith.constant 0 : i32
      %dma_wait3A_219 = arith.constant 0 : i32
      %dma_wait3A_220 = tpu.memref_slice %arg8[%dma_wait3A_218, %dma_wait3A_219] : memref<1280x32xf32, #tpu.memory_space<vmem>> -> memref<64x32xf32, #tpu.memory_space<vmem>>
      %dma_wait3A_221 = arith.constant 0 : i32
      %dma_wait3A_222 = tpu.memref_slice %arg6[%dma_wait3A, %dma_wait3A_221] : memref<20x64xi32, #tpu.memory_space<vmem>> -> memref<1x64xi32, #tpu.memory_space<vmem>>
      %dma_wait3A_223 = tpu.memref_squeeze %dma_wait3A_222 : memref<1x64xi32, #tpu.memory_space<vmem>> -> memref<64xi32, #tpu.memory_space<vmem>>
      %dma_wait3A_224 = arith.constant 0 : i32
      %dma_wait3A_225 = arith.constant 0 : i32
      %dma_wait3A_226 = tpu.memref_slice %arg4[%dma_wait3A_224, %dma_wait3A_225] : memref<1000000x32xf32, #tpu.memory_space<hbm>> -> memref<1000000x32xf32, #tpu.memory_space<hbm>>
      tpu.wait_indirect_dma semaphore(%arg13 : memref<!tpu.dma_semaphore, #tpu.memory_space<semaphore_mem>>) src(%dma_wait3A_226 : memref<1000000x32xf32, #tpu.memory_space<hbm>>) dst(%dma_wait3A_220 : memref<64x32xf32, #tpu.memory_space<vmem>>)
      %dma_wait3A_227 = arith.constant 1 : i32
      %dma_wait3A_228 = arith.constant 64 : i32
      %dma_wait3A_229 = arith.constant 0 : i32
      %dma_wait3A_230 = tpu.memref_slice %arg8[%dma_wait3A_228, %dma_wait3A_229] : memref<1280x32xf32, #tpu.memory_space<vmem>> -> memref<64x32xf32, #tpu.memory_space<vmem>>
      %dma_wait3A_231 = arith.constant 0 : i32
      %dma_wait3A_232 = tpu.memref_slice %arg6[%dma_wait3A_227, %dma_wait3A_231] : memref<20x64xi32, #tpu.memory_space<vmem>> -> memref<1x64xi32, #tpu.memory_space<vmem>>
      %dma_wait3A_233 = tpu.memref_squeeze %dma_wait3A_232 : memref<1x64xi32, #tpu.memory_space<vmem>> -> memref<64xi32, #tpu.memory_space<vmem>>
      %dma_wait3A_234 = arith.constant 0 : i32
      %dma_wait3A_235 = arith.constant 0 : i32
      %dma_wait3A_236 = tpu.memref_slice %arg4[%dma_wait3A_234, %dma_wait3A_235] : memref<1000000x32xf32, #tpu.memory_space<hbm>> -> memref<1000000x32xf32, #tpu.memory_space<hbm>>
      tpu.wait_indirect_dma semaphore(%arg13 : memref<!tpu.dma_semaphore, #tpu.memory_space<semaphore_mem>>) src(%dma_wait3A_236 : memref<1000000x32xf32, #tpu.memory_space<hbm>>) dst(%dma_wait3A_230 : memref<64x32xf32, #tpu.memory_space<vmem>>)
      %dma_wait3A_237 = arith.constant 2 : i32
      %dma_wait3A_238 = arith.constant 128 : i32
      %dma_wait3A_239 = arith.constant 0 : i32
      %dma_wait3A_240 = tpu.memref_slice %arg8[%dma_wait3A_238, %dma_wait3A_239] : memref<1280x32xf32, #tpu.memory_space<vmem>> -> memref<64x32xf32, #tpu.memory_space<vmem>>
      %dma_wait3A_241 = arith.constant 0 : i32
      %dma_wait3A_242 = tpu.memref_slice %arg6[%dma_wait3A_237, %dma_wait3A_241] : memref<20x64xi32, #tpu.memory_space<vmem>> -> memref<1x64xi32, #tpu.memory_space<vmem>>
      %dma_wait3A_243 = tpu.memref_squeeze %dma_wait3A_242 : memref<1x64xi32, #tpu.memory_space<vmem>> -> memref<64xi32, #tpu.memory_space<vmem>>
      %dma_wait3A_244 = arith.constant 0 : i32
      %dma_wait3A_245 = arith.constant 0 : i32
      %dma_wait3A_246 = tpu.memref_slice %arg4[%dma_wait3A_244, %dma_wait3A_245] : memref<1000000x32xf32, #tpu.memory_space<hbm>> -> memref<1000000x32xf32, #tpu.memory_space<hbm>>
      tpu.wait_indirect_dma semaphore(%arg13 : memref<!tpu.dma_semaphore, #tpu.memory_space<semaphore_mem>>) src(%dma_wait3A_246 : memref<1000000x32xf32, #tpu.memory_space<hbm>>) dst(%dma_wait3A_240 : memref<64x32xf32, #tpu.memory_space<vmem>>)
      %dma_wait3A_247 = arith.constant 3 : i32
      %dma_wait3A_248 = arith.constant 192 : i32
      %dma_wait3A_249 = arith.constant 0 : i32
      %dma_wait3A_250 = tpu.memref_slice %arg8[%dma_wait3A_248, %dma_wait3A_249] : memref<1280x32xf32, #tpu.memory_space<vmem>> -> memref<64x32xf32, #tpu.memory_space<vmem>>
      %dma_wait3A_251 = arith.constant 0 : i32
      %dma_wait3A_252 = tpu.memref_slice %arg6[%dma_wait3A_247, %dma_wait3A_251] : memref<20x64xi32, #tpu.memory_space<vmem>> -> memref<1x64xi32, #tpu.memory_space<vmem>>
      %dma_wait3A_253 = tpu.memref_squeeze %dma_wait3A_252 : memref<1x64xi32, #tpu.memory_space<vmem>> -> memref<64xi32, #tpu.memory_space<vmem>>
      %dma_wait3A_254 = arith.constant 0 : i32
      %dma_wait3A_255 = arith.constant 0 : i32
      %dma_wait3A_256 = tpu.memref_slice %arg4[%dma_wait3A_254, %dma_wait3A_255] : memref<1000000x32xf32, #tpu.memory_space<hbm>> -> memref<1000000x32xf32, #tpu.memory_space<hbm>>
      tpu.wait_indirect_dma semaphore(%arg13 : memref<!tpu.dma_semaphore, #tpu.memory_space<semaphore_mem>>) src(%dma_wait3A_256 : memref<1000000x32xf32, #tpu.memory_space<hbm>>) dst(%dma_wait3A_250 : memref<64x32xf32, #tpu.memory_space<vmem>>)
      %dma_wait3A_257 = arith.constant 4 : i32
      %dma_wait3A_258 = arith.constant 256 : i32
      %dma_wait3A_259 = arith.constant 0 : i32
      %dma_wait3A_260 = tpu.memref_slice %arg8[%dma_wait3A_258, %dma_wait3A_259] : memref<1280x32xf32, #tpu.memory_space<vmem>> -> memref<64x32xf32, #tpu.memory_space<vmem>>
      %dma_wait3A_261 = arith.constant 0 : i32
      %dma_wait3A_262 = tpu.memref_slice %arg6[%dma_wait3A_257, %dma_wait3A_261] : memref<20x64xi32, #tpu.memory_space<vmem>> -> memref<1x64xi32, #tpu.memory_space<vmem>>
      %dma_wait3A_263 = tpu.memref_squeeze %dma_wait3A_262 : memref<1x64xi32, #tpu.memory_space<vmem>> -> memref<64xi32, #tpu.memory_space<vmem>>
      %dma_wait3A_264 = arith.constant 0 : i32
      %dma_wait3A_265 = arith.constant 0 : i32
      %dma_wait3A_266 = tpu.memref_slice %arg4[%dma_wait3A_264, %dma_wait3A_265] : memref<1000000x32xf32, #tpu.memory_space<hbm>> -> memref<1000000x32xf32, #tpu.memory_space<hbm>>
      tpu.wait_indirect_dma semaphore(%arg13 : memref<!tpu.dma_semaphore, #tpu.memory_space<semaphore_mem>>) src(%dma_wait3A_266 : memref<1000000x32xf32, #tpu.memory_space<hbm>>) dst(%dma_wait3A_260 : memref<64x32xf32, #tpu.memory_space<vmem>>)
      %dma_wait3A_267 = arith.constant 5 : i32
      %dma_wait3A_268 = arith.constant 320 : i32
      %dma_wait3A_269 = arith.constant 0 : i32
      %dma_wait3A_270 = tpu.memref_slice %arg8[%dma_wait3A_268, %dma_wait3A_269] : memref<1280x32xf32, #tpu.memory_space<vmem>> -> memref<64x32xf32, #tpu.memory_space<vmem>>
      %dma_wait3A_271 = arith.constant 0 : i32
      %dma_wait3A_272 = tpu.memref_slice %arg6[%dma_wait3A_267, %dma_wait3A_271] : memref<20x64xi32, #tpu.memory_space<vmem>> -> memref<1x64xi32, #tpu.memory_space<vmem>>
      %dma_wait3A_273 = tpu.memref_squeeze %dma_wait3A_272 : memref<1x64xi32, #tpu.memory_space<vmem>> -> memref<64xi32, #tpu.memory_space<vmem>>
      %dma_wait3A_274 = arith.constant 0 : i32
      %dma_wait3A_275 = arith.constant 0 : i32
      %dma_wait3A_276 = tpu.memref_slice %arg4[%dma_wait3A_274, %dma_wait3A_275] : memref<1000000x32xf32, #tpu.memory_space<hbm>> -> memref<1000000x32xf32, #tpu.memory_space<hbm>>
      tpu.wait_indirect_dma semaphore(%arg13 : memref<!tpu.dma_semaphore, #tpu.memory_space<semaphore_mem>>) src(%dma_wait3A_276 : memref<1000000x32xf32, #tpu.memory_space<hbm>>) dst(%dma_wait3A_270 : memref<64x32xf32, #tpu.memory_space<vmem>>)
      %dma_wait3A_277 = arith.constant 6 : i32
      %dma_wait3A_278 = arith.constant 384 : i32
      %dma_wait3A_279 = arith.constant 0 : i32
      %dma_wait3A_280 = tpu.memref_slice %arg8[%dma_wait3A_278, %dma_wait3A_279] : memref<1280x32xf32, #tpu.memory_space<vmem>> -> memref<64x32xf32, #tpu.memory_space<vmem>>
      %dma_wait3A_281 = arith.constant 0 : i32
      %dma_wait3A_282 = tpu.memref_slice %arg6[%dma_wait3A_277, %dma_wait3A_281] : memref<20x64xi32, #tpu.memory_space<vmem>> -> memref<1x64xi32, #tpu.memory_space<vmem>>
      %dma_wait3A_283 = tpu.memref_squeeze %dma_wait3A_282 : memref<1x64xi32, #tpu.memory_space<vmem>> -> memref<64xi32, #tpu.memory_space<vmem>>
      %dma_wait3A_284 = arith.constant 0 : i32
      %dma_wait3A_285 = arith.constant 0 : i32
      %dma_wait3A_286 = tpu.memref_slice %arg4[%dma_wait3A_284, %dma_wait3A_285] : memref<1000000x32xf32, #tpu.memory_space<hbm>> -> memref<1000000x32xf32, #tpu.memory_space<hbm>>
      tpu.wait_indirect_dma semaphore(%arg13 : memref<!tpu.dma_semaphore, #tpu.memory_space<semaphore_mem>>) src(%dma_wait3A_286 : memref<1000000x32xf32, #tpu.memory_space<hbm>>) dst(%dma_wait3A_280 : memref<64x32xf32, #tpu.memory_space<vmem>>)
      %dma_wait3A_287 = arith.constant 7 : i32
      %dma_wait3A_288 = arith.constant 448 : i32
      %dma_wait3A_289 = arith.constant 0 : i32
      %dma_wait3A_290 = tpu.memref_slice %arg8[%dma_wait3A_288, %dma_wait3A_289] : memref<1280x32xf32, #tpu.memory_space<vmem>> -> memref<64x32xf32, #tpu.memory_space<vmem>>
      %dma_wait3A_291 = arith.constant 0 : i32
      %dma_wait3A_292 = tpu.memref_slice %arg6[%dma_wait3A_287, %dma_wait3A_291] : memref<20x64xi32, #tpu.memory_space<vmem>> -> memref<1x64xi32, #tpu.memory_space<vmem>>
      %dma_wait3A_293 = tpu.memref_squeeze %dma_wait3A_292 : memref<1x64xi32, #tpu.memory_space<vmem>> -> memref<64xi32, #tpu.memory_space<vmem>>
      %dma_wait3A_294 = arith.constant 0 : i32
      %dma_wait3A_295 = arith.constant 0 : i32
      %dma_wait3A_296 = tpu.memref_slice %arg4[%dma_wait3A_294, %dma_wait3A_295] : memref<1000000x32xf32, #tpu.memory_space<hbm>> -> memref<1000000x32xf32, #tpu.memory_space<hbm>>
      tpu.wait_indirect_dma semaphore(%arg13 : memref<!tpu.dma_semaphore, #tpu.memory_space<semaphore_mem>>) src(%dma_wait3A_296 : memref<1000000x32xf32, #tpu.memory_space<hbm>>) dst(%dma_wait3A_290 : memref<64x32xf32, #tpu.memory_space<vmem>>)
      %dma_wait3A_297 = arith.constant 8 : i32
      %dma_wait3A_298 = arith.constant 512 : i32
      %dma_wait3A_299 = arith.constant 0 : i32
      %dma_wait3A_300 = tpu.memref_slice %arg8[%dma_wait3A_298, %dma_wait3A_299] : memref<1280x32xf32, #tpu.memory_space<vmem>> -> memref<64x32xf32, #tpu.memory_space<vmem>>
      %dma_wait3A_301 = arith.constant 0 : i32
      %dma_wait3A_302 = tpu.memref_slice %arg6[%dma_wait3A_297, %dma_wait3A_301] : memref<20x64xi32, #tpu.memory_space<vmem>> -> memref<1x64xi32, #tpu.memory_space<vmem>>
      %dma_wait3A_303 = tpu.memref_squeeze %dma_wait3A_302 : memref<1x64xi32, #tpu.memory_space<vmem>> -> memref<64xi32, #tpu.memory_space<vmem>>
      %dma_wait3A_304 = arith.constant 0 : i32
      %dma_wait3A_305 = arith.constant 0 : i32
      %dma_wait3A_306 = tpu.memref_slice %arg4[%dma_wait3A_304, %dma_wait3A_305] : memref<1000000x32xf32, #tpu.memory_space<hbm>> -> memref<1000000x32xf32, #tpu.memory_space<hbm>>
      tpu.wait_indirect_dma semaphore(%arg13 : memref<!tpu.dma_semaphore, #tpu.memory_space<semaphore_mem>>) src(%dma_wait3A_306 : memref<1000000x32xf32, #tpu.memory_space<hbm>>) dst(%dma_wait3A_300 : memref<64x32xf32, #tpu.memory_space<vmem>>)
      %dma_wait3A_307 = arith.constant 9 : i32
      %dma_wait3A_308 = arith.constant 576 : i32
      %dma_wait3A_309 = arith.constant 0 : i32
      %dma_wait3A_310 = tpu.memref_slice %arg8[%dma_wait3A_308, %dma_wait3A_309] : memref<1280x32xf32, #tpu.memory_space<vmem>> -> memref<64x32xf32, #tpu.memory_space<vmem>>
      %dma_wait3A_311 = arith.constant 0 : i32
      %dma_wait3A_312 = tpu.memref_slice %arg6[%dma_wait3A_307, %dma_wait3A_311] : memref<20x64xi32, #tpu.memory_space<vmem>> -> memref<1x64xi32, #tpu.memory_space<vmem>>
      %dma_wait3A_313 = tpu.memref_squeeze %dma_wait3A_312 : memref<1x64xi32, #tpu.memory_space<vmem>> -> memref<64xi32, #tpu.memory_space<vmem>>
      %dma_wait3A_314 = arith.constant 0 : i32
      %dma_wait3A_315 = arith.constant 0 : i32
      %dma_wait3A_316 = tpu.memref_slice %arg4[%dma_wait3A_314, %dma_wait3A_315] : memref<1000000x32xf32, #tpu.memory_space<hbm>> -> memref<1000000x32xf32, #tpu.memory_space<hbm>>
      tpu.wait_indirect_dma semaphore(%arg13 : memref<!tpu.dma_semaphore, #tpu.memory_space<semaphore_mem>>) src(%dma_wait3A_316 : memref<1000000x32xf32, #tpu.memory_space<hbm>>) dst(%dma_wait3A_310 : memref<64x32xf32, #tpu.memory_space<vmem>>)
      %dma_wait3A_317 = arith.constant 10 : i32
      %dma_wait3A_318 = arith.constant 640 : i32
      %dma_wait3A_319 = arith.constant 0 : i32
      %dma_wait3A_320 = tpu.memref_slice %arg8[%dma_wait3A_318, %dma_wait3A_319] : memref<1280x32xf32, #tpu.memory_space<vmem>> -> memref<64x32xf32, #tpu.memory_space<vmem>>
      %dma_wait3A_321 = arith.constant 0 : i32
      %dma_wait3A_322 = tpu.memref_slice %arg6[%dma_wait3A_317, %dma_wait3A_321] : memref<20x64xi32, #tpu.memory_space<vmem>> -> memref<1x64xi32, #tpu.memory_space<vmem>>
      %dma_wait3A_323 = tpu.memref_squeeze %dma_wait3A_322 : memref<1x64xi32, #tpu.memory_space<vmem>> -> memref<64xi32, #tpu.memory_space<vmem>>
      %dma_wait3A_324 = arith.constant 0 : i32
      %dma_wait3A_325 = arith.constant 0 : i32
      %dma_wait3A_326 = tpu.memref_slice %arg4[%dma_wait3A_324, %dma_wait3A_325] : memref<1000000x32xf32, #tpu.memory_space<hbm>> -> memref<1000000x32xf32, #tpu.memory_space<hbm>>
      tpu.wait_indirect_dma semaphore(%arg13 : memref<!tpu.dma_semaphore, #tpu.memory_space<semaphore_mem>>) src(%dma_wait3A_326 : memref<1000000x32xf32, #tpu.memory_space<hbm>>) dst(%dma_wait3A_320 : memref<64x32xf32, #tpu.memory_space<vmem>>)
      %dma_wait3A_327 = arith.constant 11 : i32
      %dma_wait3A_328 = arith.constant 704 : i32
      %dma_wait3A_329 = arith.constant 0 : i32
      %dma_wait3A_330 = tpu.memref_slice %arg8[%dma_wait3A_328, %dma_wait3A_329] : memref<1280x32xf32, #tpu.memory_space<vmem>> -> memref<64x32xf32, #tpu.memory_space<vmem>>
      %dma_wait3A_331 = arith.constant 0 : i32
      %dma_wait3A_332 = tpu.memref_slice %arg6[%dma_wait3A_327, %dma_wait3A_331] : memref<20x64xi32, #tpu.memory_space<vmem>> -> memref<1x64xi32, #tpu.memory_space<vmem>>
      %dma_wait3A_333 = tpu.memref_squeeze %dma_wait3A_332 : memref<1x64xi32, #tpu.memory_space<vmem>> -> memref<64xi32, #tpu.memory_space<vmem>>
      %dma_wait3A_334 = arith.constant 0 : i32
      %dma_wait3A_335 = arith.constant 0 : i32
      %dma_wait3A_336 = tpu.memref_slice %arg4[%dma_wait3A_334, %dma_wait3A_335] : memref<1000000x32xf32, #tpu.memory_space<hbm>> -> memref<1000000x32xf32, #tpu.memory_space<hbm>>
      tpu.wait_indirect_dma semaphore(%arg13 : memref<!tpu.dma_semaphore, #tpu.memory_space<semaphore_mem>>) src(%dma_wait3A_336 : memref<1000000x32xf32, #tpu.memory_space<hbm>>) dst(%dma_wait3A_330 : memref<64x32xf32, #tpu.memory_space<vmem>>)
      %dma_wait3A_337 = arith.constant 12 : i32
      %dma_wait3A_338 = arith.constant 768 : i32
      %dma_wait3A_339 = arith.constant 0 : i32
      %dma_wait3A_340 = tpu.memref_slice %arg8[%dma_wait3A_338, %dma_wait3A_339] : memref<1280x32xf32, #tpu.memory_space<vmem>> -> memref<64x32xf32, #tpu.memory_space<vmem>>
      %dma_wait3A_341 = arith.constant 0 : i32
      %dma_wait3A_342 = tpu.memref_slice %arg6[%dma_wait3A_337, %dma_wait3A_341] : memref<20x64xi32, #tpu.memory_space<vmem>> -> memref<1x64xi32, #tpu.memory_space<vmem>>
      %dma_wait3A_343 = tpu.memref_squeeze %dma_wait3A_342 : memref<1x64xi32, #tpu.memory_space<vmem>> -> memref<64xi32, #tpu.memory_space<vmem>>
      %dma_wait3A_344 = arith.constant 0 : i32
      %dma_wait3A_345 = arith.constant 0 : i32
      %dma_wait3A_346 = tpu.memref_slice %arg4[%dma_wait3A_344, %dma_wait3A_345] : memref<1000000x32xf32, #tpu.memory_space<hbm>> -> memref<1000000x32xf32, #tpu.memory_space<hbm>>
      tpu.wait_indirect_dma semaphore(%arg13 : memref<!tpu.dma_semaphore, #tpu.memory_space<semaphore_mem>>) src(%dma_wait3A_346 : memref<1000000x32xf32, #tpu.memory_space<hbm>>) dst(%dma_wait3A_340 : memref<64x32xf32, #tpu.memory_space<vmem>>)
      %dma_wait3A_347 = arith.constant 13 : i32
      %dma_wait3A_348 = arith.constant 832 : i32
      %dma_wait3A_349 = arith.constant 0 : i32
      %dma_wait3A_350 = tpu.memref_slice %arg8[%dma_wait3A_348, %dma_wait3A_349] : memref<1280x32xf32, #tpu.memory_space<vmem>> -> memref<64x32xf32, #tpu.memory_space<vmem>>
      %dma_wait3A_351 = arith.constant 0 : i32
      %dma_wait3A_352 = tpu.memref_slice %arg6[%dma_wait3A_347, %dma_wait3A_351] : memref<20x64xi32, #tpu.memory_space<vmem>> -> memref<1x64xi32, #tpu.memory_space<vmem>>
      %dma_wait3A_353 = tpu.memref_squeeze %dma_wait3A_352 : memref<1x64xi32, #tpu.memory_space<vmem>> -> memref<64xi32, #tpu.memory_space<vmem>>
      %dma_wait3A_354 = arith.constant 0 : i32
      %dma_wait3A_355 = arith.constant 0 : i32
      %dma_wait3A_356 = tpu.memref_slice %arg4[%dma_wait3A_354, %dma_wait3A_355] : memref<1000000x32xf32, #tpu.memory_space<hbm>> -> memref<1000000x32xf32, #tpu.memory_space<hbm>>
      tpu.wait_indirect_dma semaphore(%arg13 : memref<!tpu.dma_semaphore, #tpu.memory_space<semaphore_mem>>) src(%dma_wait3A_356 : memref<1000000x32xf32, #tpu.memory_space<hbm>>) dst(%dma_wait3A_350 : memref<64x32xf32, #tpu.memory_space<vmem>>)
      %dma_wait3A_357 = arith.constant 14 : i32
      %dma_wait3A_358 = arith.constant 896 : i32
      %dma_wait3A_359 = arith.constant 0 : i32
      %dma_wait3A_360 = tpu.memref_slice %arg8[%dma_wait3A_358, %dma_wait3A_359] : memref<1280x32xf32, #tpu.memory_space<vmem>> -> memref<64x32xf32, #tpu.memory_space<vmem>>
      %dma_wait3A_361 = arith.constant 0 : i32
      %dma_wait3A_362 = tpu.memref_slice %arg6[%dma_wait3A_357, %dma_wait3A_361] : memref<20x64xi32, #tpu.memory_space<vmem>> -> memref<1x64xi32, #tpu.memory_space<vmem>>
      %dma_wait3A_363 = tpu.memref_squeeze %dma_wait3A_362 : memref<1x64xi32, #tpu.memory_space<vmem>> -> memref<64xi32, #tpu.memory_space<vmem>>
      %dma_wait3A_364 = arith.constant 0 : i32
      %dma_wait3A_365 = arith.constant 0 : i32
      %dma_wait3A_366 = tpu.memref_slice %arg4[%dma_wait3A_364, %dma_wait3A_365] : memref<1000000x32xf32, #tpu.memory_space<hbm>> -> memref<1000000x32xf32, #tpu.memory_space<hbm>>
      tpu.wait_indirect_dma semaphore(%arg13 : memref<!tpu.dma_semaphore, #tpu.memory_space<semaphore_mem>>) src(%dma_wait3A_366 : memref<1000000x32xf32, #tpu.memory_space<hbm>>) dst(%dma_wait3A_360 : memref<64x32xf32, #tpu.memory_space<vmem>>)
      %dma_wait3A_367 = arith.constant 15 : i32
      %dma_wait3A_368 = arith.constant 960 : i32
      %dma_wait3A_369 = arith.constant 0 : i32
      %dma_wait3A_370 = tpu.memref_slice %arg8[%dma_wait3A_368, %dma_wait3A_369] : memref<1280x32xf32, #tpu.memory_space<vmem>> -> memref<64x32xf32, #tpu.memory_space<vmem>>
      %dma_wait3A_371 = arith.constant 0 : i32
      %dma_wait3A_372 = tpu.memref_slice %arg6[%dma_wait3A_367, %dma_wait3A_371] : memref<20x64xi32, #tpu.memory_space<vmem>> -> memref<1x64xi32, #tpu.memory_space<vmem>>
      %dma_wait3A_373 = tpu.memref_squeeze %dma_wait3A_372 : memref<1x64xi32, #tpu.memory_space<vmem>> -> memref<64xi32, #tpu.memory_space<vmem>>
      %dma_wait3A_374 = arith.constant 0 : i32
      %dma_wait3A_375 = arith.constant 0 : i32
      %dma_wait3A_376 = tpu.memref_slice %arg4[%dma_wait3A_374, %dma_wait3A_375] : memref<1000000x32xf32, #tpu.memory_space<hbm>> -> memref<1000000x32xf32, #tpu.memory_space<hbm>>
      tpu.wait_indirect_dma semaphore(%arg13 : memref<!tpu.dma_semaphore, #tpu.memory_space<semaphore_mem>>) src(%dma_wait3A_376 : memref<1000000x32xf32, #tpu.memory_space<hbm>>) dst(%dma_wait3A_370 : memref<64x32xf32, #tpu.memory_space<vmem>>)
      %dma_wait3A_377 = arith.constant 16 : i32
      %dma_wait3A_378 = arith.constant 1024 : i32
      %dma_wait3A_379 = arith.constant 0 : i32
      %dma_wait3A_380 = tpu.memref_slice %arg8[%dma_wait3A_378, %dma_wait3A_379] : memref<1280x32xf32, #tpu.memory_space<vmem>> -> memref<64x32xf32, #tpu.memory_space<vmem>>
      %dma_wait3A_381 = arith.constant 0 : i32
      %dma_wait3A_382 = tpu.memref_slice %arg6[%dma_wait3A_377, %dma_wait3A_381] : memref<20x64xi32, #tpu.memory_space<vmem>> -> memref<1x64xi32, #tpu.memory_space<vmem>>
      %dma_wait3A_383 = tpu.memref_squeeze %dma_wait3A_382 : memref<1x64xi32, #tpu.memory_space<vmem>> -> memref<64xi32, #tpu.memory_space<vmem>>
      %dma_wait3A_384 = arith.constant 0 : i32
      %dma_wait3A_385 = arith.constant 0 : i32
      %dma_wait3A_386 = tpu.memref_slice %arg4[%dma_wait3A_384, %dma_wait3A_385] : memref<1000000x32xf32, #tpu.memory_space<hbm>> -> memref<1000000x32xf32, #tpu.memory_space<hbm>>
      tpu.wait_indirect_dma semaphore(%arg13 : memref<!tpu.dma_semaphore, #tpu.memory_space<semaphore_mem>>) src(%dma_wait3A_386 : memref<1000000x32xf32, #tpu.memory_space<hbm>>) dst(%dma_wait3A_380 : memref<64x32xf32, #tpu.memory_space<vmem>>)
      %dma_wait3A_387 = arith.constant 17 : i32
      %dma_wait3A_388 = arith.constant 1088 : i32
      %dma_wait3A_389 = arith.constant 0 : i32
      %dma_wait3A_390 = tpu.memref_slice %arg8[%dma_wait3A_388, %dma_wait3A_389] : memref<1280x32xf32, #tpu.memory_space<vmem>> -> memref<64x32xf32, #tpu.memory_space<vmem>>
      %dma_wait3A_391 = arith.constant 0 : i32
      %dma_wait3A_392 = tpu.memref_slice %arg6[%dma_wait3A_387, %dma_wait3A_391] : memref<20x64xi32, #tpu.memory_space<vmem>> -> memref<1x64xi32, #tpu.memory_space<vmem>>
      %dma_wait3A_393 = tpu.memref_squeeze %dma_wait3A_392 : memref<1x64xi32, #tpu.memory_space<vmem>> -> memref<64xi32, #tpu.memory_space<vmem>>
      %dma_wait3A_394 = arith.constant 0 : i32
      %dma_wait3A_395 = arith.constant 0 : i32
      %dma_wait3A_396 = tpu.memref_slice %arg4[%dma_wait3A_394, %dma_wait3A_395] : memref<1000000x32xf32, #tpu.memory_space<hbm>> -> memref<1000000x32xf32, #tpu.memory_space<hbm>>
      tpu.wait_indirect_dma semaphore(%arg13 : memref<!tpu.dma_semaphore, #tpu.memory_space<semaphore_mem>>) src(%dma_wait3A_396 : memref<1000000x32xf32, #tpu.memory_space<hbm>>) dst(%dma_wait3A_390 : memref<64x32xf32, #tpu.memory_space<vmem>>)
      %dma_wait3A_397 = arith.constant 18 : i32
      %dma_wait3A_398 = arith.constant 1152 : i32
      %dma_wait3A_399 = arith.constant 0 : i32
      %dma_wait3A_400 = tpu.memref_slice %arg8[%dma_wait3A_398, %dma_wait3A_399] : memref<1280x32xf32, #tpu.memory_space<vmem>> -> memref<64x32xf32, #tpu.memory_space<vmem>>
      %dma_wait3A_401 = arith.constant 0 : i32
      %dma_wait3A_402 = tpu.memref_slice %arg6[%dma_wait3A_397, %dma_wait3A_401] : memref<20x64xi32, #tpu.memory_space<vmem>> -> memref<1x64xi32, #tpu.memory_space<vmem>>
      %dma_wait3A_403 = tpu.memref_squeeze %dma_wait3A_402 : memref<1x64xi32, #tpu.memory_space<vmem>> -> memref<64xi32, #tpu.memory_space<vmem>>
      %dma_wait3A_404 = arith.constant 0 : i32
      %dma_wait3A_405 = arith.constant 0 : i32
      %dma_wait3A_406 = tpu.memref_slice %arg4[%dma_wait3A_404, %dma_wait3A_405] : memref<1000000x32xf32, #tpu.memory_space<hbm>> -> memref<1000000x32xf32, #tpu.memory_space<hbm>>
      tpu.wait_indirect_dma semaphore(%arg13 : memref<!tpu.dma_semaphore, #tpu.memory_space<semaphore_mem>>) src(%dma_wait3A_406 : memref<1000000x32xf32, #tpu.memory_space<hbm>>) dst(%dma_wait3A_400 : memref<64x32xf32, #tpu.memory_space<vmem>>)
      %dma_wait3A_407 = arith.constant 19 : i32
      %dma_wait3A_408 = arith.constant 1216 : i32
      %dma_wait3A_409 = arith.constant 0 : i32
      %dma_wait3A_410 = tpu.memref_slice %arg8[%dma_wait3A_408, %dma_wait3A_409] : memref<1280x32xf32, #tpu.memory_space<vmem>> -> memref<64x32xf32, #tpu.memory_space<vmem>>
      %dma_wait3A_411 = arith.constant 0 : i32
      %dma_wait3A_412 = tpu.memref_slice %arg6[%dma_wait3A_407, %dma_wait3A_411] : memref<20x64xi32, #tpu.memory_space<vmem>> -> memref<1x64xi32, #tpu.memory_space<vmem>>
      %dma_wait3A_413 = tpu.memref_squeeze %dma_wait3A_412 : memref<1x64xi32, #tpu.memory_space<vmem>> -> memref<64xi32, #tpu.memory_space<vmem>>
      %dma_wait3A_414 = arith.constant 0 : i32
      %dma_wait3A_415 = arith.constant 0 : i32
      %dma_wait3A_416 = tpu.memref_slice %arg4[%dma_wait3A_414, %dma_wait3A_415] : memref<1000000x32xf32, #tpu.memory_space<hbm>> -> memref<1000000x32xf32, #tpu.memory_space<hbm>>
      tpu.wait_indirect_dma semaphore(%arg13 : memref<!tpu.dma_semaphore, #tpu.memory_space<semaphore_mem>>) src(%dma_wait3A_416 : memref<1000000x32xf32, #tpu.memory_space<hbm>>) dst(%dma_wait3A_410 : memref<64x32xf32, #tpu.memory_space<vmem>>)
      %jit3A = arith.constant 4 : i32
      %eq3A = arith.constant 0 : i32
      %eq3A_417 = arith.cmpi eq, %jit3A, %eq3A : i32
      %jit3A_418 = arith.constant 1 : i32
      %select_n3A = arith.select %eq3A_417, %jit3A_418, %jit3A : i32
      %rem3A = vector.broadcast %select_n3A : i32 to vector<16xi32>
      %rem3A_419 = arith.remsi %iota3A, %rem3A : vector<16xi32>
      %ne3A = arith.constant 0 : i32
      %ne3A_420 = vector.broadcast %ne3A : i32 to vector<16xi32>
      %ne3A_421 = arith.cmpi ne, %rem3A_419, %ne3A_420 : vector<16xi32>
      %lt3A_422 = arith.constant 0 : i32
      %lt3A_423 = vector.broadcast %lt3A_422 : i32 to vector<16xi32>
      %lt3A_424 = arith.cmpi slt, %rem3A_419, %lt3A_423 : vector<16xi32>
      %lt3A_425 = arith.constant 0 : i32
      %lt3A_426 = arith.cmpi slt, %select_n3A, %lt3A_425 : i32
      %ne3A_427 = vector.broadcast %lt3A_426 : i1 to vector<16xi1>
      %ne3A_428 = vector.broadcast %ne3A_427 : vector<16xi1> to vector<16xi1>
      %ne3A_429 = arith.xori %lt3A_424, %ne3A_428 : vector<16xi1>
      %and3A = arith.andi %ne3A_429, %ne3A_421 : vector<16xi1>
      %add3A_430 = vector.broadcast %select_n3A : i32 to vector<16xi32>
      %add3A_431 = arith.addi %rem3A_419, %add3A_430 : vector<16xi32>
      %select_n3A_432 = arith.select %and3A, %add3A_431, %rem3A_419 : vector<16xi1>, vector<16xi32>
      %add3A_433 = arith.constant 16 : i32
      %add3A_434 = vector.broadcast %add3A_433 : i32 to vector<16xi32>
      %add3A_435 = arith.addi %select_n3A_432, %add3A_434 : vector<16xi32>
      %scan3A_436 = arith.constant 0 : i32
      %scan3A_437 = arith.constant 0 : i32
      %scan3A_438 = arith.constant 64 : i32
      %scan3A_439 = arith.addi %scan3A_437, %scan3A_438 : i32
      %scan3A_440 = arith.constant 1 : i32
      scf.for %scan3A_694 = %scan3A_437 to %scan3A_439 step %scan3A_440  : i32 {
        %broadcast_in_dim3A = arith.constant 0 : i32
        %broadcast_in_dim3A_695 = vector.broadcast %broadcast_in_dim3A : i32 to vector<16xi32>
        %add3A_696 = vector.broadcast %scan3A_694 : i32 to vector<16xi32>
        %add3A_697 = arith.addi %broadcast_in_dim3A_695, %add3A_696 : vector<16xi32>
        %gather3A = tpu.vector_load_idx %arg10[%iota3A, %add3A_697] : memref<20x64xf32, #tpu.memory_space<vmem>>[vector<16xi32>, vector<16xi32>], vector<16xf32>,
        %gather3A_698 = tpu.vector_load_idx %arg10[%add3A_435, %add3A_697] : memref<20x64xf32, #tpu.memory_space<vmem>>[vector<16xi32>, vector<16xi32>], vector<16xf32>,
        %broadcast_in_dim3A_699 = arith.constant 0.000000e+00 : f32
        %broadcast_in_dim3A_700 = vector.broadcast %broadcast_in_dim3A_699 : f32 to vector<16xf32>
        %broadcast_in_dim3A_701 = arith.constant 0.000000e+00 : f32
        %broadcast_in_dim3A_702 = vector.broadcast %broadcast_in_dim3A_701 : f32 to vector<16xf32>
        %broadcast_in_dim3A_703 = arith.constant 0 : i32
        %broadcast_in_dim3A_704 = vector.broadcast %broadcast_in_dim3A_703 : i32 to vector<16xi32>
        %lt3A_705 = arith.constant 0 : i32
        %lt3A_706 = vector.broadcast %lt3A_705 : i32 to vector<16xi32>
        %lt3A_707 = arith.cmpi slt, %broadcast_in_dim3A_704, %lt3A_706 : vector<16xi32>
        %add3A_708 = arith.constant 16 : i32
        %add3A_709 = vector.broadcast %add3A_708 : i32 to vector<16xi32>
        %add3A_710 = arith.addi %broadcast_in_dim3A_704, %add3A_709 : vector<16xi32>
        %select_n3A_711 = arith.select %lt3A_707, %add3A_710, %broadcast_in_dim3A_704 : vector<16xi1>, vector<16xi32>
        %broadcast_in_dim3A_712 = vector.shape_cast %select_n3A_711 : vector<16xi32> to vector<16x1xi32>
        %gather3A_713 = vector.shape_cast %broadcast_in_dim3A_712 : vector<16x1xi32> to vector<16xi32>
        %gather3A_714 = tpu.dynamic_gather %gather3A[%gather3A_713] in [0] : vector<16xf32>, vector<16xi32> -> vector<16xf32>
        %add3A_715 = arith.constant 0 : i32
        %add3A_716 = arith.addi %add3A_715, %scan3A_694 : i32
        %get3A = arith.index_cast %add3A_716 : i32 to index
        %get3A_717 = arith.constant 0 : index
        %get3A_718 = tpu.vector_load %arg8[%get3A, %get3A_717] {strides = array<i32>} : memref<1280x32xf32, #tpu.memory_space<vmem>>, vector<16xf32>,
        %mul3A_719 = arith.mulf %gather3A_714, %get3A_718 : vector<16xf32>
        %add3A_720 = arith.addf %broadcast_in_dim3A_700, %mul3A_719 : vector<16xf32>
        %get3A_721 = arith.index_cast %add3A_716 : i32 to index
        %get3A_722 = arith.constant 16 : index
        %get3A_723 = tpu.vector_load %arg8[%get3A_721, %get3A_722] {strides = array<i32>} : memref<1280x32xf32, #tpu.memory_space<vmem>>, vector<16xf32>,
        %mul3A_724 = arith.mulf %gather3A_714, %get3A_723 : vector<16xf32>
        %add3A_725 = arith.addf %broadcast_in_dim3A_702, %mul3A_724 : vector<16xf32>
        %broadcast_in_dim3A_726 = arith.constant 1 : i32
        %broadcast_in_dim3A_727 = vector.broadcast %broadcast_in_dim3A_726 : i32 to vector<16xi32>
        %lt3A_728 = arith.constant 0 : i32
        %lt3A_729 = vector.broadcast %lt3A_728 : i32 to vector<16xi32>
        %lt3A_730 = arith.cmpi slt, %broadcast_in_dim3A_727, %lt3A_729 : vector<16xi32>
        %add3A_731 = arith.constant 16 : i32
        %add3A_732 = vector.broadcast %add3A_731 : i32 to vector<16xi32>
        %add3A_733 = arith.addi %broadcast_in_dim3A_727, %add3A_732 : vector<16xi32>
        %select_n3A_734 = arith.select %lt3A_730, %add3A_733, %broadcast_in_dim3A_727 : vector<16xi1>, vector<16xi32>
        %broadcast_in_dim3A_735 = vector.shape_cast %select_n3A_734 : vector<16xi32> to vector<16x1xi32>
        %gather3A_736 = vector.shape_cast %broadcast_in_dim3A_735 : vector<16x1xi32> to vector<16xi32>
        %gather3A_737 = tpu.dynamic_gather %gather3A[%gather3A_736] in [0] : vector<16xf32>, vector<16xi32> -> vector<16xf32>
        %add3A_738 = arith.constant 64 : i32
        %add3A_739 = arith.addi %add3A_738, %scan3A_694 : i32
        %get3A_740 = arith.index_cast %add3A_739 : i32 to index
        %get3A_741 = arith.constant 0 : index
        %get3A_742 = tpu.vector_load %arg8[%get3A_740, %get3A_741] {strides = array<i32>} : memref<1280x32xf32, #tpu.memory_space<vmem>>, vector<16xf32>,
        %mul3A_743 = arith.mulf %gather3A_737, %get3A_742 : vector<16xf32>
        %add3A_744 = arith.addf %add3A_720, %mul3A_743 : vector<16xf32>
        %get3A_745 = arith.index_cast %add3A_739 : i32 to index
        %get3A_746 = arith.constant 16 : index
        %get3A_747 = tpu.vector_load %arg8[%get3A_745, %get3A_746] {strides = array<i32>} : memref<1280x32xf32, #tpu.memory_space<vmem>>, vector<16xf32>,
        %mul3A_748 = arith.mulf %gather3A_737, %get3A_747 : vector<16xf32>
        %add3A_749 = arith.addf %add3A_725, %mul3A_748 : vector<16xf32>
        %broadcast_in_dim3A_750 = arith.constant 2 : i32
        %broadcast_in_dim3A_751 = vector.broadcast %broadcast_in_dim3A_750 : i32 to vector<16xi32>
        %lt3A_752 = arith.constant 0 : i32
        %lt3A_753 = vector.broadcast %lt3A_752 : i32 to vector<16xi32>
        %lt3A_754 = arith.cmpi slt, %broadcast_in_dim3A_751, %lt3A_753 : vector<16xi32>
        %add3A_755 = arith.constant 16 : i32
        %add3A_756 = vector.broadcast %add3A_755 : i32 to vector<16xi32>
        %add3A_757 = arith.addi %broadcast_in_dim3A_751, %add3A_756 : vector<16xi32>
        %select_n3A_758 = arith.select %lt3A_754, %add3A_757, %broadcast_in_dim3A_751 : vector<16xi1>, vector<16xi32>
        %broadcast_in_dim3A_759 = vector.shape_cast %select_n3A_758 : vector<16xi32> to vector<16x1xi32>
        %gather3A_760 = vector.shape_cast %broadcast_in_dim3A_759 : vector<16x1xi32> to vector<16xi32>
        %gather3A_761 = tpu.dynamic_gather %gather3A[%gather3A_760] in [0] : vector<16xf32>, vector<16xi32> -> vector<16xf32>
        %add3A_762 = arith.constant 128 : i32
        %add3A_763 = arith.addi %add3A_762, %scan3A_694 : i32
        %get3A_764 = arith.index_cast %add3A_763 : i32 to index
        %get3A_765 = arith.constant 0 : index
        %get3A_766 = tpu.vector_load %arg8[%get3A_764, %get3A_765] {strides = array<i32>} : memref<1280x32xf32, #tpu.memory_space<vmem>>, vector<16xf32>,
        %mul3A_767 = arith.mulf %gather3A_761, %get3A_766 : vector<16xf32>
        %add3A_768 = arith.addf %add3A_744, %mul3A_767 : vector<16xf32>
        %get3A_769 = arith.index_cast %add3A_763 : i32 to index
        %get3A_770 = arith.constant 16 : index
        %get3A_771 = tpu.vector_load %arg8[%get3A_769, %get3A_770] {strides = array<i32>} : memref<1280x32xf32, #tpu.memory_space<vmem>>, vector<16xf32>,
        %mul3A_772 = arith.mulf %gather3A_761, %get3A_771 : vector<16xf32>
        %add3A_773 = arith.addf %add3A_749, %mul3A_772 : vector<16xf32>
        %broadcast_in_dim3A_774 = arith.constant 3 : i32
        %broadcast_in_dim3A_775 = vector.broadcast %broadcast_in_dim3A_774 : i32 to vector<16xi32>
        %lt3A_776 = arith.constant 0 : i32
        %lt3A_777 = vector.broadcast %lt3A_776 : i32 to vector<16xi32>
        %lt3A_778 = arith.cmpi slt, %broadcast_in_dim3A_775, %lt3A_777 : vector<16xi32>
        %add3A_779 = arith.constant 16 : i32
        %add3A_780 = vector.broadcast %add3A_779 : i32 to vector<16xi32>
        %add3A_781 = arith.addi %broadcast_in_dim3A_775, %add3A_780 : vector<16xi32>
        %select_n3A_782 = arith.select %lt3A_778, %add3A_781, %broadcast_in_dim3A_775 : vector<16xi1>, vector<16xi32>
        %broadcast_in_dim3A_783 = vector.shape_cast %select_n3A_782 : vector<16xi32> to vector<16x1xi32>
        %gather3A_784 = vector.shape_cast %broadcast_in_dim3A_783 : vector<16x1xi32> to vector<16xi32>
        %gather3A_785 = tpu.dynamic_gather %gather3A[%gather3A_784] in [0] : vector<16xf32>, vector<16xi32> -> vector<16xf32>
        %add3A_786 = arith.constant 192 : i32
        %add3A_787 = arith.addi %add3A_786, %scan3A_694 : i32
        %get3A_788 = arith.index_cast %add3A_787 : i32 to index
        %get3A_789 = arith.constant 0 : index
        %get3A_790 = tpu.vector_load %arg8[%get3A_788, %get3A_789] {strides = array<i32>} : memref<1280x32xf32, #tpu.memory_space<vmem>>, vector<16xf32>,
        %mul3A_791 = arith.mulf %gather3A_785, %get3A_790 : vector<16xf32>
        %add3A_792 = arith.addf %add3A_768, %mul3A_791 : vector<16xf32>
        %get3A_793 = arith.index_cast %add3A_787 : i32 to index
        %get3A_794 = arith.constant 16 : index
        %get3A_795 = tpu.vector_load %arg8[%get3A_793, %get3A_794] {strides = array<i32>} : memref<1280x32xf32, #tpu.memory_space<vmem>>, vector<16xf32>,
        %mul3A_796 = arith.mulf %gather3A_785, %get3A_795 : vector<16xf32>
        %add3A_797 = arith.addf %add3A_773, %mul3A_796 : vector<16xf32>
        %broadcast_in_dim3A_798 = arith.constant 4 : i32
        %broadcast_in_dim3A_799 = vector.broadcast %broadcast_in_dim3A_798 : i32 to vector<16xi32>
        %lt3A_800 = arith.constant 0 : i32
        %lt3A_801 = vector.broadcast %lt3A_800 : i32 to vector<16xi32>
        %lt3A_802 = arith.cmpi slt, %broadcast_in_dim3A_799, %lt3A_801 : vector<16xi32>
        %add3A_803 = arith.constant 16 : i32
        %add3A_804 = vector.broadcast %add3A_803 : i32 to vector<16xi32>
        %add3A_805 = arith.addi %broadcast_in_dim3A_799, %add3A_804 : vector<16xi32>
        %select_n3A_806 = arith.select %lt3A_802, %add3A_805, %broadcast_in_dim3A_799 : vector<16xi1>, vector<16xi32>
        %broadcast_in_dim3A_807 = vector.shape_cast %select_n3A_806 : vector<16xi32> to vector<16x1xi32>
        %gather3A_808 = vector.shape_cast %broadcast_in_dim3A_807 : vector<16x1xi32> to vector<16xi32>
        %gather3A_809 = tpu.dynamic_gather %gather3A[%gather3A_808] in [0] : vector<16xf32>, vector<16xi32> -> vector<16xf32>
        %add3A_810 = arith.constant 256 : i32
        %add3A_811 = arith.addi %add3A_810, %scan3A_694 : i32
        %get3A_812 = arith.index_cast %add3A_811 : i32 to index
        %get3A_813 = arith.constant 0 : index
        %get3A_814 = tpu.vector_load %arg8[%get3A_812, %get3A_813] {strides = array<i32>} : memref<1280x32xf32, #tpu.memory_space<vmem>>, vector<16xf32>,
        %mul3A_815 = arith.mulf %gather3A_809, %get3A_814 : vector<16xf32>
        %add3A_816 = arith.addf %add3A_792, %mul3A_815 : vector<16xf32>
        %get3A_817 = arith.index_cast %add3A_811 : i32 to index
        %get3A_818 = arith.constant 16 : index
        %get3A_819 = tpu.vector_load %arg8[%get3A_817, %get3A_818] {strides = array<i32>} : memref<1280x32xf32, #tpu.memory_space<vmem>>, vector<16xf32>,
        %mul3A_820 = arith.mulf %gather3A_809, %get3A_819 : vector<16xf32>
        %add3A_821 = arith.addf %add3A_797, %mul3A_820 : vector<16xf32>
        %broadcast_in_dim3A_822 = arith.constant 5 : i32
        %broadcast_in_dim3A_823 = vector.broadcast %broadcast_in_dim3A_822 : i32 to vector<16xi32>
        %lt3A_824 = arith.constant 0 : i32
        %lt3A_825 = vector.broadcast %lt3A_824 : i32 to vector<16xi32>
        %lt3A_826 = arith.cmpi slt, %broadcast_in_dim3A_823, %lt3A_825 : vector<16xi32>
        %add3A_827 = arith.constant 16 : i32
        %add3A_828 = vector.broadcast %add3A_827 : i32 to vector<16xi32>
        %add3A_829 = arith.addi %broadcast_in_dim3A_823, %add3A_828 : vector<16xi32>
        %select_n3A_830 = arith.select %lt3A_826, %add3A_829, %broadcast_in_dim3A_823 : vector<16xi1>, vector<16xi32>
        %broadcast_in_dim3A_831 = vector.shape_cast %select_n3A_830 : vector<16xi32> to vector<16x1xi32>
        %gather3A_832 = vector.shape_cast %broadcast_in_dim3A_831 : vector<16x1xi32> to vector<16xi32>
        %gather3A_833 = tpu.dynamic_gather %gather3A[%gather3A_832] in [0] : vector<16xf32>, vector<16xi32> -> vector<16xf32>
        %add3A_834 = arith.constant 320 : i32
        %add3A_835 = arith.addi %add3A_834, %scan3A_694 : i32
        %get3A_836 = arith.index_cast %add3A_835 : i32 to index
        %get3A_837 = arith.constant 0 : index
        %get3A_838 = tpu.vector_load %arg8[%get3A_836, %get3A_837] {strides = array<i32>} : memref<1280x32xf32, #tpu.memory_space<vmem>>, vector<16xf32>,
        %mul3A_839 = arith.mulf %gather3A_833, %get3A_838 : vector<16xf32>
        %add3A_840 = arith.addf %add3A_816, %mul3A_839 : vector<16xf32>
        %get3A_841 = arith.index_cast %add3A_835 : i32 to index
        %get3A_842 = arith.constant 16 : index
        %get3A_843 = tpu.vector_load %arg8[%get3A_841, %get3A_842] {strides = array<i32>} : memref<1280x32xf32, #tpu.memory_space<vmem>>, vector<16xf32>,
        %mul3A_844 = arith.mulf %gather3A_833, %get3A_843 : vector<16xf32>
        %add3A_845 = arith.addf %add3A_821, %mul3A_844 : vector<16xf32>
        %broadcast_in_dim3A_846 = arith.constant 6 : i32
        %broadcast_in_dim3A_847 = vector.broadcast %broadcast_in_dim3A_846 : i32 to vector<16xi32>
        %lt3A_848 = arith.constant 0 : i32
        %lt3A_849 = vector.broadcast %lt3A_848 : i32 to vector<16xi32>
        %lt3A_850 = arith.cmpi slt, %broadcast_in_dim3A_847, %lt3A_849 : vector<16xi32>
        %add3A_851 = arith.constant 16 : i32
        %add3A_852 = vector.broadcast %add3A_851 : i32 to vector<16xi32>
        %add3A_853 = arith.addi %broadcast_in_dim3A_847, %add3A_852 : vector<16xi32>
        %select_n3A_854 = arith.select %lt3A_850, %add3A_853, %broadcast_in_dim3A_847 : vector<16xi1>, vector<16xi32>
        %broadcast_in_dim3A_855 = vector.shape_cast %select_n3A_854 : vector<16xi32> to vector<16x1xi32>
        %gather3A_856 = vector.shape_cast %broadcast_in_dim3A_855 : vector<16x1xi32> to vector<16xi32>
        %gather3A_857 = tpu.dynamic_gather %gather3A[%gather3A_856] in [0] : vector<16xf32>, vector<16xi32> -> vector<16xf32>
        %add3A_858 = arith.constant 384 : i32
        %add3A_859 = arith.addi %add3A_858, %scan3A_694 : i32
        %get3A_860 = arith.index_cast %add3A_859 : i32 to index
        %get3A_861 = arith.constant 0 : index
        %get3A_862 = tpu.vector_load %arg8[%get3A_860, %get3A_861] {strides = array<i32>} : memref<1280x32xf32, #tpu.memory_space<vmem>>, vector<16xf32>,
        %mul3A_863 = arith.mulf %gather3A_857, %get3A_862 : vector<16xf32>
        %add3A_864 = arith.addf %add3A_840, %mul3A_863 : vector<16xf32>
        %get3A_865 = arith.index_cast %add3A_859 : i32 to index
        %get3A_866 = arith.constant 16 : index
        %get3A_867 = tpu.vector_load %arg8[%get3A_865, %get3A_866] {strides = array<i32>} : memref<1280x32xf32, #tpu.memory_space<vmem>>, vector<16xf32>,
        %mul3A_868 = arith.mulf %gather3A_857, %get3A_867 : vector<16xf32>
        %add3A_869 = arith.addf %add3A_845, %mul3A_868 : vector<16xf32>
        %broadcast_in_dim3A_870 = arith.constant 7 : i32
        %broadcast_in_dim3A_871 = vector.broadcast %broadcast_in_dim3A_870 : i32 to vector<16xi32>
        %lt3A_872 = arith.constant 0 : i32
        %lt3A_873 = vector.broadcast %lt3A_872 : i32 to vector<16xi32>
        %lt3A_874 = arith.cmpi slt, %broadcast_in_dim3A_871, %lt3A_873 : vector<16xi32>
        %add3A_875 = arith.constant 16 : i32
        %add3A_876 = vector.broadcast %add3A_875 : i32 to vector<16xi32>
        %add3A_877 = arith.addi %broadcast_in_dim3A_871, %add3A_876 : vector<16xi32>
        %select_n3A_878 = arith.select %lt3A_874, %add3A_877, %broadcast_in_dim3A_871 : vector<16xi1>, vector<16xi32>
        %broadcast_in_dim3A_879 = vector.shape_cast %select_n3A_878 : vector<16xi32> to vector<16x1xi32>
        %gather3A_880 = vector.shape_cast %broadcast_in_dim3A_879 : vector<16x1xi32> to vector<16xi32>
        %gather3A_881 = tpu.dynamic_gather %gather3A[%gather3A_880] in [0] : vector<16xf32>, vector<16xi32> -> vector<16xf32>
        %add3A_882 = arith.constant 448 : i32
        %add3A_883 = arith.addi %add3A_882, %scan3A_694 : i32
        %get3A_884 = arith.index_cast %add3A_883 : i32 to index
        %get3A_885 = arith.constant 0 : index
        %get3A_886 = tpu.vector_load %arg8[%get3A_884, %get3A_885] {strides = array<i32>} : memref<1280x32xf32, #tpu.memory_space<vmem>>, vector<16xf32>,
        %mul3A_887 = arith.mulf %gather3A_881, %get3A_886 : vector<16xf32>
        %add3A_888 = arith.addf %add3A_864, %mul3A_887 : vector<16xf32>
        %get3A_889 = arith.index_cast %add3A_883 : i32 to index
        %get3A_890 = arith.constant 16 : index
        %get3A_891 = tpu.vector_load %arg8[%get3A_889, %get3A_890] {strides = array<i32>} : memref<1280x32xf32, #tpu.memory_space<vmem>>, vector<16xf32>,
        %mul3A_892 = arith.mulf %gather3A_881, %get3A_891 : vector<16xf32>
        %add3A_893 = arith.addf %add3A_869, %mul3A_892 : vector<16xf32>
        %broadcast_in_dim3A_894 = arith.constant 8 : i32
        %broadcast_in_dim3A_895 = vector.broadcast %broadcast_in_dim3A_894 : i32 to vector<16xi32>
        %lt3A_896 = arith.constant 0 : i32
        %lt3A_897 = vector.broadcast %lt3A_896 : i32 to vector<16xi32>
        %lt3A_898 = arith.cmpi slt, %broadcast_in_dim3A_895, %lt3A_897 : vector<16xi32>
        %add3A_899 = arith.constant 16 : i32
        %add3A_900 = vector.broadcast %add3A_899 : i32 to vector<16xi32>
        %add3A_901 = arith.addi %broadcast_in_dim3A_895, %add3A_900 : vector<16xi32>
        %select_n3A_902 = arith.select %lt3A_898, %add3A_901, %broadcast_in_dim3A_895 : vector<16xi1>, vector<16xi32>
        %broadcast_in_dim3A_903 = vector.shape_cast %select_n3A_902 : vector<16xi32> to vector<16x1xi32>
        %gather3A_904 = vector.shape_cast %broadcast_in_dim3A_903 : vector<16x1xi32> to vector<16xi32>
        %gather3A_905 = tpu.dynamic_gather %gather3A[%gather3A_904] in [0] : vector<16xf32>, vector<16xi32> -> vector<16xf32>
        %add3A_906 = arith.constant 512 : i32
        %add3A_907 = arith.addi %add3A_906, %scan3A_694 : i32
        %get3A_908 = arith.index_cast %add3A_907 : i32 to index
        %get3A_909 = arith.constant 0 : index
        %get3A_910 = tpu.vector_load %arg8[%get3A_908, %get3A_909] {strides = array<i32>} : memref<1280x32xf32, #tpu.memory_space<vmem>>, vector<16xf32>,
        %mul3A_911 = arith.mulf %gather3A_905, %get3A_910 : vector<16xf32>
        %add3A_912 = arith.addf %add3A_888, %mul3A_911 : vector<16xf32>
        %get3A_913 = arith.index_cast %add3A_907 : i32 to index
        %get3A_914 = arith.constant 16 : index
        %get3A_915 = tpu.vector_load %arg8[%get3A_913, %get3A_914] {strides = array<i32>} : memref<1280x32xf32, #tpu.memory_space<vmem>>, vector<16xf32>,
        %mul3A_916 = arith.mulf %gather3A_905, %get3A_915 : vector<16xf32>
        %add3A_917 = arith.addf %add3A_893, %mul3A_916 : vector<16xf32>
        %broadcast_in_dim3A_918 = arith.constant 9 : i32
        %broadcast_in_dim3A_919 = vector.broadcast %broadcast_in_dim3A_918 : i32 to vector<16xi32>
        %lt3A_920 = arith.constant 0 : i32
        %lt3A_921 = vector.broadcast %lt3A_920 : i32 to vector<16xi32>
        %lt3A_922 = arith.cmpi slt, %broadcast_in_dim3A_919, %lt3A_921 : vector<16xi32>
        %add3A_923 = arith.constant 16 : i32
        %add3A_924 = vector.broadcast %add3A_923 : i32 to vector<16xi32>
        %add3A_925 = arith.addi %broadcast_in_dim3A_919, %add3A_924 : vector<16xi32>
        %select_n3A_926 = arith.select %lt3A_922, %add3A_925, %broadcast_in_dim3A_919 : vector<16xi1>, vector<16xi32>
        %broadcast_in_dim3A_927 = vector.shape_cast %select_n3A_926 : vector<16xi32> to vector<16x1xi32>
        %gather3A_928 = vector.shape_cast %broadcast_in_dim3A_927 : vector<16x1xi32> to vector<16xi32>
        %gather3A_929 = tpu.dynamic_gather %gather3A[%gather3A_928] in [0] : vector<16xf32>, vector<16xi32> -> vector<16xf32>
        %add3A_930 = arith.constant 576 : i32
        %add3A_931 = arith.addi %add3A_930, %scan3A_694 : i32
        %get3A_932 = arith.index_cast %add3A_931 : i32 to index
        %get3A_933 = arith.constant 0 : index
        %get3A_934 = tpu.vector_load %arg8[%get3A_932, %get3A_933] {strides = array<i32>} : memref<1280x32xf32, #tpu.memory_space<vmem>>, vector<16xf32>,
        %mul3A_935 = arith.mulf %gather3A_929, %get3A_934 : vector<16xf32>
        %add3A_936 = arith.addf %add3A_912, %mul3A_935 : vector<16xf32>
        %get3A_937 = arith.index_cast %add3A_931 : i32 to index
        %get3A_938 = arith.constant 16 : index
        %get3A_939 = tpu.vector_load %arg8[%get3A_937, %get3A_938] {strides = array<i32>} : memref<1280x32xf32, #tpu.memory_space<vmem>>, vector<16xf32>,
        %mul3A_940 = arith.mulf %gather3A_929, %get3A_939 : vector<16xf32>
        %add3A_941 = arith.addf %add3A_917, %mul3A_940 : vector<16xf32>
        %broadcast_in_dim3A_942 = arith.constant 10 : i32
        %broadcast_in_dim3A_943 = vector.broadcast %broadcast_in_dim3A_942 : i32 to vector<16xi32>
        %lt3A_944 = arith.constant 0 : i32
        %lt3A_945 = vector.broadcast %lt3A_944 : i32 to vector<16xi32>
        %lt3A_946 = arith.cmpi slt, %broadcast_in_dim3A_943, %lt3A_945 : vector<16xi32>
        %add3A_947 = arith.constant 16 : i32
        %add3A_948 = vector.broadcast %add3A_947 : i32 to vector<16xi32>
        %add3A_949 = arith.addi %broadcast_in_dim3A_943, %add3A_948 : vector<16xi32>
        %select_n3A_950 = arith.select %lt3A_946, %add3A_949, %broadcast_in_dim3A_943 : vector<16xi1>, vector<16xi32>
        %broadcast_in_dim3A_951 = vector.shape_cast %select_n3A_950 : vector<16xi32> to vector<16x1xi32>
        %gather3A_952 = vector.shape_cast %broadcast_in_dim3A_951 : vector<16x1xi32> to vector<16xi32>
        %gather3A_953 = tpu.dynamic_gather %gather3A[%gather3A_952] in [0] : vector<16xf32>, vector<16xi32> -> vector<16xf32>
        %add3A_954 = arith.constant 640 : i32
        %add3A_955 = arith.addi %add3A_954, %scan3A_694 : i32
        %get3A_956 = arith.index_cast %add3A_955 : i32 to index
        %get3A_957 = arith.constant 0 : index
        %get3A_958 = tpu.vector_load %arg8[%get3A_956, %get3A_957] {strides = array<i32>} : memref<1280x32xf32, #tpu.memory_space<vmem>>, vector<16xf32>,
        %mul3A_959 = arith.mulf %gather3A_953, %get3A_958 : vector<16xf32>
        %add3A_960 = arith.addf %add3A_936, %mul3A_959 : vector<16xf32>
        %get3A_961 = arith.index_cast %add3A_955 : i32 to index
        %get3A_962 = arith.constant 16 : index
        %get3A_963 = tpu.vector_load %arg8[%get3A_961, %get3A_962] {strides = array<i32>} : memref<1280x32xf32, #tpu.memory_space<vmem>>, vector<16xf32>,
        %mul3A_964 = arith.mulf %gather3A_953, %get3A_963 : vector<16xf32>
        %add3A_965 = arith.addf %add3A_941, %mul3A_964 : vector<16xf32>
        %broadcast_in_dim3A_966 = arith.constant 11 : i32
        %broadcast_in_dim3A_967 = vector.broadcast %broadcast_in_dim3A_966 : i32 to vector<16xi32>
        %lt3A_968 = arith.constant 0 : i32
        %lt3A_969 = vector.broadcast %lt3A_968 : i32 to vector<16xi32>
        %lt3A_970 = arith.cmpi slt, %broadcast_in_dim3A_967, %lt3A_969 : vector<16xi32>
        %add3A_971 = arith.constant 16 : i32
        %add3A_972 = vector.broadcast %add3A_971 : i32 to vector<16xi32>
        %add3A_973 = arith.addi %broadcast_in_dim3A_967, %add3A_972 : vector<16xi32>
        %select_n3A_974 = arith.select %lt3A_970, %add3A_973, %broadcast_in_dim3A_967 : vector<16xi1>, vector<16xi32>
        %broadcast_in_dim3A_975 = vector.shape_cast %select_n3A_974 : vector<16xi32> to vector<16x1xi32>
        %gather3A_976 = vector.shape_cast %broadcast_in_dim3A_975 : vector<16x1xi32> to vector<16xi32>
        %gather3A_977 = tpu.dynamic_gather %gather3A[%gather3A_976] in [0] : vector<16xf32>, vector<16xi32> -> vector<16xf32>
        %add3A_978 = arith.constant 704 : i32
        %add3A_979 = arith.addi %add3A_978, %scan3A_694 : i32
        %get3A_980 = arith.index_cast %add3A_979 : i32 to index
        %get3A_981 = arith.constant 0 : index
        %get3A_982 = tpu.vector_load %arg8[%get3A_980, %get3A_981] {strides = array<i32>} : memref<1280x32xf32, #tpu.memory_space<vmem>>, vector<16xf32>,
        %mul3A_983 = arith.mulf %gather3A_977, %get3A_982 : vector<16xf32>
        %add3A_984 = arith.addf %add3A_960, %mul3A_983 : vector<16xf32>
        %get3A_985 = arith.index_cast %add3A_979 : i32 to index
        %get3A_986 = arith.constant 16 : index
        %get3A_987 = tpu.vector_load %arg8[%get3A_985, %get3A_986] {strides = array<i32>} : memref<1280x32xf32, #tpu.memory_space<vmem>>, vector<16xf32>,
        %mul3A_988 = arith.mulf %gather3A_977, %get3A_987 : vector<16xf32>
        %add3A_989 = arith.addf %add3A_965, %mul3A_988 : vector<16xf32>
        %broadcast_in_dim3A_990 = arith.constant 12 : i32
        %broadcast_in_dim3A_991 = vector.broadcast %broadcast_in_dim3A_990 : i32 to vector<16xi32>
        %lt3A_992 = arith.constant 0 : i32
        %lt3A_993 = vector.broadcast %lt3A_992 : i32 to vector<16xi32>
        %lt3A_994 = arith.cmpi slt, %broadcast_in_dim3A_991, %lt3A_993 : vector<16xi32>
        %add3A_995 = arith.constant 16 : i32
        %add3A_996 = vector.broadcast %add3A_995 : i32 to vector<16xi32>
        %add3A_997 = arith.addi %broadcast_in_dim3A_991, %add3A_996 : vector<16xi32>
        %select_n3A_998 = arith.select %lt3A_994, %add3A_997, %broadcast_in_dim3A_991 : vector<16xi1>, vector<16xi32>
        %broadcast_in_dim3A_999 = vector.shape_cast %select_n3A_998 : vector<16xi32> to vector<16x1xi32>
        %gather3A_1000 = vector.shape_cast %broadcast_in_dim3A_999 : vector<16x1xi32> to vector<16xi32>
        %gather3A_1001 = tpu.dynamic_gather %gather3A[%gather3A_1000] in [0] : vector<16xf32>, vector<16xi32> -> vector<16xf32>
        %add3A_1002 = arith.constant 768 : i32
        %add3A_1003 = arith.addi %add3A_1002, %scan3A_694 : i32
        %get3A_1004 = arith.index_cast %add3A_1003 : i32 to index
        %get3A_1005 = arith.constant 0 : index
        %get3A_1006 = tpu.vector_load %arg8[%get3A_1004, %get3A_1005] {strides = array<i32>} : memref<1280x32xf32, #tpu.memory_space<vmem>>, vector<16xf32>,
        %mul3A_1007 = arith.mulf %gather3A_1001, %get3A_1006 : vector<16xf32>
        %add3A_1008 = arith.addf %add3A_984, %mul3A_1007 : vector<16xf32>
        %get3A_1009 = arith.index_cast %add3A_1003 : i32 to index
        %get3A_1010 = arith.constant 16 : index
        %get3A_1011 = tpu.vector_load %arg8[%get3A_1009, %get3A_1010] {strides = array<i32>} : memref<1280x32xf32, #tpu.memory_space<vmem>>, vector<16xf32>,
        %mul3A_1012 = arith.mulf %gather3A_1001, %get3A_1011 : vector<16xf32>
        %add3A_1013 = arith.addf %add3A_989, %mul3A_1012 : vector<16xf32>
        %broadcast_in_dim3A_1014 = arith.constant 13 : i32
        %broadcast_in_dim3A_1015 = vector.broadcast %broadcast_in_dim3A_1014 : i32 to vector<16xi32>
        %lt3A_1016 = arith.constant 0 : i32
        %lt3A_1017 = vector.broadcast %lt3A_1016 : i32 to vector<16xi32>
        %lt3A_1018 = arith.cmpi slt, %broadcast_in_dim3A_1015, %lt3A_1017 : vector<16xi32>
        %add3A_1019 = arith.constant 16 : i32
        %add3A_1020 = vector.broadcast %add3A_1019 : i32 to vector<16xi32>
        %add3A_1021 = arith.addi %broadcast_in_dim3A_1015, %add3A_1020 : vector<16xi32>
        %select_n3A_1022 = arith.select %lt3A_1018, %add3A_1021, %broadcast_in_dim3A_1015 : vector<16xi1>, vector<16xi32>
        %broadcast_in_dim3A_1023 = vector.shape_cast %select_n3A_1022 : vector<16xi32> to vector<16x1xi32>
        %gather3A_1024 = vector.shape_cast %broadcast_in_dim3A_1023 : vector<16x1xi32> to vector<16xi32>
        %gather3A_1025 = tpu.dynamic_gather %gather3A[%gather3A_1024] in [0] : vector<16xf32>, vector<16xi32> -> vector<16xf32>
        %add3A_1026 = arith.constant 832 : i32
        %add3A_1027 = arith.addi %add3A_1026, %scan3A_694 : i32
        %get3A_1028 = arith.index_cast %add3A_1027 : i32 to index
        %get3A_1029 = arith.constant 0 : index
        %get3A_1030 = tpu.vector_load %arg8[%get3A_1028, %get3A_1029] {strides = array<i32>} : memref<1280x32xf32, #tpu.memory_space<vmem>>, vector<16xf32>,
        %mul3A_1031 = arith.mulf %gather3A_1025, %get3A_1030 : vector<16xf32>
        %add3A_1032 = arith.addf %add3A_1008, %mul3A_1031 : vector<16xf32>
        %get3A_1033 = arith.index_cast %add3A_1027 : i32 to index
        %get3A_1034 = arith.constant 16 : index
        %get3A_1035 = tpu.vector_load %arg8[%get3A_1033, %get3A_1034] {strides = array<i32>} : memref<1280x32xf32, #tpu.memory_space<vmem>>, vector<16xf32>,
        %mul3A_1036 = arith.mulf %gather3A_1025, %get3A_1035 : vector<16xf32>
        %add3A_1037 = arith.addf %add3A_1013, %mul3A_1036 : vector<16xf32>
        %broadcast_in_dim3A_1038 = arith.constant 14 : i32
        %broadcast_in_dim3A_1039 = vector.broadcast %broadcast_in_dim3A_1038 : i32 to vector<16xi32>
        %lt3A_1040 = arith.constant 0 : i32
        %lt3A_1041 = vector.broadcast %lt3A_1040 : i32 to vector<16xi32>
        %lt3A_1042 = arith.cmpi slt, %broadcast_in_dim3A_1039, %lt3A_1041 : vector<16xi32>
        %add3A_1043 = arith.constant 16 : i32
        %add3A_1044 = vector.broadcast %add3A_1043 : i32 to vector<16xi32>
        %add3A_1045 = arith.addi %broadcast_in_dim3A_1039, %add3A_1044 : vector<16xi32>
        %select_n3A_1046 = arith.select %lt3A_1042, %add3A_1045, %broadcast_in_dim3A_1039 : vector<16xi1>, vector<16xi32>
        %broadcast_in_dim3A_1047 = vector.shape_cast %select_n3A_1046 : vector<16xi32> to vector<16x1xi32>
        %gather3A_1048 = vector.shape_cast %broadcast_in_dim3A_1047 : vector<16x1xi32> to vector<16xi32>
        %gather3A_1049 = tpu.dynamic_gather %gather3A[%gather3A_1048] in [0] : vector<16xf32>, vector<16xi32> -> vector<16xf32>
        %add3A_1050 = arith.constant 896 : i32
        %add3A_1051 = arith.addi %add3A_1050, %scan3A_694 : i32
        %get3A_1052 = arith.index_cast %add3A_1051 : i32 to index
        %get3A_1053 = arith.constant 0 : index
        %get3A_1054 = tpu.vector_load %arg8[%get3A_1052, %get3A_1053] {strides = array<i32>} : memref<1280x32xf32, #tpu.memory_space<vmem>>, vector<16xf32>,
        %mul3A_1055 = arith.mulf %gather3A_1049, %get3A_1054 : vector<16xf32>
        %add3A_1056 = arith.addf %add3A_1032, %mul3A_1055 : vector<16xf32>
        %get3A_1057 = arith.index_cast %add3A_1051 : i32 to index
        %get3A_1058 = arith.constant 16 : index
        %get3A_1059 = tpu.vector_load %arg8[%get3A_1057, %get3A_1058] {strides = array<i32>} : memref<1280x32xf32, #tpu.memory_space<vmem>>, vector<16xf32>,
        %mul3A_1060 = arith.mulf %gather3A_1049, %get3A_1059 : vector<16xf32>
        %add3A_1061 = arith.addf %add3A_1037, %mul3A_1060 : vector<16xf32>
        %broadcast_in_dim3A_1062 = arith.constant 15 : i32
        %broadcast_in_dim3A_1063 = vector.broadcast %broadcast_in_dim3A_1062 : i32 to vector<16xi32>
        %lt3A_1064 = arith.constant 0 : i32
        %lt3A_1065 = vector.broadcast %lt3A_1064 : i32 to vector<16xi32>
        %lt3A_1066 = arith.cmpi slt, %broadcast_in_dim3A_1063, %lt3A_1065 : vector<16xi32>
        %add3A_1067 = arith.constant 16 : i32
        %add3A_1068 = vector.broadcast %add3A_1067 : i32 to vector<16xi32>
        %add3A_1069 = arith.addi %broadcast_in_dim3A_1063, %add3A_1068 : vector<16xi32>
        %select_n3A_1070 = arith.select %lt3A_1066, %add3A_1069, %broadcast_in_dim3A_1063 : vector<16xi1>, vector<16xi32>
        %broadcast_in_dim3A_1071 = vector.shape_cast %select_n3A_1070 : vector<16xi32> to vector<16x1xi32>
        %gather3A_1072 = vector.shape_cast %broadcast_in_dim3A_1071 : vector<16x1xi32> to vector<16xi32>
        %gather3A_1073 = tpu.dynamic_gather %gather3A[%gather3A_1072] in [0] : vector<16xf32>, vector<16xi32> -> vector<16xf32>
        %add3A_1074 = arith.constant 960 : i32
        %add3A_1075 = arith.addi %add3A_1074, %scan3A_694 : i32
        %get3A_1076 = arith.index_cast %add3A_1075 : i32 to index
        %get3A_1077 = arith.constant 0 : index
        %get3A_1078 = tpu.vector_load %arg8[%get3A_1076, %get3A_1077] {strides = array<i32>} : memref<1280x32xf32, #tpu.memory_space<vmem>>, vector<16xf32>,
        %mul3A_1079 = arith.mulf %gather3A_1073, %get3A_1078 : vector<16xf32>
        %add3A_1080 = arith.addf %add3A_1056, %mul3A_1079 : vector<16xf32>
        %get3A_1081 = arith.index_cast %add3A_1075 : i32 to index
        %get3A_1082 = arith.constant 16 : index
        %get3A_1083 = tpu.vector_load %arg8[%get3A_1081, %get3A_1082] {strides = array<i32>} : memref<1280x32xf32, #tpu.memory_space<vmem>>, vector<16xf32>,
        %mul3A_1084 = arith.mulf %gather3A_1073, %get3A_1083 : vector<16xf32>
        %add3A_1085 = arith.addf %add3A_1061, %mul3A_1084 : vector<16xf32>
        %broadcast_in_dim3A_1086 = arith.constant 0 : i32
        %broadcast_in_dim3A_1087 = vector.broadcast %broadcast_in_dim3A_1086 : i32 to vector<16xi32>
        %lt3A_1088 = arith.constant 0 : i32
        %lt3A_1089 = vector.broadcast %lt3A_1088 : i32 to vector<16xi32>
        %lt3A_1090 = arith.cmpi slt, %broadcast_in_dim3A_1087, %lt3A_1089 : vector<16xi32>
        %add3A_1091 = arith.constant 16 : i32
        %add3A_1092 = vector.broadcast %add3A_1091 : i32 to vector<16xi32>
        %add3A_1093 = arith.addi %broadcast_in_dim3A_1087, %add3A_1092 : vector<16xi32>
        %select_n3A_1094 = arith.select %lt3A_1090, %add3A_1093, %broadcast_in_dim3A_1087 : vector<16xi1>, vector<16xi32>
        %broadcast_in_dim3A_1095 = vector.shape_cast %select_n3A_1094 : vector<16xi32> to vector<16x1xi32>
        %gather3A_1096 = vector.shape_cast %broadcast_in_dim3A_1095 : vector<16x1xi32> to vector<16xi32>
        %gather3A_1097 = tpu.dynamic_gather %gather3A_698[%gather3A_1096] in [0] : vector<16xf32>, vector<16xi32> -> vector<16xf32>
        %add3A_1098 = arith.constant 1024 : i32
        %add3A_1099 = arith.addi %add3A_1098, %scan3A_694 : i32
        %get3A_1100 = arith.index_cast %add3A_1099 : i32 to index
        %get3A_1101 = arith.constant 0 : index
        %get3A_1102 = tpu.vector_load %arg8[%get3A_1100, %get3A_1101] {strides = array<i32>} : memref<1280x32xf32, #tpu.memory_space<vmem>>, vector<16xf32>,
        %mul3A_1103 = arith.mulf %gather3A_1097, %get3A_1102 : vector<16xf32>
        %add3A_1104 = arith.addf %add3A_1080, %mul3A_1103 : vector<16xf32>
        %get3A_1105 = arith.index_cast %add3A_1099 : i32 to index
        %get3A_1106 = arith.constant 16 : index
        %get3A_1107 = tpu.vector_load %arg8[%get3A_1105, %get3A_1106] {strides = array<i32>} : memref<1280x32xf32, #tpu.memory_space<vmem>>, vector<16xf32>,
        %mul3A_1108 = arith.mulf %gather3A_1097, %get3A_1107 : vector<16xf32>
        %add3A_1109 = arith.addf %add3A_1085, %mul3A_1108 : vector<16xf32>
        %broadcast_in_dim3A_1110 = arith.constant 1 : i32
        %broadcast_in_dim3A_1111 = vector.broadcast %broadcast_in_dim3A_1110 : i32 to vector<16xi32>
        %lt3A_1112 = arith.constant 0 : i32
        %lt3A_1113 = vector.broadcast %lt3A_1112 : i32 to vector<16xi32>
        %lt3A_1114 = arith.cmpi slt, %broadcast_in_dim3A_1111, %lt3A_1113 : vector<16xi32>
        %add3A_1115 = arith.constant 16 : i32
        %add3A_1116 = vector.broadcast %add3A_1115 : i32 to vector<16xi32>
        %add3A_1117 = arith.addi %broadcast_in_dim3A_1111, %add3A_1116 : vector<16xi32>
        %select_n3A_1118 = arith.select %lt3A_1114, %add3A_1117, %broadcast_in_dim3A_1111 : vector<16xi1>, vector<16xi32>
        %broadcast_in_dim3A_1119 = vector.shape_cast %select_n3A_1118 : vector<16xi32> to vector<16x1xi32>
        %gather3A_1120 = vector.shape_cast %broadcast_in_dim3A_1119 : vector<16x1xi32> to vector<16xi32>
        %gather3A_1121 = tpu.dynamic_gather %gather3A_698[%gather3A_1120] in [0] : vector<16xf32>, vector<16xi32> -> vector<16xf32>
        %add3A_1122 = arith.constant 1088 : i32
        %add3A_1123 = arith.addi %add3A_1122, %scan3A_694 : i32
        %get3A_1124 = arith.index_cast %add3A_1123 : i32 to index
        %get3A_1125 = arith.constant 0 : index
        %get3A_1126 = tpu.vector_load %arg8[%get3A_1124, %get3A_1125] {strides = array<i32>} : memref<1280x32xf32, #tpu.memory_space<vmem>>, vector<16xf32>,
        %mul3A_1127 = arith.mulf %gather3A_1121, %get3A_1126 : vector<16xf32>
        %add3A_1128 = arith.addf %add3A_1104, %mul3A_1127 : vector<16xf32>
        %get3A_1129 = arith.index_cast %add3A_1123 : i32 to index
        %get3A_1130 = arith.constant 16 : index
        %get3A_1131 = tpu.vector_load %arg8[%get3A_1129, %get3A_1130] {strides = array<i32>} : memref<1280x32xf32, #tpu.memory_space<vmem>>, vector<16xf32>,
        %mul3A_1132 = arith.mulf %gather3A_1121, %get3A_1131 : vector<16xf32>
        %add3A_1133 = arith.addf %add3A_1109, %mul3A_1132 : vector<16xf32>
        %broadcast_in_dim3A_1134 = arith.constant 2 : i32
        %broadcast_in_dim3A_1135 = vector.broadcast %broadcast_in_dim3A_1134 : i32 to vector<16xi32>
        %lt3A_1136 = arith.constant 0 : i32
        %lt3A_1137 = vector.broadcast %lt3A_1136 : i32 to vector<16xi32>
        %lt3A_1138 = arith.cmpi slt, %broadcast_in_dim3A_1135, %lt3A_1137 : vector<16xi32>
        %add3A_1139 = arith.constant 16 : i32
        %add3A_1140 = vector.broadcast %add3A_1139 : i32 to vector<16xi32>
        %add3A_1141 = arith.addi %broadcast_in_dim3A_1135, %add3A_1140 : vector<16xi32>
        %select_n3A_1142 = arith.select %lt3A_1138, %add3A_1141, %broadcast_in_dim3A_1135 : vector<16xi1>, vector<16xi32>
        %broadcast_in_dim3A_1143 = vector.shape_cast %select_n3A_1142 : vector<16xi32> to vector<16x1xi32>
        %gather3A_1144 = vector.shape_cast %broadcast_in_dim3A_1143 : vector<16x1xi32> to vector<16xi32>
        %gather3A_1145 = tpu.dynamic_gather %gather3A_698[%gather3A_1144] in [0] : vector<16xf32>, vector<16xi32> -> vector<16xf32>
        %add3A_1146 = arith.constant 1152 : i32
        %add3A_1147 = arith.addi %add3A_1146, %scan3A_694 : i32
        %get3A_1148 = arith.index_cast %add3A_1147 : i32 to index
        %get3A_1149 = arith.constant 0 : index
        %get3A_1150 = tpu.vector_load %arg8[%get3A_1148, %get3A_1149] {strides = array<i32>} : memref<1280x32xf32, #tpu.memory_space<vmem>>, vector<16xf32>,
        %mul3A_1151 = arith.mulf %gather3A_1145, %get3A_1150 : vector<16xf32>
        %add3A_1152 = arith.addf %add3A_1128, %mul3A_1151 : vector<16xf32>
        %get3A_1153 = arith.index_cast %add3A_1147 : i32 to index
        %get3A_1154 = arith.constant 16 : index
        %get3A_1155 = tpu.vector_load %arg8[%get3A_1153, %get3A_1154] {strides = array<i32>} : memref<1280x32xf32, #tpu.memory_space<vmem>>, vector<16xf32>,
        %mul3A_1156 = arith.mulf %gather3A_1145, %get3A_1155 : vector<16xf32>
        %add3A_1157 = arith.addf %add3A_1133, %mul3A_1156 : vector<16xf32>
        %broadcast_in_dim3A_1158 = arith.constant 3 : i32
        %broadcast_in_dim3A_1159 = vector.broadcast %broadcast_in_dim3A_1158 : i32 to vector<16xi32>
        %lt3A_1160 = arith.constant 0 : i32
        %lt3A_1161 = vector.broadcast %lt3A_1160 : i32 to vector<16xi32>
        %lt3A_1162 = arith.cmpi slt, %broadcast_in_dim3A_1159, %lt3A_1161 : vector<16xi32>
        %add3A_1163 = arith.constant 16 : i32
        %add3A_1164 = vector.broadcast %add3A_1163 : i32 to vector<16xi32>
        %add3A_1165 = arith.addi %broadcast_in_dim3A_1159, %add3A_1164 : vector<16xi32>
        %select_n3A_1166 = arith.select %lt3A_1162, %add3A_1165, %broadcast_in_dim3A_1159 : vector<16xi1>, vector<16xi32>
        %broadcast_in_dim3A_1167 = vector.shape_cast %select_n3A_1166 : vector<16xi32> to vector<16x1xi32>
        %gather3A_1168 = vector.shape_cast %broadcast_in_dim3A_1167 : vector<16x1xi32> to vector<16xi32>
        %gather3A_1169 = tpu.dynamic_gather %gather3A_698[%gather3A_1168] in [0] : vector<16xf32>, vector<16xi32> -> vector<16xf32>
        %add3A_1170 = arith.constant 1216 : i32
        %add3A_1171 = arith.addi %add3A_1170, %scan3A_694 : i32
        %get3A_1172 = arith.index_cast %add3A_1171 : i32 to index
        %get3A_1173 = arith.constant 0 : index
        %get3A_1174 = tpu.vector_load %arg8[%get3A_1172, %get3A_1173] {strides = array<i32>} : memref<1280x32xf32, #tpu.memory_space<vmem>>, vector<16xf32>,
        %mul3A_1175 = arith.mulf %gather3A_1169, %get3A_1174 : vector<16xf32>
        %add3A_1176 = arith.addf %add3A_1152, %mul3A_1175 : vector<16xf32>
        %get3A_1177 = arith.index_cast %add3A_1171 : i32 to index
        %get3A_1178 = arith.constant 16 : index
        %get3A_1179 = tpu.vector_load %arg8[%get3A_1177, %get3A_1178] {strides = array<i32>} : memref<1280x32xf32, #tpu.memory_space<vmem>>, vector<16xf32>,
        %mul3A_1180 = arith.mulf %gather3A_1169, %get3A_1179 : vector<16xf32>
        %add3A_1181 = arith.addf %add3A_1157, %mul3A_1180 : vector<16xf32>
        %swap3A = arith.index_cast %scan3A_694 : i32 to index
        %swap3A_1182 = arith.constant 0 : index
        %swap3A_1183 = tpu.vector_load %arg12[%swap3A, %swap3A_1182] {strides = array<i32>} : memref<64x32xf32, #tpu.memory_space<vmem>>, vector<16xf32>,
        tpu.vector_store %arg12[%swap3A, %swap3A_1182], %add3A_1176 {strides = array<i32>} : memref<64x32xf32, #tpu.memory_space<vmem>>, vector<16xf32>,
        %swap3A_1184 = arith.index_cast %scan3A_694 : i32 to index
        %swap3A_1185 = arith.constant 16 : index
        %swap3A_1186 = tpu.vector_load %arg12[%swap3A_1184, %swap3A_1185] {strides = array<i32>} : memref<64x32xf32, #tpu.memory_space<vmem>>, vector<16xf32>,
        tpu.vector_store %arg12[%swap3A_1184, %swap3A_1185], %add3A_1181 {strides = array<i32>} : memref<64x32xf32, #tpu.memory_space<vmem>>, vector<16xf32>,
      }
      %scan3A_441 = arith.constant 64 : i32
      %mul3A_442 = arith.constant 512 : i32
      %mul3A_443 = arith.muli %add3A, %mul3A_442 : i32
      %mul3A_444 = arith.constant 64 : i32
      %mul3A_445 = arith.muli %add3A_213, %mul3A_444 : i32
      %add3A_446 = arith.addi %mul3A_443, %mul3A_445 : i32
      "tpu.region"() ({
        %run_scoped3A = tpu.sem_alloc : memref<!tpu.dma_semaphore, #tpu.memory_space<semaphore_mem>>
        %dma_start3A_694 = arith.constant 0 : i32
        %dma_start3A_695 = tpu.memref_slice %arg5[%add3A_446, %dma_start3A_694] : memref<16384x32xf32, #tpu.memory_space<hbm>> -> memref<64x32xf32, #tpu.memory_space<hbm>>
        %dma_start3A_696 = arith.constant 0 : i32
        %dma_start3A_697 = tpu.memref_slice %arg5[%add3A_446, %dma_start3A_696] : memref<16384x32xf32, #tpu.memory_space<hbm>> -> memref<64x32xf32, #tpu.memory_space<hbm>>
        tpu.enqueue_dma source(%arg12 : memref<64x32xf32, #tpu.memory_space<vmem>>) target(%dma_start3A_697 : memref<64x32xf32, #tpu.memory_space<hbm>>) target_semaphore(%run_scoped3A : memref<!tpu.dma_semaphore, #tpu.memory_space<semaphore_mem>>)
        %dma_wait3A_698 = arith.constant 0 : i32
        %dma_wait3A_699 = tpu.memref_slice %arg5[%add3A_446, %dma_wait3A_698] : memref<16384x32xf32, #tpu.memory_space<hbm>> -> memref<64x32xf32, #tpu.memory_space<hbm>>
        %dma_wait3A_700 = arith.constant 0 : i32
        %dma_wait3A_701 = tpu.memref_slice %arg5[%add3A_446, %dma_wait3A_700] : memref<16384x32xf32, #tpu.memory_space<hbm>> -> memref<64x32xf32, #tpu.memory_space<hbm>>
        tpu.wait_dma2 semaphore(%run_scoped3A : memref<!tpu.dma_semaphore, #tpu.memory_space<semaphore_mem>>) src(%arg12 : memref<64x32xf32, #tpu.memory_space<vmem>>) dst(%dma_wait3A_701 : memref<64x32xf32, #tpu.memory_space<hbm>>)
        tpu.yield
      }) : () -> ()
      %mul3A_447 = arith.constant 2 : i32
      %mul3A_448 = arith.muli %scan3A_209, %mul3A_447 : i32
      %add3A_449 = arith.constant 1 : i32
      %add3A_450 = arith.addi %mul3A_448, %add3A_449 : i32
      %add3A_451 = arith.constant 1 : i32
      %add3A_452 = arith.addi %add3A_450, %add3A_451 : i32
      %lt3A_453 = arith.constant 8 : i32
      %lt3A_454 = arith.cmpi slt, %add3A_452, %lt3A_453 : i32
      %convert_element_type3A_455 = arith.extui %lt3A_454 : i1 to i32
      %cond3A_456 = arith.constant 0 : i32
      %cond3A_457 = arith.cmpi ne, %convert_element_type3A_455, %cond3A_456 : i32
      scf.if %cond3A_457 {
        %add3A_694 = arith.constant 1 : i32
        %add3A_695 = arith.addi %add3A_450, %add3A_694 : i32
        %mul3A_696 = arith.constant 512 : i32
        %mul3A_697 = arith.muli %add3A, %mul3A_696 : i32
        %mul3A_698 = arith.constant 64 : i32
        %mul3A_699 = arith.muli %add3A_695, %mul3A_698 : i32
        %add3A_700 = arith.addi %mul3A_697, %mul3A_699 : i32
        "tpu.region"() ({
          %run_scoped3A = tpu.sem_alloc : memref<!tpu.dma_semaphore, #tpu.memory_space<semaphore_mem>>
          %dma_start3A_901 = arith.constant 0 : i32
          %dma_start3A_902 = tpu.memref_slice %arg2[%dma_start3A_901, %add3A_700] : memref<20x16384xi32, #tpu.memory_space<hbm>> -> memref<20x64xi32, #tpu.memory_space<hbm>>
          %dma_start3A_903 = arith.constant 0 : i32
          %dma_start3A_904 = tpu.memref_slice %arg2[%dma_start3A_903, %add3A_700] : memref<20x16384xi32, #tpu.memory_space<hbm>> -> memref<20x64xi32, #tpu.memory_space<hbm>>
          tpu.enqueue_dma source(%dma_start3A_904 : memref<20x64xi32, #tpu.memory_space<hbm>>) target(%arg6 : memref<20x64xi32, #tpu.memory_space<vmem>>) target_semaphore(%run_scoped3A : memref<!tpu.dma_semaphore, #tpu.memory_space<semaphore_mem>>)
          %dma_wait3A_905 = arith.constant 0 : i32
          %dma_wait3A_906 = tpu.memref_slice %arg2[%dma_wait3A_905, %add3A_700] : memref<20x16384xi32, #tpu.memory_space<hbm>> -> memref<20x64xi32, #tpu.memory_space<hbm>>
          %dma_wait3A_907 = arith.constant 0 : i32
          %dma_wait3A_908 = tpu.memref_slice %arg2[%dma_wait3A_907, %add3A_700] : memref<20x16384xi32, #tpu.memory_space<hbm>> -> memref<20x64xi32, #tpu.memory_space<hbm>>
          tpu.wait_dma2 semaphore(%run_scoped3A : memref<!tpu.dma_semaphore, #tpu.memory_space<semaphore_mem>>) src(%dma_wait3A_908 : memref<20x64xi32, #tpu.memory_space<hbm>>) dst(%arg6 : memref<20x64xi32, #tpu.memory_space<vmem>>)
          tpu.yield
        }) : () -> ()
        %dma_start3A_701 = arith.constant 0 : i32
        %dma_start3A_702 = arith.constant 0 : i32
        %dma_start3A_703 = arith.constant 0 : i32
        %dma_start3A_704 = tpu.memref_slice %arg8[%dma_start3A_702, %dma_start3A_703] : memref<1280x32xf32, #tpu.memory_space<vmem>> -> memref<64x32xf32, #tpu.memory_space<vmem>>
        %dma_start3A_705 = arith.constant 0 : i32
        %dma_start3A_706 = tpu.memref_slice %arg6[%dma_start3A_701, %dma_start3A_705] : memref<20x64xi32, #tpu.memory_space<vmem>> -> memref<1x64xi32, #tpu.memory_space<vmem>>
        %dma_start3A_707 = tpu.memref_squeeze %dma_start3A_706 : memref<1x64xi32, #tpu.memory_space<vmem>> -> memref<64xi32, #tpu.memory_space<vmem>>
        %dma_start3A_708 = arith.constant 0 : i32
        %dma_start3A_709 = arith.constant 0 : i32
        %dma_start3A_710 = tpu.memref_slice %arg4[%dma_start3A_708, %dma_start3A_709] : memref<1000000x32xf32, #tpu.memory_space<hbm>> -> memref<1000000x32xf32, #tpu.memory_space<hbm>>
        tpu.enqueue_indirect_dma source(%dma_start3A_710 : memref<1000000x32xf32, #tpu.memory_space<hbm>>) target(%dma_start3A_704 : memref<64x32xf32, #tpu.memory_space<vmem>>) offsets(%dma_start3A_707 : memref<64xi32, #tpu.memory_space<vmem>>) semaphore(%arg13 : memref<!tpu.dma_semaphore, #tpu.memory_space<semaphore_mem>>)
        %dma_start3A_711 = arith.constant 1 : i32
        %dma_start3A_712 = arith.constant 64 : i32
        %dma_start3A_713 = arith.constant 0 : i32
        %dma_start3A_714 = tpu.memref_slice %arg8[%dma_start3A_712, %dma_start3A_713] : memref<1280x32xf32, #tpu.memory_space<vmem>> -> memref<64x32xf32, #tpu.memory_space<vmem>>
        %dma_start3A_715 = arith.constant 0 : i32
        %dma_start3A_716 = tpu.memref_slice %arg6[%dma_start3A_711, %dma_start3A_715] : memref<20x64xi32, #tpu.memory_space<vmem>> -> memref<1x64xi32, #tpu.memory_space<vmem>>
        %dma_start3A_717 = tpu.memref_squeeze %dma_start3A_716 : memref<1x64xi32, #tpu.memory_space<vmem>> -> memref<64xi32, #tpu.memory_space<vmem>>
        %dma_start3A_718 = arith.constant 0 : i32
        %dma_start3A_719 = arith.constant 0 : i32
        %dma_start3A_720 = tpu.memref_slice %arg4[%dma_start3A_718, %dma_start3A_719] : memref<1000000x32xf32, #tpu.memory_space<hbm>> -> memref<1000000x32xf32, #tpu.memory_space<hbm>>
        tpu.enqueue_indirect_dma source(%dma_start3A_720 : memref<1000000x32xf32, #tpu.memory_space<hbm>>) target(%dma_start3A_714 : memref<64x32xf32, #tpu.memory_space<vmem>>) offsets(%dma_start3A_717 : memref<64xi32, #tpu.memory_space<vmem>>) semaphore(%arg13 : memref<!tpu.dma_semaphore, #tpu.memory_space<semaphore_mem>>)
        %dma_start3A_721 = arith.constant 2 : i32
        %dma_start3A_722 = arith.constant 128 : i32
        %dma_start3A_723 = arith.constant 0 : i32
        %dma_start3A_724 = tpu.memref_slice %arg8[%dma_start3A_722, %dma_start3A_723] : memref<1280x32xf32, #tpu.memory_space<vmem>> -> memref<64x32xf32, #tpu.memory_space<vmem>>
        %dma_start3A_725 = arith.constant 0 : i32
        %dma_start3A_726 = tpu.memref_slice %arg6[%dma_start3A_721, %dma_start3A_725] : memref<20x64xi32, #tpu.memory_space<vmem>> -> memref<1x64xi32, #tpu.memory_space<vmem>>
        %dma_start3A_727 = tpu.memref_squeeze %dma_start3A_726 : memref<1x64xi32, #tpu.memory_space<vmem>> -> memref<64xi32, #tpu.memory_space<vmem>>
        %dma_start3A_728 = arith.constant 0 : i32
        %dma_start3A_729 = arith.constant 0 : i32
        %dma_start3A_730 = tpu.memref_slice %arg4[%dma_start3A_728, %dma_start3A_729] : memref<1000000x32xf32, #tpu.memory_space<hbm>> -> memref<1000000x32xf32, #tpu.memory_space<hbm>>
        tpu.enqueue_indirect_dma source(%dma_start3A_730 : memref<1000000x32xf32, #tpu.memory_space<hbm>>) target(%dma_start3A_724 : memref<64x32xf32, #tpu.memory_space<vmem>>) offsets(%dma_start3A_727 : memref<64xi32, #tpu.memory_space<vmem>>) semaphore(%arg13 : memref<!tpu.dma_semaphore, #tpu.memory_space<semaphore_mem>>)
        %dma_start3A_731 = arith.constant 3 : i32
        %dma_start3A_732 = arith.constant 192 : i32
        %dma_start3A_733 = arith.constant 0 : i32
        %dma_start3A_734 = tpu.memref_slice %arg8[%dma_start3A_732, %dma_start3A_733] : memref<1280x32xf32, #tpu.memory_space<vmem>> -> memref<64x32xf32, #tpu.memory_space<vmem>>
        %dma_start3A_735 = arith.constant 0 : i32
        %dma_start3A_736 = tpu.memref_slice %arg6[%dma_start3A_731, %dma_start3A_735] : memref<20x64xi32, #tpu.memory_space<vmem>> -> memref<1x64xi32, #tpu.memory_space<vmem>>
        %dma_start3A_737 = tpu.memref_squeeze %dma_start3A_736 : memref<1x64xi32, #tpu.memory_space<vmem>> -> memref<64xi32, #tpu.memory_space<vmem>>
        %dma_start3A_738 = arith.constant 0 : i32
        %dma_start3A_739 = arith.constant 0 : i32
        %dma_start3A_740 = tpu.memref_slice %arg4[%dma_start3A_738, %dma_start3A_739] : memref<1000000x32xf32, #tpu.memory_space<hbm>> -> memref<1000000x32xf32, #tpu.memory_space<hbm>>
        tpu.enqueue_indirect_dma source(%dma_start3A_740 : memref<1000000x32xf32, #tpu.memory_space<hbm>>) target(%dma_start3A_734 : memref<64x32xf32, #tpu.memory_space<vmem>>) offsets(%dma_start3A_737 : memref<64xi32, #tpu.memory_space<vmem>>) semaphore(%arg13 : memref<!tpu.dma_semaphore, #tpu.memory_space<semaphore_mem>>)
        %dma_start3A_741 = arith.constant 4 : i32
        %dma_start3A_742 = arith.constant 256 : i32
        %dma_start3A_743 = arith.constant 0 : i32
        %dma_start3A_744 = tpu.memref_slice %arg8[%dma_start3A_742, %dma_start3A_743] : memref<1280x32xf32, #tpu.memory_space<vmem>> -> memref<64x32xf32, #tpu.memory_space<vmem>>
        %dma_start3A_745 = arith.constant 0 : i32
        %dma_start3A_746 = tpu.memref_slice %arg6[%dma_start3A_741, %dma_start3A_745] : memref<20x64xi32, #tpu.memory_space<vmem>> -> memref<1x64xi32, #tpu.memory_space<vmem>>
        %dma_start3A_747 = tpu.memref_squeeze %dma_start3A_746 : memref<1x64xi32, #tpu.memory_space<vmem>> -> memref<64xi32, #tpu.memory_space<vmem>>
        %dma_start3A_748 = arith.constant 0 : i32
        %dma_start3A_749 = arith.constant 0 : i32
        %dma_start3A_750 = tpu.memref_slice %arg4[%dma_start3A_748, %dma_start3A_749] : memref<1000000x32xf32, #tpu.memory_space<hbm>> -> memref<1000000x32xf32, #tpu.memory_space<hbm>>
        tpu.enqueue_indirect_dma source(%dma_start3A_750 : memref<1000000x32xf32, #tpu.memory_space<hbm>>) target(%dma_start3A_744 : memref<64x32xf32, #tpu.memory_space<vmem>>) offsets(%dma_start3A_747 : memref<64xi32, #tpu.memory_space<vmem>>) semaphore(%arg13 : memref<!tpu.dma_semaphore, #tpu.memory_space<semaphore_mem>>)
        %dma_start3A_751 = arith.constant 5 : i32
        %dma_start3A_752 = arith.constant 320 : i32
        %dma_start3A_753 = arith.constant 0 : i32
        %dma_start3A_754 = tpu.memref_slice %arg8[%dma_start3A_752, %dma_start3A_753] : memref<1280x32xf32, #tpu.memory_space<vmem>> -> memref<64x32xf32, #tpu.memory_space<vmem>>
        %dma_start3A_755 = arith.constant 0 : i32
        %dma_start3A_756 = tpu.memref_slice %arg6[%dma_start3A_751, %dma_start3A_755] : memref<20x64xi32, #tpu.memory_space<vmem>> -> memref<1x64xi32, #tpu.memory_space<vmem>>
        %dma_start3A_757 = tpu.memref_squeeze %dma_start3A_756 : memref<1x64xi32, #tpu.memory_space<vmem>> -> memref<64xi32, #tpu.memory_space<vmem>>
        %dma_start3A_758 = arith.constant 0 : i32
        %dma_start3A_759 = arith.constant 0 : i32
        %dma_start3A_760 = tpu.memref_slice %arg4[%dma_start3A_758, %dma_start3A_759] : memref<1000000x32xf32, #tpu.memory_space<hbm>> -> memref<1000000x32xf32, #tpu.memory_space<hbm>>
        tpu.enqueue_indirect_dma source(%dma_start3A_760 : memref<1000000x32xf32, #tpu.memory_space<hbm>>) target(%dma_start3A_754 : memref<64x32xf32, #tpu.memory_space<vmem>>) offsets(%dma_start3A_757 : memref<64xi32, #tpu.memory_space<vmem>>) semaphore(%arg13 : memref<!tpu.dma_semaphore, #tpu.memory_space<semaphore_mem>>)
        %dma_start3A_761 = arith.constant 6 : i32
        %dma_start3A_762 = arith.constant 384 : i32
        %dma_start3A_763 = arith.constant 0 : i32
        %dma_start3A_764 = tpu.memref_slice %arg8[%dma_start3A_762, %dma_start3A_763] : memref<1280x32xf32, #tpu.memory_space<vmem>> -> memref<64x32xf32, #tpu.memory_space<vmem>>
        %dma_start3A_765 = arith.constant 0 : i32
        %dma_start3A_766 = tpu.memref_slice %arg6[%dma_start3A_761, %dma_start3A_765] : memref<20x64xi32, #tpu.memory_space<vmem>> -> memref<1x64xi32, #tpu.memory_space<vmem>>
        %dma_start3A_767 = tpu.memref_squeeze %dma_start3A_766 : memref<1x64xi32, #tpu.memory_space<vmem>> -> memref<64xi32, #tpu.memory_space<vmem>>
        %dma_start3A_768 = arith.constant 0 : i32
        %dma_start3A_769 = arith.constant 0 : i32
        %dma_start3A_770 = tpu.memref_slice %arg4[%dma_start3A_768, %dma_start3A_769] : memref<1000000x32xf32, #tpu.memory_space<hbm>> -> memref<1000000x32xf32, #tpu.memory_space<hbm>>
        tpu.enqueue_indirect_dma source(%dma_start3A_770 : memref<1000000x32xf32, #tpu.memory_space<hbm>>) target(%dma_start3A_764 : memref<64x32xf32, #tpu.memory_space<vmem>>) offsets(%dma_start3A_767 : memref<64xi32, #tpu.memory_space<vmem>>) semaphore(%arg13 : memref<!tpu.dma_semaphore, #tpu.memory_space<semaphore_mem>>)
        %dma_start3A_771 = arith.constant 7 : i32
        %dma_start3A_772 = arith.constant 448 : i32
        %dma_start3A_773 = arith.constant 0 : i32
        %dma_start3A_774 = tpu.memref_slice %arg8[%dma_start3A_772, %dma_start3A_773] : memref<1280x32xf32, #tpu.memory_space<vmem>> -> memref<64x32xf32, #tpu.memory_space<vmem>>
        %dma_start3A_775 = arith.constant 0 : i32
        %dma_start3A_776 = tpu.memref_slice %arg6[%dma_start3A_771, %dma_start3A_775] : memref<20x64xi32, #tpu.memory_space<vmem>> -> memref<1x64xi32, #tpu.memory_space<vmem>>
        %dma_start3A_777 = tpu.memref_squeeze %dma_start3A_776 : memref<1x64xi32, #tpu.memory_space<vmem>> -> memref<64xi32, #tpu.memory_space<vmem>>
        %dma_start3A_778 = arith.constant 0 : i32
        %dma_start3A_779 = arith.constant 0 : i32
        %dma_start3A_780 = tpu.memref_slice %arg4[%dma_start3A_778, %dma_start3A_779] : memref<1000000x32xf32, #tpu.memory_space<hbm>> -> memref<1000000x32xf32, #tpu.memory_space<hbm>>
        tpu.enqueue_indirect_dma source(%dma_start3A_780 : memref<1000000x32xf32, #tpu.memory_space<hbm>>) target(%dma_start3A_774 : memref<64x32xf32, #tpu.memory_space<vmem>>) offsets(%dma_start3A_777 : memref<64xi32, #tpu.memory_space<vmem>>) semaphore(%arg13 : memref<!tpu.dma_semaphore, #tpu.memory_space<semaphore_mem>>)
        %dma_start3A_781 = arith.constant 8 : i32
        %dma_start3A_782 = arith.constant 512 : i32
        %dma_start3A_783 = arith.constant 0 : i32
        %dma_start3A_784 = tpu.memref_slice %arg8[%dma_start3A_782, %dma_start3A_783] : memref<1280x32xf32, #tpu.memory_space<vmem>> -> memref<64x32xf32, #tpu.memory_space<vmem>>
        %dma_start3A_785 = arith.constant 0 : i32
        %dma_start3A_786 = tpu.memref_slice %arg6[%dma_start3A_781, %dma_start3A_785] : memref<20x64xi32, #tpu.memory_space<vmem>> -> memref<1x64xi32, #tpu.memory_space<vmem>>
        %dma_start3A_787 = tpu.memref_squeeze %dma_start3A_786 : memref<1x64xi32, #tpu.memory_space<vmem>> -> memref<64xi32, #tpu.memory_space<vmem>>
        %dma_start3A_788 = arith.constant 0 : i32
        %dma_start3A_789 = arith.constant 0 : i32
        %dma_start3A_790 = tpu.memref_slice %arg4[%dma_start3A_788, %dma_start3A_789] : memref<1000000x32xf32, #tpu.memory_space<hbm>> -> memref<1000000x32xf32, #tpu.memory_space<hbm>>
        tpu.enqueue_indirect_dma source(%dma_start3A_790 : memref<1000000x32xf32, #tpu.memory_space<hbm>>) target(%dma_start3A_784 : memref<64x32xf32, #tpu.memory_space<vmem>>) offsets(%dma_start3A_787 : memref<64xi32, #tpu.memory_space<vmem>>) semaphore(%arg13 : memref<!tpu.dma_semaphore, #tpu.memory_space<semaphore_mem>>)
        %dma_start3A_791 = arith.constant 9 : i32
        %dma_start3A_792 = arith.constant 576 : i32
        %dma_start3A_793 = arith.constant 0 : i32
        %dma_start3A_794 = tpu.memref_slice %arg8[%dma_start3A_792, %dma_start3A_793] : memref<1280x32xf32, #tpu.memory_space<vmem>> -> memref<64x32xf32, #tpu.memory_space<vmem>>
        %dma_start3A_795 = arith.constant 0 : i32
        %dma_start3A_796 = tpu.memref_slice %arg6[%dma_start3A_791, %dma_start3A_795] : memref<20x64xi32, #tpu.memory_space<vmem>> -> memref<1x64xi32, #tpu.memory_space<vmem>>
        %dma_start3A_797 = tpu.memref_squeeze %dma_start3A_796 : memref<1x64xi32, #tpu.memory_space<vmem>> -> memref<64xi32, #tpu.memory_space<vmem>>
        %dma_start3A_798 = arith.constant 0 : i32
        %dma_start3A_799 = arith.constant 0 : i32
        %dma_start3A_800 = tpu.memref_slice %arg4[%dma_start3A_798, %dma_start3A_799] : memref<1000000x32xf32, #tpu.memory_space<hbm>> -> memref<1000000x32xf32, #tpu.memory_space<hbm>>
        tpu.enqueue_indirect_dma source(%dma_start3A_800 : memref<1000000x32xf32, #tpu.memory_space<hbm>>) target(%dma_start3A_794 : memref<64x32xf32, #tpu.memory_space<vmem>>) offsets(%dma_start3A_797 : memref<64xi32, #tpu.memory_space<vmem>>) semaphore(%arg13 : memref<!tpu.dma_semaphore, #tpu.memory_space<semaphore_mem>>)
        %dma_start3A_801 = arith.constant 10 : i32
        %dma_start3A_802 = arith.constant 640 : i32
        %dma_start3A_803 = arith.constant 0 : i32
        %dma_start3A_804 = tpu.memref_slice %arg8[%dma_start3A_802, %dma_start3A_803] : memref<1280x32xf32, #tpu.memory_space<vmem>> -> memref<64x32xf32, #tpu.memory_space<vmem>>
        %dma_start3A_805 = arith.constant 0 : i32
        %dma_start3A_806 = tpu.memref_slice %arg6[%dma_start3A_801, %dma_start3A_805] : memref<20x64xi32, #tpu.memory_space<vmem>> -> memref<1x64xi32, #tpu.memory_space<vmem>>
        %dma_start3A_807 = tpu.memref_squeeze %dma_start3A_806 : memref<1x64xi32, #tpu.memory_space<vmem>> -> memref<64xi32, #tpu.memory_space<vmem>>
        %dma_start3A_808 = arith.constant 0 : i32
        %dma_start3A_809 = arith.constant 0 : i32
        %dma_start3A_810 = tpu.memref_slice %arg4[%dma_start3A_808, %dma_start3A_809] : memref<1000000x32xf32, #tpu.memory_space<hbm>> -> memref<1000000x32xf32, #tpu.memory_space<hbm>>
        tpu.enqueue_indirect_dma source(%dma_start3A_810 : memref<1000000x32xf32, #tpu.memory_space<hbm>>) target(%dma_start3A_804 : memref<64x32xf32, #tpu.memory_space<vmem>>) offsets(%dma_start3A_807 : memref<64xi32, #tpu.memory_space<vmem>>) semaphore(%arg13 : memref<!tpu.dma_semaphore, #tpu.memory_space<semaphore_mem>>)
        %dma_start3A_811 = arith.constant 11 : i32
        %dma_start3A_812 = arith.constant 704 : i32
        %dma_start3A_813 = arith.constant 0 : i32
        %dma_start3A_814 = tpu.memref_slice %arg8[%dma_start3A_812, %dma_start3A_813] : memref<1280x32xf32, #tpu.memory_space<vmem>> -> memref<64x32xf32, #tpu.memory_space<vmem>>
        %dma_start3A_815 = arith.constant 0 : i32
        %dma_start3A_816 = tpu.memref_slice %arg6[%dma_start3A_811, %dma_start3A_815] : memref<20x64xi32, #tpu.memory_space<vmem>> -> memref<1x64xi32, #tpu.memory_space<vmem>>
        %dma_start3A_817 = tpu.memref_squeeze %dma_start3A_816 : memref<1x64xi32, #tpu.memory_space<vmem>> -> memref<64xi32, #tpu.memory_space<vmem>>
        %dma_start3A_818 = arith.constant 0 : i32
        %dma_start3A_819 = arith.constant 0 : i32
        %dma_start3A_820 = tpu.memref_slice %arg4[%dma_start3A_818, %dma_start3A_819] : memref<1000000x32xf32, #tpu.memory_space<hbm>> -> memref<1000000x32xf32, #tpu.memory_space<hbm>>
        tpu.enqueue_indirect_dma source(%dma_start3A_820 : memref<1000000x32xf32, #tpu.memory_space<hbm>>) target(%dma_start3A_814 : memref<64x32xf32, #tpu.memory_space<vmem>>) offsets(%dma_start3A_817 : memref<64xi32, #tpu.memory_space<vmem>>) semaphore(%arg13 : memref<!tpu.dma_semaphore, #tpu.memory_space<semaphore_mem>>)
        %dma_start3A_821 = arith.constant 12 : i32
        %dma_start3A_822 = arith.constant 768 : i32
        %dma_start3A_823 = arith.constant 0 : i32
        %dma_start3A_824 = tpu.memref_slice %arg8[%dma_start3A_822, %dma_start3A_823] : memref<1280x32xf32, #tpu.memory_space<vmem>> -> memref<64x32xf32, #tpu.memory_space<vmem>>
        %dma_start3A_825 = arith.constant 0 : i32
        %dma_start3A_826 = tpu.memref_slice %arg6[%dma_start3A_821, %dma_start3A_825] : memref<20x64xi32, #tpu.memory_space<vmem>> -> memref<1x64xi32, #tpu.memory_space<vmem>>
        %dma_start3A_827 = tpu.memref_squeeze %dma_start3A_826 : memref<1x64xi32, #tpu.memory_space<vmem>> -> memref<64xi32, #tpu.memory_space<vmem>>
        %dma_start3A_828 = arith.constant 0 : i32
        %dma_start3A_829 = arith.constant 0 : i32
        %dma_start3A_830 = tpu.memref_slice %arg4[%dma_start3A_828, %dma_start3A_829] : memref<1000000x32xf32, #tpu.memory_space<hbm>> -> memref<1000000x32xf32, #tpu.memory_space<hbm>>
        tpu.enqueue_indirect_dma source(%dma_start3A_830 : memref<1000000x32xf32, #tpu.memory_space<hbm>>) target(%dma_start3A_824 : memref<64x32xf32, #tpu.memory_space<vmem>>) offsets(%dma_start3A_827 : memref<64xi32, #tpu.memory_space<vmem>>) semaphore(%arg13 : memref<!tpu.dma_semaphore, #tpu.memory_space<semaphore_mem>>)
        %dma_start3A_831 = arith.constant 13 : i32
        %dma_start3A_832 = arith.constant 832 : i32
        %dma_start3A_833 = arith.constant 0 : i32
        %dma_start3A_834 = tpu.memref_slice %arg8[%dma_start3A_832, %dma_start3A_833] : memref<1280x32xf32, #tpu.memory_space<vmem>> -> memref<64x32xf32, #tpu.memory_space<vmem>>
        %dma_start3A_835 = arith.constant 0 : i32
        %dma_start3A_836 = tpu.memref_slice %arg6[%dma_start3A_831, %dma_start3A_835] : memref<20x64xi32, #tpu.memory_space<vmem>> -> memref<1x64xi32, #tpu.memory_space<vmem>>
        %dma_start3A_837 = tpu.memref_squeeze %dma_start3A_836 : memref<1x64xi32, #tpu.memory_space<vmem>> -> memref<64xi32, #tpu.memory_space<vmem>>
        %dma_start3A_838 = arith.constant 0 : i32
        %dma_start3A_839 = arith.constant 0 : i32
        %dma_start3A_840 = tpu.memref_slice %arg4[%dma_start3A_838, %dma_start3A_839] : memref<1000000x32xf32, #tpu.memory_space<hbm>> -> memref<1000000x32xf32, #tpu.memory_space<hbm>>
        tpu.enqueue_indirect_dma source(%dma_start3A_840 : memref<1000000x32xf32, #tpu.memory_space<hbm>>) target(%dma_start3A_834 : memref<64x32xf32, #tpu.memory_space<vmem>>) offsets(%dma_start3A_837 : memref<64xi32, #tpu.memory_space<vmem>>) semaphore(%arg13 : memref<!tpu.dma_semaphore, #tpu.memory_space<semaphore_mem>>)
        %dma_start3A_841 = arith.constant 14 : i32
        %dma_start3A_842 = arith.constant 896 : i32
        %dma_start3A_843 = arith.constant 0 : i32
        %dma_start3A_844 = tpu.memref_slice %arg8[%dma_start3A_842, %dma_start3A_843] : memref<1280x32xf32, #tpu.memory_space<vmem>> -> memref<64x32xf32, #tpu.memory_space<vmem>>
        %dma_start3A_845 = arith.constant 0 : i32
        %dma_start3A_846 = tpu.memref_slice %arg6[%dma_start3A_841, %dma_start3A_845] : memref<20x64xi32, #tpu.memory_space<vmem>> -> memref<1x64xi32, #tpu.memory_space<vmem>>
        %dma_start3A_847 = tpu.memref_squeeze %dma_start3A_846 : memref<1x64xi32, #tpu.memory_space<vmem>> -> memref<64xi32, #tpu.memory_space<vmem>>
        %dma_start3A_848 = arith.constant 0 : i32
        %dma_start3A_849 = arith.constant 0 : i32
        %dma_start3A_850 = tpu.memref_slice %arg4[%dma_start3A_848, %dma_start3A_849] : memref<1000000x32xf32, #tpu.memory_space<hbm>> -> memref<1000000x32xf32, #tpu.memory_space<hbm>>
        tpu.enqueue_indirect_dma source(%dma_start3A_850 : memref<1000000x32xf32, #tpu.memory_space<hbm>>) target(%dma_start3A_844 : memref<64x32xf32, #tpu.memory_space<vmem>>) offsets(%dma_start3A_847 : memref<64xi32, #tpu.memory_space<vmem>>) semaphore(%arg13 : memref<!tpu.dma_semaphore, #tpu.memory_space<semaphore_mem>>)
        %dma_start3A_851 = arith.constant 15 : i32
        %dma_start3A_852 = arith.constant 960 : i32
        %dma_start3A_853 = arith.constant 0 : i32
        %dma_start3A_854 = tpu.memref_slice %arg8[%dma_start3A_852, %dma_start3A_853] : memref<1280x32xf32, #tpu.memory_space<vmem>> -> memref<64x32xf32, #tpu.memory_space<vmem>>
        %dma_start3A_855 = arith.constant 0 : i32
        %dma_start3A_856 = tpu.memref_slice %arg6[%dma_start3A_851, %dma_start3A_855] : memref<20x64xi32, #tpu.memory_space<vmem>> -> memref<1x64xi32, #tpu.memory_space<vmem>>
        %dma_start3A_857 = tpu.memref_squeeze %dma_start3A_856 : memref<1x64xi32, #tpu.memory_space<vmem>> -> memref<64xi32, #tpu.memory_space<vmem>>
        %dma_start3A_858 = arith.constant 0 : i32
        %dma_start3A_859 = arith.constant 0 : i32
        %dma_start3A_860 = tpu.memref_slice %arg4[%dma_start3A_858, %dma_start3A_859] : memref<1000000x32xf32, #tpu.memory_space<hbm>> -> memref<1000000x32xf32, #tpu.memory_space<hbm>>
        tpu.enqueue_indirect_dma source(%dma_start3A_860 : memref<1000000x32xf32, #tpu.memory_space<hbm>>) target(%dma_start3A_854 : memref<64x32xf32, #tpu.memory_space<vmem>>) offsets(%dma_start3A_857 : memref<64xi32, #tpu.memory_space<vmem>>) semaphore(%arg13 : memref<!tpu.dma_semaphore, #tpu.memory_space<semaphore_mem>>)
        %dma_start3A_861 = arith.constant 16 : i32
        %dma_start3A_862 = arith.constant 1024 : i32
        %dma_start3A_863 = arith.constant 0 : i32
        %dma_start3A_864 = tpu.memref_slice %arg8[%dma_start3A_862, %dma_start3A_863] : memref<1280x32xf32, #tpu.memory_space<vmem>> -> memref<64x32xf32, #tpu.memory_space<vmem>>
        %dma_start3A_865 = arith.constant 0 : i32
        %dma_start3A_866 = tpu.memref_slice %arg6[%dma_start3A_861, %dma_start3A_865] : memref<20x64xi32, #tpu.memory_space<vmem>> -> memref<1x64xi32, #tpu.memory_space<vmem>>
        %dma_start3A_867 = tpu.memref_squeeze %dma_start3A_866 : memref<1x64xi32, #tpu.memory_space<vmem>> -> memref<64xi32, #tpu.memory_space<vmem>>
        %dma_start3A_868 = arith.constant 0 : i32
        %dma_start3A_869 = arith.constant 0 : i32
        %dma_start3A_870 = tpu.memref_slice %arg4[%dma_start3A_868, %dma_start3A_869] : memref<1000000x32xf32, #tpu.memory_space<hbm>> -> memref<1000000x32xf32, #tpu.memory_space<hbm>>
        tpu.enqueue_indirect_dma source(%dma_start3A_870 : memref<1000000x32xf32, #tpu.memory_space<hbm>>) target(%dma_start3A_864 : memref<64x32xf32, #tpu.memory_space<vmem>>) offsets(%dma_start3A_867 : memref<64xi32, #tpu.memory_space<vmem>>) semaphore(%arg13 : memref<!tpu.dma_semaphore, #tpu.memory_space<semaphore_mem>>)
        %dma_start3A_871 = arith.constant 17 : i32
        %dma_start3A_872 = arith.constant 1088 : i32
        %dma_start3A_873 = arith.constant 0 : i32
        %dma_start3A_874 = tpu.memref_slice %arg8[%dma_start3A_872, %dma_start3A_873] : memref<1280x32xf32, #tpu.memory_space<vmem>> -> memref<64x32xf32, #tpu.memory_space<vmem>>
        %dma_start3A_875 = arith.constant 0 : i32
        %dma_start3A_876 = tpu.memref_slice %arg6[%dma_start3A_871, %dma_start3A_875] : memref<20x64xi32, #tpu.memory_space<vmem>> -> memref<1x64xi32, #tpu.memory_space<vmem>>
        %dma_start3A_877 = tpu.memref_squeeze %dma_start3A_876 : memref<1x64xi32, #tpu.memory_space<vmem>> -> memref<64xi32, #tpu.memory_space<vmem>>
        %dma_start3A_878 = arith.constant 0 : i32
        %dma_start3A_879 = arith.constant 0 : i32
        %dma_start3A_880 = tpu.memref_slice %arg4[%dma_start3A_878, %dma_start3A_879] : memref<1000000x32xf32, #tpu.memory_space<hbm>> -> memref<1000000x32xf32, #tpu.memory_space<hbm>>
        tpu.enqueue_indirect_dma source(%dma_start3A_880 : memref<1000000x32xf32, #tpu.memory_space<hbm>>) target(%dma_start3A_874 : memref<64x32xf32, #tpu.memory_space<vmem>>) offsets(%dma_start3A_877 : memref<64xi32, #tpu.memory_space<vmem>>) semaphore(%arg13 : memref<!tpu.dma_semaphore, #tpu.memory_space<semaphore_mem>>)
        %dma_start3A_881 = arith.constant 18 : i32
        %dma_start3A_882 = arith.constant 1152 : i32
        %dma_start3A_883 = arith.constant 0 : i32
        %dma_start3A_884 = tpu.memref_slice %arg8[%dma_start3A_882, %dma_start3A_883] : memref<1280x32xf32, #tpu.memory_space<vmem>> -> memref<64x32xf32, #tpu.memory_space<vmem>>
        %dma_start3A_885 = arith.constant 0 : i32
        %dma_start3A_886 = tpu.memref_slice %arg6[%dma_start3A_881, %dma_start3A_885] : memref<20x64xi32, #tpu.memory_space<vmem>> -> memref<1x64xi32, #tpu.memory_space<vmem>>
        %dma_start3A_887 = tpu.memref_squeeze %dma_start3A_886 : memref<1x64xi32, #tpu.memory_space<vmem>> -> memref<64xi32, #tpu.memory_space<vmem>>
        %dma_start3A_888 = arith.constant 0 : i32
        %dma_start3A_889 = arith.constant 0 : i32
        %dma_start3A_890 = tpu.memref_slice %arg4[%dma_start3A_888, %dma_start3A_889] : memref<1000000x32xf32, #tpu.memory_space<hbm>> -> memref<1000000x32xf32, #tpu.memory_space<hbm>>
        tpu.enqueue_indirect_dma source(%dma_start3A_890 : memref<1000000x32xf32, #tpu.memory_space<hbm>>) target(%dma_start3A_884 : memref<64x32xf32, #tpu.memory_space<vmem>>) offsets(%dma_start3A_887 : memref<64xi32, #tpu.memory_space<vmem>>) semaphore(%arg13 : memref<!tpu.dma_semaphore, #tpu.memory_space<semaphore_mem>>)
        %dma_start3A_891 = arith.constant 19 : i32
        %dma_start3A_892 = arith.constant 1216 : i32
        %dma_start3A_893 = arith.constant 0 : i32
        %dma_start3A_894 = tpu.memref_slice %arg8[%dma_start3A_892, %dma_start3A_893] : memref<1280x32xf32, #tpu.memory_space<vmem>> -> memref<64x32xf32, #tpu.memory_space<vmem>>
        %dma_start3A_895 = arith.constant 0 : i32
        %dma_start3A_896 = tpu.memref_slice %arg6[%dma_start3A_891, %dma_start3A_895] : memref<20x64xi32, #tpu.memory_space<vmem>> -> memref<1x64xi32, #tpu.memory_space<vmem>>
        %dma_start3A_897 = tpu.memref_squeeze %dma_start3A_896 : memref<1x64xi32, #tpu.memory_space<vmem>> -> memref<64xi32, #tpu.memory_space<vmem>>
        %dma_start3A_898 = arith.constant 0 : i32
        %dma_start3A_899 = arith.constant 0 : i32
        %dma_start3A_900 = tpu.memref_slice %arg4[%dma_start3A_898, %dma_start3A_899] : memref<1000000x32xf32, #tpu.memory_space<hbm>> -> memref<1000000x32xf32, #tpu.memory_space<hbm>>
        tpu.enqueue_indirect_dma source(%dma_start3A_900 : memref<1000000x32xf32, #tpu.memory_space<hbm>>) target(%dma_start3A_894 : memref<64x32xf32, #tpu.memory_space<vmem>>) offsets(%dma_start3A_897 : memref<64xi32, #tpu.memory_space<vmem>>) semaphore(%arg13 : memref<!tpu.dma_semaphore, #tpu.memory_space<semaphore_mem>>)
        "tpu.region"() ({
          %run_scoped3A = tpu.sem_alloc : memref<!tpu.dma_semaphore, #tpu.memory_space<semaphore_mem>>
          %dma_start3A_901 = arith.constant 0 : i32
          %dma_start3A_902 = tpu.memref_slice %arg3[%dma_start3A_901, %add3A_700] : memref<20x16384xf32, #tpu.memory_space<hbm>> -> memref<20x64xf32, #tpu.memory_space<hbm>>
          %dma_start3A_903 = arith.constant 0 : i32
          %dma_start3A_904 = tpu.memref_slice %arg3[%dma_start3A_903, %add3A_700] : memref<20x16384xf32, #tpu.memory_space<hbm>> -> memref<20x64xf32, #tpu.memory_space<hbm>>
          tpu.enqueue_dma source(%dma_start3A_904 : memref<20x64xf32, #tpu.memory_space<hbm>>) target(%arg10 : memref<20x64xf32, #tpu.memory_space<vmem>>) target_semaphore(%run_scoped3A : memref<!tpu.dma_semaphore, #tpu.memory_space<semaphore_mem>>)
          %dma_wait3A_905 = arith.constant 0 : i32
          %dma_wait3A_906 = tpu.memref_slice %arg3[%dma_wait3A_905, %add3A_700] : memref<20x16384xf32, #tpu.memory_space<hbm>> -> memref<20x64xf32, #tpu.memory_space<hbm>>
          %dma_wait3A_907 = arith.constant 0 : i32
          %dma_wait3A_908 = tpu.memref_slice %arg3[%dma_wait3A_907, %add3A_700] : memref<20x16384xf32, #tpu.memory_space<hbm>> -> memref<20x64xf32, #tpu.memory_space<hbm>>
          tpu.wait_dma2 semaphore(%run_scoped3A : memref<!tpu.dma_semaphore, #tpu.memory_space<semaphore_mem>>) src(%dma_wait3A_908 : memref<20x64xf32, #tpu.memory_space<hbm>>) dst(%arg10 : memref<20x64xf32, #tpu.memory_space<vmem>>)
          tpu.yield
        }) : () -> ()
      } else {
      }
      %dma_wait3A_458 = arith.constant 0 : i32
      %dma_wait3A_459 = arith.constant 0 : i32
      %dma_wait3A_460 = arith.constant 0 : i32
      %dma_wait3A_461 = tpu.memref_slice %arg9[%dma_wait3A_459, %dma_wait3A_460] : memref<1280x32xf32, #tpu.memory_space<vmem>> -> memref<64x32xf32, #tpu.memory_space<vmem>>
      %dma_wait3A_462 = arith.constant 0 : i32
      %dma_wait3A_463 = tpu.memref_slice %arg7[%dma_wait3A_458, %dma_wait3A_462] : memref<20x64xi32, #tpu.memory_space<vmem>> -> memref<1x64xi32, #tpu.memory_space<vmem>>
      %dma_wait3A_464 = tpu.memref_squeeze %dma_wait3A_463 : memref<1x64xi32, #tpu.memory_space<vmem>> -> memref<64xi32, #tpu.memory_space<vmem>>
      %dma_wait3A_465 = arith.constant 0 : i32
      %dma_wait3A_466 = arith.constant 0 : i32
      %dma_wait3A_467 = tpu.memref_slice %arg4[%dma_wait3A_465, %dma_wait3A_466] : memref<1000000x32xf32, #tpu.memory_space<hbm>> -> memref<1000000x32xf32, #tpu.memory_space<hbm>>
      tpu.wait_indirect_dma semaphore(%arg14 : memref<!tpu.dma_semaphore, #tpu.memory_space<semaphore_mem>>) src(%dma_wait3A_467 : memref<1000000x32xf32, #tpu.memory_space<hbm>>) dst(%dma_wait3A_461 : memref<64x32xf32, #tpu.memory_space<vmem>>)
      %dma_wait3A_468 = arith.constant 1 : i32
      %dma_wait3A_469 = arith.constant 64 : i32
      %dma_wait3A_470 = arith.constant 0 : i32
      %dma_wait3A_471 = tpu.memref_slice %arg9[%dma_wait3A_469, %dma_wait3A_470] : memref<1280x32xf32, #tpu.memory_space<vmem>> -> memref<64x32xf32, #tpu.memory_space<vmem>>
      %dma_wait3A_472 = arith.constant 0 : i32
      %dma_wait3A_473 = tpu.memref_slice %arg7[%dma_wait3A_468, %dma_wait3A_472] : memref<20x64xi32, #tpu.memory_space<vmem>> -> memref<1x64xi32, #tpu.memory_space<vmem>>
      %dma_wait3A_474 = tpu.memref_squeeze %dma_wait3A_473 : memref<1x64xi32, #tpu.memory_space<vmem>> -> memref<64xi32, #tpu.memory_space<vmem>>
      %dma_wait3A_475 = arith.constant 0 : i32
      %dma_wait3A_476 = arith.constant 0 : i32
      %dma_wait3A_477 = tpu.memref_slice %arg4[%dma_wait3A_475, %dma_wait3A_476] : memref<1000000x32xf32, #tpu.memory_space<hbm>> -> memref<1000000x32xf32, #tpu.memory_space<hbm>>
      tpu.wait_indirect_dma semaphore(%arg14 : memref<!tpu.dma_semaphore, #tpu.memory_space<semaphore_mem>>) src(%dma_wait3A_477 : memref<1000000x32xf32, #tpu.memory_space<hbm>>) dst(%dma_wait3A_471 : memref<64x32xf32, #tpu.memory_space<vmem>>)
      %dma_wait3A_478 = arith.constant 2 : i32
      %dma_wait3A_479 = arith.constant 128 : i32
      %dma_wait3A_480 = arith.constant 0 : i32
      %dma_wait3A_481 = tpu.memref_slice %arg9[%dma_wait3A_479, %dma_wait3A_480] : memref<1280x32xf32, #tpu.memory_space<vmem>> -> memref<64x32xf32, #tpu.memory_space<vmem>>
      %dma_wait3A_482 = arith.constant 0 : i32
      %dma_wait3A_483 = tpu.memref_slice %arg7[%dma_wait3A_478, %dma_wait3A_482] : memref<20x64xi32, #tpu.memory_space<vmem>> -> memref<1x64xi32, #tpu.memory_space<vmem>>
      %dma_wait3A_484 = tpu.memref_squeeze %dma_wait3A_483 : memref<1x64xi32, #tpu.memory_space<vmem>> -> memref<64xi32, #tpu.memory_space<vmem>>
      %dma_wait3A_485 = arith.constant 0 : i32
      %dma_wait3A_486 = arith.constant 0 : i32
      %dma_wait3A_487 = tpu.memref_slice %arg4[%dma_wait3A_485, %dma_wait3A_486] : memref<1000000x32xf32, #tpu.memory_space<hbm>> -> memref<1000000x32xf32, #tpu.memory_space<hbm>>
      tpu.wait_indirect_dma semaphore(%arg14 : memref<!tpu.dma_semaphore, #tpu.memory_space<semaphore_mem>>) src(%dma_wait3A_487 : memref<1000000x32xf32, #tpu.memory_space<hbm>>) dst(%dma_wait3A_481 : memref<64x32xf32, #tpu.memory_space<vmem>>)
      %dma_wait3A_488 = arith.constant 3 : i32
      %dma_wait3A_489 = arith.constant 192 : i32
      %dma_wait3A_490 = arith.constant 0 : i32
      %dma_wait3A_491 = tpu.memref_slice %arg9[%dma_wait3A_489, %dma_wait3A_490] : memref<1280x32xf32, #tpu.memory_space<vmem>> -> memref<64x32xf32, #tpu.memory_space<vmem>>
      %dma_wait3A_492 = arith.constant 0 : i32
      %dma_wait3A_493 = tpu.memref_slice %arg7[%dma_wait3A_488, %dma_wait3A_492] : memref<20x64xi32, #tpu.memory_space<vmem>> -> memref<1x64xi32, #tpu.memory_space<vmem>>
      %dma_wait3A_494 = tpu.memref_squeeze %dma_wait3A_493 : memref<1x64xi32, #tpu.memory_space<vmem>> -> memref<64xi32, #tpu.memory_space<vmem>>
      %dma_wait3A_495 = arith.constant 0 : i32
      %dma_wait3A_496 = arith.constant 0 : i32
      %dma_wait3A_497 = tpu.memref_slice %arg4[%dma_wait3A_495, %dma_wait3A_496] : memref<1000000x32xf32, #tpu.memory_space<hbm>> -> memref<1000000x32xf32, #tpu.memory_space<hbm>>
      tpu.wait_indirect_dma semaphore(%arg14 : memref<!tpu.dma_semaphore, #tpu.memory_space<semaphore_mem>>) src(%dma_wait3A_497 : memref<1000000x32xf32, #tpu.memory_space<hbm>>) dst(%dma_wait3A_491 : memref<64x32xf32, #tpu.memory_space<vmem>>)
      %dma_wait3A_498 = arith.constant 4 : i32
      %dma_wait3A_499 = arith.constant 256 : i32
      %dma_wait3A_500 = arith.constant 0 : i32
      %dma_wait3A_501 = tpu.memref_slice %arg9[%dma_wait3A_499, %dma_wait3A_500] : memref<1280x32xf32, #tpu.memory_space<vmem>> -> memref<64x32xf32, #tpu.memory_space<vmem>>
      %dma_wait3A_502 = arith.constant 0 : i32
      %dma_wait3A_503 = tpu.memref_slice %arg7[%dma_wait3A_498, %dma_wait3A_502] : memref<20x64xi32, #tpu.memory_space<vmem>> -> memref<1x64xi32, #tpu.memory_space<vmem>>
      %dma_wait3A_504 = tpu.memref_squeeze %dma_wait3A_503 : memref<1x64xi32, #tpu.memory_space<vmem>> -> memref<64xi32, #tpu.memory_space<vmem>>
      %dma_wait3A_505 = arith.constant 0 : i32
      %dma_wait3A_506 = arith.constant 0 : i32
      %dma_wait3A_507 = tpu.memref_slice %arg4[%dma_wait3A_505, %dma_wait3A_506] : memref<1000000x32xf32, #tpu.memory_space<hbm>> -> memref<1000000x32xf32, #tpu.memory_space<hbm>>
      tpu.wait_indirect_dma semaphore(%arg14 : memref<!tpu.dma_semaphore, #tpu.memory_space<semaphore_mem>>) src(%dma_wait3A_507 : memref<1000000x32xf32, #tpu.memory_space<hbm>>) dst(%dma_wait3A_501 : memref<64x32xf32, #tpu.memory_space<vmem>>)
      %dma_wait3A_508 = arith.constant 5 : i32
      %dma_wait3A_509 = arith.constant 320 : i32
      %dma_wait3A_510 = arith.constant 0 : i32
      %dma_wait3A_511 = tpu.memref_slice %arg9[%dma_wait3A_509, %dma_wait3A_510] : memref<1280x32xf32, #tpu.memory_space<vmem>> -> memref<64x32xf32, #tpu.memory_space<vmem>>
      %dma_wait3A_512 = arith.constant 0 : i32
      %dma_wait3A_513 = tpu.memref_slice %arg7[%dma_wait3A_508, %dma_wait3A_512] : memref<20x64xi32, #tpu.memory_space<vmem>> -> memref<1x64xi32, #tpu.memory_space<vmem>>
      %dma_wait3A_514 = tpu.memref_squeeze %dma_wait3A_513 : memref<1x64xi32, #tpu.memory_space<vmem>> -> memref<64xi32, #tpu.memory_space<vmem>>
      %dma_wait3A_515 = arith.constant 0 : i32
      %dma_wait3A_516 = arith.constant 0 : i32
      %dma_wait3A_517 = tpu.memref_slice %arg4[%dma_wait3A_515, %dma_wait3A_516] : memref<1000000x32xf32, #tpu.memory_space<hbm>> -> memref<1000000x32xf32, #tpu.memory_space<hbm>>
      tpu.wait_indirect_dma semaphore(%arg14 : memref<!tpu.dma_semaphore, #tpu.memory_space<semaphore_mem>>) src(%dma_wait3A_517 : memref<1000000x32xf32, #tpu.memory_space<hbm>>) dst(%dma_wait3A_511 : memref<64x32xf32, #tpu.memory_space<vmem>>)
      %dma_wait3A_518 = arith.constant 6 : i32
      %dma_wait3A_519 = arith.constant 384 : i32
      %dma_wait3A_520 = arith.constant 0 : i32
      %dma_wait3A_521 = tpu.memref_slice %arg9[%dma_wait3A_519, %dma_wait3A_520] : memref<1280x32xf32, #tpu.memory_space<vmem>> -> memref<64x32xf32, #tpu.memory_space<vmem>>
      %dma_wait3A_522 = arith.constant 0 : i32
      %dma_wait3A_523 = tpu.memref_slice %arg7[%dma_wait3A_518, %dma_wait3A_522] : memref<20x64xi32, #tpu.memory_space<vmem>> -> memref<1x64xi32, #tpu.memory_space<vmem>>
      %dma_wait3A_524 = tpu.memref_squeeze %dma_wait3A_523 : memref<1x64xi32, #tpu.memory_space<vmem>> -> memref<64xi32, #tpu.memory_space<vmem>>
      %dma_wait3A_525 = arith.constant 0 : i32
      %dma_wait3A_526 = arith.constant 0 : i32
      %dma_wait3A_527 = tpu.memref_slice %arg4[%dma_wait3A_525, %dma_wait3A_526] : memref<1000000x32xf32, #tpu.memory_space<hbm>> -> memref<1000000x32xf32, #tpu.memory_space<hbm>>
      tpu.wait_indirect_dma semaphore(%arg14 : memref<!tpu.dma_semaphore, #tpu.memory_space<semaphore_mem>>) src(%dma_wait3A_527 : memref<1000000x32xf32, #tpu.memory_space<hbm>>) dst(%dma_wait3A_521 : memref<64x32xf32, #tpu.memory_space<vmem>>)
      %dma_wait3A_528 = arith.constant 7 : i32
      %dma_wait3A_529 = arith.constant 448 : i32
      %dma_wait3A_530 = arith.constant 0 : i32
      %dma_wait3A_531 = tpu.memref_slice %arg9[%dma_wait3A_529, %dma_wait3A_530] : memref<1280x32xf32, #tpu.memory_space<vmem>> -> memref<64x32xf32, #tpu.memory_space<vmem>>
      %dma_wait3A_532 = arith.constant 0 : i32
      %dma_wait3A_533 = tpu.memref_slice %arg7[%dma_wait3A_528, %dma_wait3A_532] : memref<20x64xi32, #tpu.memory_space<vmem>> -> memref<1x64xi32, #tpu.memory_space<vmem>>
      %dma_wait3A_534 = tpu.memref_squeeze %dma_wait3A_533 : memref<1x64xi32, #tpu.memory_space<vmem>> -> memref<64xi32, #tpu.memory_space<vmem>>
      %dma_wait3A_535 = arith.constant 0 : i32
      %dma_wait3A_536 = arith.constant 0 : i32
      %dma_wait3A_537 = tpu.memref_slice %arg4[%dma_wait3A_535, %dma_wait3A_536] : memref<1000000x32xf32, #tpu.memory_space<hbm>> -> memref<1000000x32xf32, #tpu.memory_space<hbm>>
      tpu.wait_indirect_dma semaphore(%arg14 : memref<!tpu.dma_semaphore, #tpu.memory_space<semaphore_mem>>) src(%dma_wait3A_537 : memref<1000000x32xf32, #tpu.memory_space<hbm>>) dst(%dma_wait3A_531 : memref<64x32xf32, #tpu.memory_space<vmem>>)
      %dma_wait3A_538 = arith.constant 8 : i32
      %dma_wait3A_539 = arith.constant 512 : i32
      %dma_wait3A_540 = arith.constant 0 : i32
      %dma_wait3A_541 = tpu.memref_slice %arg9[%dma_wait3A_539, %dma_wait3A_540] : memref<1280x32xf32, #tpu.memory_space<vmem>> -> memref<64x32xf32, #tpu.memory_space<vmem>>
      %dma_wait3A_542 = arith.constant 0 : i32
      %dma_wait3A_543 = tpu.memref_slice %arg7[%dma_wait3A_538, %dma_wait3A_542] : memref<20x64xi32, #tpu.memory_space<vmem>> -> memref<1x64xi32, #tpu.memory_space<vmem>>
      %dma_wait3A_544 = tpu.memref_squeeze %dma_wait3A_543 : memref<1x64xi32, #tpu.memory_space<vmem>> -> memref<64xi32, #tpu.memory_space<vmem>>
      %dma_wait3A_545 = arith.constant 0 : i32
      %dma_wait3A_546 = arith.constant 0 : i32
      %dma_wait3A_547 = tpu.memref_slice %arg4[%dma_wait3A_545, %dma_wait3A_546] : memref<1000000x32xf32, #tpu.memory_space<hbm>> -> memref<1000000x32xf32, #tpu.memory_space<hbm>>
      tpu.wait_indirect_dma semaphore(%arg14 : memref<!tpu.dma_semaphore, #tpu.memory_space<semaphore_mem>>) src(%dma_wait3A_547 : memref<1000000x32xf32, #tpu.memory_space<hbm>>) dst(%dma_wait3A_541 : memref<64x32xf32, #tpu.memory_space<vmem>>)
      %dma_wait3A_548 = arith.constant 9 : i32
      %dma_wait3A_549 = arith.constant 576 : i32
      %dma_wait3A_550 = arith.constant 0 : i32
      %dma_wait3A_551 = tpu.memref_slice %arg9[%dma_wait3A_549, %dma_wait3A_550] : memref<1280x32xf32, #tpu.memory_space<vmem>> -> memref<64x32xf32, #tpu.memory_space<vmem>>
      %dma_wait3A_552 = arith.constant 0 : i32
      %dma_wait3A_553 = tpu.memref_slice %arg7[%dma_wait3A_548, %dma_wait3A_552] : memref<20x64xi32, #tpu.memory_space<vmem>> -> memref<1x64xi32, #tpu.memory_space<vmem>>
      %dma_wait3A_554 = tpu.memref_squeeze %dma_wait3A_553 : memref<1x64xi32, #tpu.memory_space<vmem>> -> memref<64xi32, #tpu.memory_space<vmem>>
      %dma_wait3A_555 = arith.constant 0 : i32
      %dma_wait3A_556 = arith.constant 0 : i32
      %dma_wait3A_557 = tpu.memref_slice %arg4[%dma_wait3A_555, %dma_wait3A_556] : memref<1000000x32xf32, #tpu.memory_space<hbm>> -> memref<1000000x32xf32, #tpu.memory_space<hbm>>
      tpu.wait_indirect_dma semaphore(%arg14 : memref<!tpu.dma_semaphore, #tpu.memory_space<semaphore_mem>>) src(%dma_wait3A_557 : memref<1000000x32xf32, #tpu.memory_space<hbm>>) dst(%dma_wait3A_551 : memref<64x32xf32, #tpu.memory_space<vmem>>)
      %dma_wait3A_558 = arith.constant 10 : i32
      %dma_wait3A_559 = arith.constant 640 : i32
      %dma_wait3A_560 = arith.constant 0 : i32
      %dma_wait3A_561 = tpu.memref_slice %arg9[%dma_wait3A_559, %dma_wait3A_560] : memref<1280x32xf32, #tpu.memory_space<vmem>> -> memref<64x32xf32, #tpu.memory_space<vmem>>
      %dma_wait3A_562 = arith.constant 0 : i32
      %dma_wait3A_563 = tpu.memref_slice %arg7[%dma_wait3A_558, %dma_wait3A_562] : memref<20x64xi32, #tpu.memory_space<vmem>> -> memref<1x64xi32, #tpu.memory_space<vmem>>
      %dma_wait3A_564 = tpu.memref_squeeze %dma_wait3A_563 : memref<1x64xi32, #tpu.memory_space<vmem>> -> memref<64xi32, #tpu.memory_space<vmem>>
      %dma_wait3A_565 = arith.constant 0 : i32
      %dma_wait3A_566 = arith.constant 0 : i32
      %dma_wait3A_567 = tpu.memref_slice %arg4[%dma_wait3A_565, %dma_wait3A_566] : memref<1000000x32xf32, #tpu.memory_space<hbm>> -> memref<1000000x32xf32, #tpu.memory_space<hbm>>
      tpu.wait_indirect_dma semaphore(%arg14 : memref<!tpu.dma_semaphore, #tpu.memory_space<semaphore_mem>>) src(%dma_wait3A_567 : memref<1000000x32xf32, #tpu.memory_space<hbm>>) dst(%dma_wait3A_561 : memref<64x32xf32, #tpu.memory_space<vmem>>)
      %dma_wait3A_568 = arith.constant 11 : i32
      %dma_wait3A_569 = arith.constant 704 : i32
      %dma_wait3A_570 = arith.constant 0 : i32
      %dma_wait3A_571 = tpu.memref_slice %arg9[%dma_wait3A_569, %dma_wait3A_570] : memref<1280x32xf32, #tpu.memory_space<vmem>> -> memref<64x32xf32, #tpu.memory_space<vmem>>
      %dma_wait3A_572 = arith.constant 0 : i32
      %dma_wait3A_573 = tpu.memref_slice %arg7[%dma_wait3A_568, %dma_wait3A_572] : memref<20x64xi32, #tpu.memory_space<vmem>> -> memref<1x64xi32, #tpu.memory_space<vmem>>
      %dma_wait3A_574 = tpu.memref_squeeze %dma_wait3A_573 : memref<1x64xi32, #tpu.memory_space<vmem>> -> memref<64xi32, #tpu.memory_space<vmem>>
      %dma_wait3A_575 = arith.constant 0 : i32
      %dma_wait3A_576 = arith.constant 0 : i32
      %dma_wait3A_577 = tpu.memref_slice %arg4[%dma_wait3A_575, %dma_wait3A_576] : memref<1000000x32xf32, #tpu.memory_space<hbm>> -> memref<1000000x32xf32, #tpu.memory_space<hbm>>
      tpu.wait_indirect_dma semaphore(%arg14 : memref<!tpu.dma_semaphore, #tpu.memory_space<semaphore_mem>>) src(%dma_wait3A_577 : memref<1000000x32xf32, #tpu.memory_space<hbm>>) dst(%dma_wait3A_571 : memref<64x32xf32, #tpu.memory_space<vmem>>)
      %dma_wait3A_578 = arith.constant 12 : i32
      %dma_wait3A_579 = arith.constant 768 : i32
      %dma_wait3A_580 = arith.constant 0 : i32
      %dma_wait3A_581 = tpu.memref_slice %arg9[%dma_wait3A_579, %dma_wait3A_580] : memref<1280x32xf32, #tpu.memory_space<vmem>> -> memref<64x32xf32, #tpu.memory_space<vmem>>
      %dma_wait3A_582 = arith.constant 0 : i32
      %dma_wait3A_583 = tpu.memref_slice %arg7[%dma_wait3A_578, %dma_wait3A_582] : memref<20x64xi32, #tpu.memory_space<vmem>> -> memref<1x64xi32, #tpu.memory_space<vmem>>
      %dma_wait3A_584 = tpu.memref_squeeze %dma_wait3A_583 : memref<1x64xi32, #tpu.memory_space<vmem>> -> memref<64xi32, #tpu.memory_space<vmem>>
      %dma_wait3A_585 = arith.constant 0 : i32
      %dma_wait3A_586 = arith.constant 0 : i32
      %dma_wait3A_587 = tpu.memref_slice %arg4[%dma_wait3A_585, %dma_wait3A_586] : memref<1000000x32xf32, #tpu.memory_space<hbm>> -> memref<1000000x32xf32, #tpu.memory_space<hbm>>
      tpu.wait_indirect_dma semaphore(%arg14 : memref<!tpu.dma_semaphore, #tpu.memory_space<semaphore_mem>>) src(%dma_wait3A_587 : memref<1000000x32xf32, #tpu.memory_space<hbm>>) dst(%dma_wait3A_581 : memref<64x32xf32, #tpu.memory_space<vmem>>)
      %dma_wait3A_588 = arith.constant 13 : i32
      %dma_wait3A_589 = arith.constant 832 : i32
      %dma_wait3A_590 = arith.constant 0 : i32
      %dma_wait3A_591 = tpu.memref_slice %arg9[%dma_wait3A_589, %dma_wait3A_590] : memref<1280x32xf32, #tpu.memory_space<vmem>> -> memref<64x32xf32, #tpu.memory_space<vmem>>
      %dma_wait3A_592 = arith.constant 0 : i32
      %dma_wait3A_593 = tpu.memref_slice %arg7[%dma_wait3A_588, %dma_wait3A_592] : memref<20x64xi32, #tpu.memory_space<vmem>> -> memref<1x64xi32, #tpu.memory_space<vmem>>
      %dma_wait3A_594 = tpu.memref_squeeze %dma_wait3A_593 : memref<1x64xi32, #tpu.memory_space<vmem>> -> memref<64xi32, #tpu.memory_space<vmem>>
      %dma_wait3A_595 = arith.constant 0 : i32
      %dma_wait3A_596 = arith.constant 0 : i32
      %dma_wait3A_597 = tpu.memref_slice %arg4[%dma_wait3A_595, %dma_wait3A_596] : memref<1000000x32xf32, #tpu.memory_space<hbm>> -> memref<1000000x32xf32, #tpu.memory_space<hbm>>
      tpu.wait_indirect_dma semaphore(%arg14 : memref<!tpu.dma_semaphore, #tpu.memory_space<semaphore_mem>>) src(%dma_wait3A_597 : memref<1000000x32xf32, #tpu.memory_space<hbm>>) dst(%dma_wait3A_591 : memref<64x32xf32, #tpu.memory_space<vmem>>)
      %dma_wait3A_598 = arith.constant 14 : i32
      %dma_wait3A_599 = arith.constant 896 : i32
      %dma_wait3A_600 = arith.constant 0 : i32
      %dma_wait3A_601 = tpu.memref_slice %arg9[%dma_wait3A_599, %dma_wait3A_600] : memref<1280x32xf32, #tpu.memory_space<vmem>> -> memref<64x32xf32, #tpu.memory_space<vmem>>
      %dma_wait3A_602 = arith.constant 0 : i32
      %dma_wait3A_603 = tpu.memref_slice %arg7[%dma_wait3A_598, %dma_wait3A_602] : memref<20x64xi32, #tpu.memory_space<vmem>> -> memref<1x64xi32, #tpu.memory_space<vmem>>
      %dma_wait3A_604 = tpu.memref_squeeze %dma_wait3A_603 : memref<1x64xi32, #tpu.memory_space<vmem>> -> memref<64xi32, #tpu.memory_space<vmem>>
      %dma_wait3A_605 = arith.constant 0 : i32
      %dma_wait3A_606 = arith.constant 0 : i32
      %dma_wait3A_607 = tpu.memref_slice %arg4[%dma_wait3A_605, %dma_wait3A_606] : memref<1000000x32xf32, #tpu.memory_space<hbm>> -> memref<1000000x32xf32, #tpu.memory_space<hbm>>
      tpu.wait_indirect_dma semaphore(%arg14 : memref<!tpu.dma_semaphore, #tpu.memory_space<semaphore_mem>>) src(%dma_wait3A_607 : memref<1000000x32xf32, #tpu.memory_space<hbm>>) dst(%dma_wait3A_601 : memref<64x32xf32, #tpu.memory_space<vmem>>)
      %dma_wait3A_608 = arith.constant 15 : i32
      %dma_wait3A_609 = arith.constant 960 : i32
      %dma_wait3A_610 = arith.constant 0 : i32
      %dma_wait3A_611 = tpu.memref_slice %arg9[%dma_wait3A_609, %dma_wait3A_610] : memref<1280x32xf32, #tpu.memory_space<vmem>> -> memref<64x32xf32, #tpu.memory_space<vmem>>
      %dma_wait3A_612 = arith.constant 0 : i32
      %dma_wait3A_613 = tpu.memref_slice %arg7[%dma_wait3A_608, %dma_wait3A_612] : memref<20x64xi32, #tpu.memory_space<vmem>> -> memref<1x64xi32, #tpu.memory_space<vmem>>
      %dma_wait3A_614 = tpu.memref_squeeze %dma_wait3A_613 : memref<1x64xi32, #tpu.memory_space<vmem>> -> memref<64xi32, #tpu.memory_space<vmem>>
      %dma_wait3A_615 = arith.constant 0 : i32
      %dma_wait3A_616 = arith.constant 0 : i32
      %dma_wait3A_617 = tpu.memref_slice %arg4[%dma_wait3A_615, %dma_wait3A_616] : memref<1000000x32xf32, #tpu.memory_space<hbm>> -> memref<1000000x32xf32, #tpu.memory_space<hbm>>
      tpu.wait_indirect_dma semaphore(%arg14 : memref<!tpu.dma_semaphore, #tpu.memory_space<semaphore_mem>>) src(%dma_wait3A_617 : memref<1000000x32xf32, #tpu.memory_space<hbm>>) dst(%dma_wait3A_611 : memref<64x32xf32, #tpu.memory_space<vmem>>)
      %dma_wait3A_618 = arith.constant 16 : i32
      %dma_wait3A_619 = arith.constant 1024 : i32
      %dma_wait3A_620 = arith.constant 0 : i32
      %dma_wait3A_621 = tpu.memref_slice %arg9[%dma_wait3A_619, %dma_wait3A_620] : memref<1280x32xf32, #tpu.memory_space<vmem>> -> memref<64x32xf32, #tpu.memory_space<vmem>>
      %dma_wait3A_622 = arith.constant 0 : i32
      %dma_wait3A_623 = tpu.memref_slice %arg7[%dma_wait3A_618, %dma_wait3A_622] : memref<20x64xi32, #tpu.memory_space<vmem>> -> memref<1x64xi32, #tpu.memory_space<vmem>>
      %dma_wait3A_624 = tpu.memref_squeeze %dma_wait3A_623 : memref<1x64xi32, #tpu.memory_space<vmem>> -> memref<64xi32, #tpu.memory_space<vmem>>
      %dma_wait3A_625 = arith.constant 0 : i32
      %dma_wait3A_626 = arith.constant 0 : i32
      %dma_wait3A_627 = tpu.memref_slice %arg4[%dma_wait3A_625, %dma_wait3A_626] : memref<1000000x32xf32, #tpu.memory_space<hbm>> -> memref<1000000x32xf32, #tpu.memory_space<hbm>>
      tpu.wait_indirect_dma semaphore(%arg14 : memref<!tpu.dma_semaphore, #tpu.memory_space<semaphore_mem>>) src(%dma_wait3A_627 : memref<1000000x32xf32, #tpu.memory_space<hbm>>) dst(%dma_wait3A_621 : memref<64x32xf32, #tpu.memory_space<vmem>>)
      %dma_wait3A_628 = arith.constant 17 : i32
      %dma_wait3A_629 = arith.constant 1088 : i32
      %dma_wait3A_630 = arith.constant 0 : i32
      %dma_wait3A_631 = tpu.memref_slice %arg9[%dma_wait3A_629, %dma_wait3A_630] : memref<1280x32xf32, #tpu.memory_space<vmem>> -> memref<64x32xf32, #tpu.memory_space<vmem>>
      %dma_wait3A_632 = arith.constant 0 : i32
      %dma_wait3A_633 = tpu.memref_slice %arg7[%dma_wait3A_628, %dma_wait3A_632] : memref<20x64xi32, #tpu.memory_space<vmem>> -> memref<1x64xi32, #tpu.memory_space<vmem>>
      %dma_wait3A_634 = tpu.memref_squeeze %dma_wait3A_633 : memref<1x64xi32, #tpu.memory_space<vmem>> -> memref<64xi32, #tpu.memory_space<vmem>>
      %dma_wait3A_635 = arith.constant 0 : i32
      %dma_wait3A_636 = arith.constant 0 : i32
      %dma_wait3A_637 = tpu.memref_slice %arg4[%dma_wait3A_635, %dma_wait3A_636] : memref<1000000x32xf32, #tpu.memory_space<hbm>> -> memref<1000000x32xf32, #tpu.memory_space<hbm>>
      tpu.wait_indirect_dma semaphore(%arg14 : memref<!tpu.dma_semaphore, #tpu.memory_space<semaphore_mem>>) src(%dma_wait3A_637 : memref<1000000x32xf32, #tpu.memory_space<hbm>>) dst(%dma_wait3A_631 : memref<64x32xf32, #tpu.memory_space<vmem>>)
      %dma_wait3A_638 = arith.constant 18 : i32
      %dma_wait3A_639 = arith.constant 1152 : i32
      %dma_wait3A_640 = arith.constant 0 : i32
      %dma_wait3A_641 = tpu.memref_slice %arg9[%dma_wait3A_639, %dma_wait3A_640] : memref<1280x32xf32, #tpu.memory_space<vmem>> -> memref<64x32xf32, #tpu.memory_space<vmem>>
      %dma_wait3A_642 = arith.constant 0 : i32
      %dma_wait3A_643 = tpu.memref_slice %arg7[%dma_wait3A_638, %dma_wait3A_642] : memref<20x64xi32, #tpu.memory_space<vmem>> -> memref<1x64xi32, #tpu.memory_space<vmem>>
      %dma_wait3A_644 = tpu.memref_squeeze %dma_wait3A_643 : memref<1x64xi32, #tpu.memory_space<vmem>> -> memref<64xi32, #tpu.memory_space<vmem>>
      %dma_wait3A_645 = arith.constant 0 : i32
      %dma_wait3A_646 = arith.constant 0 : i32
      %dma_wait3A_647 = tpu.memref_slice %arg4[%dma_wait3A_645, %dma_wait3A_646] : memref<1000000x32xf32, #tpu.memory_space<hbm>> -> memref<1000000x32xf32, #tpu.memory_space<hbm>>
      tpu.wait_indirect_dma semaphore(%arg14 : memref<!tpu.dma_semaphore, #tpu.memory_space<semaphore_mem>>) src(%dma_wait3A_647 : memref<1000000x32xf32, #tpu.memory_space<hbm>>) dst(%dma_wait3A_641 : memref<64x32xf32, #tpu.memory_space<vmem>>)
      %dma_wait3A_648 = arith.constant 19 : i32
      %dma_wait3A_649 = arith.constant 1216 : i32
      %dma_wait3A_650 = arith.constant 0 : i32
      %dma_wait3A_651 = tpu.memref_slice %arg9[%dma_wait3A_649, %dma_wait3A_650] : memref<1280x32xf32, #tpu.memory_space<vmem>> -> memref<64x32xf32, #tpu.memory_space<vmem>>
      %dma_wait3A_652 = arith.constant 0 : i32
      %dma_wait3A_653 = tpu.memref_slice %arg7[%dma_wait3A_648, %dma_wait3A_652] : memref<20x64xi32, #tpu.memory_space<vmem>> -> memref<1x64xi32, #tpu.memory_space<vmem>>
      %dma_wait3A_654 = tpu.memref_squeeze %dma_wait3A_653 : memref<1x64xi32, #tpu.memory_space<vmem>> -> memref<64xi32, #tpu.memory_space<vmem>>
      %dma_wait3A_655 = arith.constant 0 : i32
      %dma_wait3A_656 = arith.constant 0 : i32
      %dma_wait3A_657 = tpu.memref_slice %arg4[%dma_wait3A_655, %dma_wait3A_656] : memref<1000000x32xf32, #tpu.memory_space<hbm>> -> memref<1000000x32xf32, #tpu.memory_space<hbm>>
      tpu.wait_indirect_dma semaphore(%arg14 : memref<!tpu.dma_semaphore, #tpu.memory_space<semaphore_mem>>) src(%dma_wait3A_657 : memref<1000000x32xf32, #tpu.memory_space<hbm>>) dst(%dma_wait3A_651 : memref<64x32xf32, #tpu.memory_space<vmem>>)
      %jit3A_658 = arith.constant 4 : i32
      %eq3A_659 = arith.constant 0 : i32
      %eq3A_660 = arith.cmpi eq, %jit3A_658, %eq3A_659 : i32
      %jit3A_661 = arith.constant 1 : i32
      %select_n3A_662 = arith.select %eq3A_660, %jit3A_661, %jit3A_658 : i32
      %rem3A_663 = vector.broadcast %select_n3A_662 : i32 to vector<16xi32>
      %rem3A_664 = arith.remsi %iota3A, %rem3A_663 : vector<16xi32>
      %ne3A_665 = arith.constant 0 : i32
      %ne3A_666 = vector.broadcast %ne3A_665 : i32 to vector<16xi32>
      %ne3A_667 = arith.cmpi ne, %rem3A_664, %ne3A_666 : vector<16xi32>
      %lt3A_668 = arith.constant 0 : i32
      %lt3A_669 = vector.broadcast %lt3A_668 : i32 to vector<16xi32>
      %lt3A_670 = arith.cmpi slt, %rem3A_664, %lt3A_669 : vector<16xi32>
      %lt3A_671 = arith.constant 0 : i32
      %lt3A_672 = arith.cmpi slt, %select_n3A_662, %lt3A_671 : i32
      %ne3A_673 = vector.broadcast %lt3A_672 : i1 to vector<16xi1>
      %ne3A_674 = vector.broadcast %ne3A_673 : vector<16xi1> to vector<16xi1>
      %ne3A_675 = arith.xori %lt3A_670, %ne3A_674 : vector<16xi1>
      %and3A_676 = arith.andi %ne3A_675, %ne3A_667 : vector<16xi1>
      %add3A_677 = vector.broadcast %select_n3A_662 : i32 to vector<16xi32>
      %add3A_678 = arith.addi %rem3A_664, %add3A_677 : vector<16xi32>
      %select_n3A_679 = arith.select %and3A_676, %add3A_678, %rem3A_664 : vector<16xi1>, vector<16xi32>
      %add3A_680 = arith.constant 16 : i32
      %add3A_681 = vector.broadcast %add3A_680 : i32 to vector<16xi32>
      %add3A_682 = arith.addi %select_n3A_679, %add3A_681 : vector<16xi32>
      %scan3A_683 = arith.constant 0 : i32
      %scan3A_684 = arith.constant 0 : i32
      %scan3A_685 = arith.constant 64 : i32
      %scan3A_686 = arith.addi %scan3A_684, %scan3A_685 : i32
      %scan3A_687 = arith.constant 1 : i32
      scf.for %scan3A_694 = %scan3A_684 to %scan3A_686 step %scan3A_687  : i32 {
        %broadcast_in_dim3A = arith.constant 0 : i32
        %broadcast_in_dim3A_695 = vector.broadcast %broadcast_in_dim3A : i32 to vector<16xi32>
        %add3A_696 = vector.broadcast %scan3A_694 : i32 to vector<16xi32>
        %add3A_697 = arith.addi %broadcast_in_dim3A_695, %add3A_696 : vector<16xi32>
        %gather3A = tpu.vector_load_idx %arg11[%iota3A, %add3A_697] : memref<20x64xf32, #tpu.memory_space<vmem>>[vector<16xi32>, vector<16xi32>], vector<16xf32>,
        %gather3A_698 = tpu.vector_load_idx %arg11[%add3A_682, %add3A_697] : memref<20x64xf32, #tpu.memory_space<vmem>>[vector<16xi32>, vector<16xi32>], vector<16xf32>,
        %broadcast_in_dim3A_699 = arith.constant 0.000000e+00 : f32
        %broadcast_in_dim3A_700 = vector.broadcast %broadcast_in_dim3A_699 : f32 to vector<16xf32>
        %broadcast_in_dim3A_701 = arith.constant 0.000000e+00 : f32
        %broadcast_in_dim3A_702 = vector.broadcast %broadcast_in_dim3A_701 : f32 to vector<16xf32>
        %broadcast_in_dim3A_703 = arith.constant 0 : i32
        %broadcast_in_dim3A_704 = vector.broadcast %broadcast_in_dim3A_703 : i32 to vector<16xi32>
        %lt3A_705 = arith.constant 0 : i32
        %lt3A_706 = vector.broadcast %lt3A_705 : i32 to vector<16xi32>
        %lt3A_707 = arith.cmpi slt, %broadcast_in_dim3A_704, %lt3A_706 : vector<16xi32>
        %add3A_708 = arith.constant 16 : i32
        %add3A_709 = vector.broadcast %add3A_708 : i32 to vector<16xi32>
        %add3A_710 = arith.addi %broadcast_in_dim3A_704, %add3A_709 : vector<16xi32>
        %select_n3A_711 = arith.select %lt3A_707, %add3A_710, %broadcast_in_dim3A_704 : vector<16xi1>, vector<16xi32>
        %broadcast_in_dim3A_712 = vector.shape_cast %select_n3A_711 : vector<16xi32> to vector<16x1xi32>
        %gather3A_713 = vector.shape_cast %broadcast_in_dim3A_712 : vector<16x1xi32> to vector<16xi32>
        %gather3A_714 = tpu.dynamic_gather %gather3A[%gather3A_713] in [0] : vector<16xf32>, vector<16xi32> -> vector<16xf32>
        %add3A_715 = arith.constant 0 : i32
        %add3A_716 = arith.addi %add3A_715, %scan3A_694 : i32
        %get3A = arith.index_cast %add3A_716 : i32 to index
        %get3A_717 = arith.constant 0 : index
        %get3A_718 = tpu.vector_load %arg9[%get3A, %get3A_717] {strides = array<i32>} : memref<1280x32xf32, #tpu.memory_space<vmem>>, vector<16xf32>,
        %mul3A_719 = arith.mulf %gather3A_714, %get3A_718 : vector<16xf32>
        %add3A_720 = arith.addf %broadcast_in_dim3A_700, %mul3A_719 : vector<16xf32>
        %get3A_721 = arith.index_cast %add3A_716 : i32 to index
        %get3A_722 = arith.constant 16 : index
        %get3A_723 = tpu.vector_load %arg9[%get3A_721, %get3A_722] {strides = array<i32>} : memref<1280x32xf32, #tpu.memory_space<vmem>>, vector<16xf32>,
        %mul3A_724 = arith.mulf %gather3A_714, %get3A_723 : vector<16xf32>
        %add3A_725 = arith.addf %broadcast_in_dim3A_702, %mul3A_724 : vector<16xf32>
        %broadcast_in_dim3A_726 = arith.constant 1 : i32
        %broadcast_in_dim3A_727 = vector.broadcast %broadcast_in_dim3A_726 : i32 to vector<16xi32>
        %lt3A_728 = arith.constant 0 : i32
        %lt3A_729 = vector.broadcast %lt3A_728 : i32 to vector<16xi32>
        %lt3A_730 = arith.cmpi slt, %broadcast_in_dim3A_727, %lt3A_729 : vector<16xi32>
        %add3A_731 = arith.constant 16 : i32
        %add3A_732 = vector.broadcast %add3A_731 : i32 to vector<16xi32>
        %add3A_733 = arith.addi %broadcast_in_dim3A_727, %add3A_732 : vector<16xi32>
        %select_n3A_734 = arith.select %lt3A_730, %add3A_733, %broadcast_in_dim3A_727 : vector<16xi1>, vector<16xi32>
        %broadcast_in_dim3A_735 = vector.shape_cast %select_n3A_734 : vector<16xi32> to vector<16x1xi32>
        %gather3A_736 = vector.shape_cast %broadcast_in_dim3A_735 : vector<16x1xi32> to vector<16xi32>
        %gather3A_737 = tpu.dynamic_gather %gather3A[%gather3A_736] in [0] : vector<16xf32>, vector<16xi32> -> vector<16xf32>
        %add3A_738 = arith.constant 64 : i32
        %add3A_739 = arith.addi %add3A_738, %scan3A_694 : i32
        %get3A_740 = arith.index_cast %add3A_739 : i32 to index
        %get3A_741 = arith.constant 0 : index
        %get3A_742 = tpu.vector_load %arg9[%get3A_740, %get3A_741] {strides = array<i32>} : memref<1280x32xf32, #tpu.memory_space<vmem>>, vector<16xf32>,
        %mul3A_743 = arith.mulf %gather3A_737, %get3A_742 : vector<16xf32>
        %add3A_744 = arith.addf %add3A_720, %mul3A_743 : vector<16xf32>
        %get3A_745 = arith.index_cast %add3A_739 : i32 to index
        %get3A_746 = arith.constant 16 : index
        %get3A_747 = tpu.vector_load %arg9[%get3A_745, %get3A_746] {strides = array<i32>} : memref<1280x32xf32, #tpu.memory_space<vmem>>, vector<16xf32>,
        %mul3A_748 = arith.mulf %gather3A_737, %get3A_747 : vector<16xf32>
        %add3A_749 = arith.addf %add3A_725, %mul3A_748 : vector<16xf32>
        %broadcast_in_dim3A_750 = arith.constant 2 : i32
        %broadcast_in_dim3A_751 = vector.broadcast %broadcast_in_dim3A_750 : i32 to vector<16xi32>
        %lt3A_752 = arith.constant 0 : i32
        %lt3A_753 = vector.broadcast %lt3A_752 : i32 to vector<16xi32>
        %lt3A_754 = arith.cmpi slt, %broadcast_in_dim3A_751, %lt3A_753 : vector<16xi32>
        %add3A_755 = arith.constant 16 : i32
        %add3A_756 = vector.broadcast %add3A_755 : i32 to vector<16xi32>
        %add3A_757 = arith.addi %broadcast_in_dim3A_751, %add3A_756 : vector<16xi32>
        %select_n3A_758 = arith.select %lt3A_754, %add3A_757, %broadcast_in_dim3A_751 : vector<16xi1>, vector<16xi32>
        %broadcast_in_dim3A_759 = vector.shape_cast %select_n3A_758 : vector<16xi32> to vector<16x1xi32>
        %gather3A_760 = vector.shape_cast %broadcast_in_dim3A_759 : vector<16x1xi32> to vector<16xi32>
        %gather3A_761 = tpu.dynamic_gather %gather3A[%gather3A_760] in [0] : vector<16xf32>, vector<16xi32> -> vector<16xf32>
        %add3A_762 = arith.constant 128 : i32
        %add3A_763 = arith.addi %add3A_762, %scan3A_694 : i32
        %get3A_764 = arith.index_cast %add3A_763 : i32 to index
        %get3A_765 = arith.constant 0 : index
        %get3A_766 = tpu.vector_load %arg9[%get3A_764, %get3A_765] {strides = array<i32>} : memref<1280x32xf32, #tpu.memory_space<vmem>>, vector<16xf32>,
        %mul3A_767 = arith.mulf %gather3A_761, %get3A_766 : vector<16xf32>
        %add3A_768 = arith.addf %add3A_744, %mul3A_767 : vector<16xf32>
        %get3A_769 = arith.index_cast %add3A_763 : i32 to index
        %get3A_770 = arith.constant 16 : index
        %get3A_771 = tpu.vector_load %arg9[%get3A_769, %get3A_770] {strides = array<i32>} : memref<1280x32xf32, #tpu.memory_space<vmem>>, vector<16xf32>,
        %mul3A_772 = arith.mulf %gather3A_761, %get3A_771 : vector<16xf32>
        %add3A_773 = arith.addf %add3A_749, %mul3A_772 : vector<16xf32>
        %broadcast_in_dim3A_774 = arith.constant 3 : i32
        %broadcast_in_dim3A_775 = vector.broadcast %broadcast_in_dim3A_774 : i32 to vector<16xi32>
        %lt3A_776 = arith.constant 0 : i32
        %lt3A_777 = vector.broadcast %lt3A_776 : i32 to vector<16xi32>
        %lt3A_778 = arith.cmpi slt, %broadcast_in_dim3A_775, %lt3A_777 : vector<16xi32>
        %add3A_779 = arith.constant 16 : i32
        %add3A_780 = vector.broadcast %add3A_779 : i32 to vector<16xi32>
        %add3A_781 = arith.addi %broadcast_in_dim3A_775, %add3A_780 : vector<16xi32>
        %select_n3A_782 = arith.select %lt3A_778, %add3A_781, %broadcast_in_dim3A_775 : vector<16xi1>, vector<16xi32>
        %broadcast_in_dim3A_783 = vector.shape_cast %select_n3A_782 : vector<16xi32> to vector<16x1xi32>
        %gather3A_784 = vector.shape_cast %broadcast_in_dim3A_783 : vector<16x1xi32> to vector<16xi32>
        %gather3A_785 = tpu.dynamic_gather %gather3A[%gather3A_784] in [0] : vector<16xf32>, vector<16xi32> -> vector<16xf32>
        %add3A_786 = arith.constant 192 : i32
        %add3A_787 = arith.addi %add3A_786, %scan3A_694 : i32
        %get3A_788 = arith.index_cast %add3A_787 : i32 to index
        %get3A_789 = arith.constant 0 : index
        %get3A_790 = tpu.vector_load %arg9[%get3A_788, %get3A_789] {strides = array<i32>} : memref<1280x32xf32, #tpu.memory_space<vmem>>, vector<16xf32>,
        %mul3A_791 = arith.mulf %gather3A_785, %get3A_790 : vector<16xf32>
        %add3A_792 = arith.addf %add3A_768, %mul3A_791 : vector<16xf32>
        %get3A_793 = arith.index_cast %add3A_787 : i32 to index
        %get3A_794 = arith.constant 16 : index
        %get3A_795 = tpu.vector_load %arg9[%get3A_793, %get3A_794] {strides = array<i32>} : memref<1280x32xf32, #tpu.memory_space<vmem>>, vector<16xf32>,
        %mul3A_796 = arith.mulf %gather3A_785, %get3A_795 : vector<16xf32>
        %add3A_797 = arith.addf %add3A_773, %mul3A_796 : vector<16xf32>
        %broadcast_in_dim3A_798 = arith.constant 4 : i32
        %broadcast_in_dim3A_799 = vector.broadcast %broadcast_in_dim3A_798 : i32 to vector<16xi32>
        %lt3A_800 = arith.constant 0 : i32
        %lt3A_801 = vector.broadcast %lt3A_800 : i32 to vector<16xi32>
        %lt3A_802 = arith.cmpi slt, %broadcast_in_dim3A_799, %lt3A_801 : vector<16xi32>
        %add3A_803 = arith.constant 16 : i32
        %add3A_804 = vector.broadcast %add3A_803 : i32 to vector<16xi32>
        %add3A_805 = arith.addi %broadcast_in_dim3A_799, %add3A_804 : vector<16xi32>
        %select_n3A_806 = arith.select %lt3A_802, %add3A_805, %broadcast_in_dim3A_799 : vector<16xi1>, vector<16xi32>
        %broadcast_in_dim3A_807 = vector.shape_cast %select_n3A_806 : vector<16xi32> to vector<16x1xi32>
        %gather3A_808 = vector.shape_cast %broadcast_in_dim3A_807 : vector<16x1xi32> to vector<16xi32>
        %gather3A_809 = tpu.dynamic_gather %gather3A[%gather3A_808] in [0] : vector<16xf32>, vector<16xi32> -> vector<16xf32>
        %add3A_810 = arith.constant 256 : i32
        %add3A_811 = arith.addi %add3A_810, %scan3A_694 : i32
        %get3A_812 = arith.index_cast %add3A_811 : i32 to index
        %get3A_813 = arith.constant 0 : index
        %get3A_814 = tpu.vector_load %arg9[%get3A_812, %get3A_813] {strides = array<i32>} : memref<1280x32xf32, #tpu.memory_space<vmem>>, vector<16xf32>,
        %mul3A_815 = arith.mulf %gather3A_809, %get3A_814 : vector<16xf32>
        %add3A_816 = arith.addf %add3A_792, %mul3A_815 : vector<16xf32>
        %get3A_817 = arith.index_cast %add3A_811 : i32 to index
        %get3A_818 = arith.constant 16 : index
        %get3A_819 = tpu.vector_load %arg9[%get3A_817, %get3A_818] {strides = array<i32>} : memref<1280x32xf32, #tpu.memory_space<vmem>>, vector<16xf32>,
        %mul3A_820 = arith.mulf %gather3A_809, %get3A_819 : vector<16xf32>
        %add3A_821 = arith.addf %add3A_797, %mul3A_820 : vector<16xf32>
        %broadcast_in_dim3A_822 = arith.constant 5 : i32
        %broadcast_in_dim3A_823 = vector.broadcast %broadcast_in_dim3A_822 : i32 to vector<16xi32>
        %lt3A_824 = arith.constant 0 : i32
        %lt3A_825 = vector.broadcast %lt3A_824 : i32 to vector<16xi32>
        %lt3A_826 = arith.cmpi slt, %broadcast_in_dim3A_823, %lt3A_825 : vector<16xi32>
        %add3A_827 = arith.constant 16 : i32
        %add3A_828 = vector.broadcast %add3A_827 : i32 to vector<16xi32>
        %add3A_829 = arith.addi %broadcast_in_dim3A_823, %add3A_828 : vector<16xi32>
        %select_n3A_830 = arith.select %lt3A_826, %add3A_829, %broadcast_in_dim3A_823 : vector<16xi1>, vector<16xi32>
        %broadcast_in_dim3A_831 = vector.shape_cast %select_n3A_830 : vector<16xi32> to vector<16x1xi32>
        %gather3A_832 = vector.shape_cast %broadcast_in_dim3A_831 : vector<16x1xi32> to vector<16xi32>
        %gather3A_833 = tpu.dynamic_gather %gather3A[%gather3A_832] in [0] : vector<16xf32>, vector<16xi32> -> vector<16xf32>
        %add3A_834 = arith.constant 320 : i32
        %add3A_835 = arith.addi %add3A_834, %scan3A_694 : i32
        %get3A_836 = arith.index_cast %add3A_835 : i32 to index
        %get3A_837 = arith.constant 0 : index
        %get3A_838 = tpu.vector_load %arg9[%get3A_836, %get3A_837] {strides = array<i32>} : memref<1280x32xf32, #tpu.memory_space<vmem>>, vector<16xf32>,
        %mul3A_839 = arith.mulf %gather3A_833, %get3A_838 : vector<16xf32>
        %add3A_840 = arith.addf %add3A_816, %mul3A_839 : vector<16xf32>
        %get3A_841 = arith.index_cast %add3A_835 : i32 to index
        %get3A_842 = arith.constant 16 : index
        %get3A_843 = tpu.vector_load %arg9[%get3A_841, %get3A_842] {strides = array<i32>} : memref<1280x32xf32, #tpu.memory_space<vmem>>, vector<16xf32>,
        %mul3A_844 = arith.mulf %gather3A_833, %get3A_843 : vector<16xf32>
        %add3A_845 = arith.addf %add3A_821, %mul3A_844 : vector<16xf32>
        %broadcast_in_dim3A_846 = arith.constant 6 : i32
        %broadcast_in_dim3A_847 = vector.broadcast %broadcast_in_dim3A_846 : i32 to vector<16xi32>
        %lt3A_848 = arith.constant 0 : i32
        %lt3A_849 = vector.broadcast %lt3A_848 : i32 to vector<16xi32>
        %lt3A_850 = arith.cmpi slt, %broadcast_in_dim3A_847, %lt3A_849 : vector<16xi32>
        %add3A_851 = arith.constant 16 : i32
        %add3A_852 = vector.broadcast %add3A_851 : i32 to vector<16xi32>
        %add3A_853 = arith.addi %broadcast_in_dim3A_847, %add3A_852 : vector<16xi32>
        %select_n3A_854 = arith.select %lt3A_850, %add3A_853, %broadcast_in_dim3A_847 : vector<16xi1>, vector<16xi32>
        %broadcast_in_dim3A_855 = vector.shape_cast %select_n3A_854 : vector<16xi32> to vector<16x1xi32>
        %gather3A_856 = vector.shape_cast %broadcast_in_dim3A_855 : vector<16x1xi32> to vector<16xi32>
        %gather3A_857 = tpu.dynamic_gather %gather3A[%gather3A_856] in [0] : vector<16xf32>, vector<16xi32> -> vector<16xf32>
        %add3A_858 = arith.constant 384 : i32
        %add3A_859 = arith.addi %add3A_858, %scan3A_694 : i32
        %get3A_860 = arith.index_cast %add3A_859 : i32 to index
        %get3A_861 = arith.constant 0 : index
        %get3A_862 = tpu.vector_load %arg9[%get3A_860, %get3A_861] {strides = array<i32>} : memref<1280x32xf32, #tpu.memory_space<vmem>>, vector<16xf32>,
        %mul3A_863 = arith.mulf %gather3A_857, %get3A_862 : vector<16xf32>
        %add3A_864 = arith.addf %add3A_840, %mul3A_863 : vector<16xf32>
        %get3A_865 = arith.index_cast %add3A_859 : i32 to index
        %get3A_866 = arith.constant 16 : index
        %get3A_867 = tpu.vector_load %arg9[%get3A_865, %get3A_866] {strides = array<i32>} : memref<1280x32xf32, #tpu.memory_space<vmem>>, vector<16xf32>,
        %mul3A_868 = arith.mulf %gather3A_857, %get3A_867 : vector<16xf32>
        %add3A_869 = arith.addf %add3A_845, %mul3A_868 : vector<16xf32>
        %broadcast_in_dim3A_870 = arith.constant 7 : i32
        %broadcast_in_dim3A_871 = vector.broadcast %broadcast_in_dim3A_870 : i32 to vector<16xi32>
        %lt3A_872 = arith.constant 0 : i32
        %lt3A_873 = vector.broadcast %lt3A_872 : i32 to vector<16xi32>
        %lt3A_874 = arith.cmpi slt, %broadcast_in_dim3A_871, %lt3A_873 : vector<16xi32>
        %add3A_875 = arith.constant 16 : i32
        %add3A_876 = vector.broadcast %add3A_875 : i32 to vector<16xi32>
        %add3A_877 = arith.addi %broadcast_in_dim3A_871, %add3A_876 : vector<16xi32>
        %select_n3A_878 = arith.select %lt3A_874, %add3A_877, %broadcast_in_dim3A_871 : vector<16xi1>, vector<16xi32>
        %broadcast_in_dim3A_879 = vector.shape_cast %select_n3A_878 : vector<16xi32> to vector<16x1xi32>
        %gather3A_880 = vector.shape_cast %broadcast_in_dim3A_879 : vector<16x1xi32> to vector<16xi32>
        %gather3A_881 = tpu.dynamic_gather %gather3A[%gather3A_880] in [0] : vector<16xf32>, vector<16xi32> -> vector<16xf32>
        %add3A_882 = arith.constant 448 : i32
        %add3A_883 = arith.addi %add3A_882, %scan3A_694 : i32
        %get3A_884 = arith.index_cast %add3A_883 : i32 to index
        %get3A_885 = arith.constant 0 : index
        %get3A_886 = tpu.vector_load %arg9[%get3A_884, %get3A_885] {strides = array<i32>} : memref<1280x32xf32, #tpu.memory_space<vmem>>, vector<16xf32>,
        %mul3A_887 = arith.mulf %gather3A_881, %get3A_886 : vector<16xf32>
        %add3A_888 = arith.addf %add3A_864, %mul3A_887 : vector<16xf32>
        %get3A_889 = arith.index_cast %add3A_883 : i32 to index
        %get3A_890 = arith.constant 16 : index
        %get3A_891 = tpu.vector_load %arg9[%get3A_889, %get3A_890] {strides = array<i32>} : memref<1280x32xf32, #tpu.memory_space<vmem>>, vector<16xf32>,
        %mul3A_892 = arith.mulf %gather3A_881, %get3A_891 : vector<16xf32>
        %add3A_893 = arith.addf %add3A_869, %mul3A_892 : vector<16xf32>
        %broadcast_in_dim3A_894 = arith.constant 8 : i32
        %broadcast_in_dim3A_895 = vector.broadcast %broadcast_in_dim3A_894 : i32 to vector<16xi32>
        %lt3A_896 = arith.constant 0 : i32
        %lt3A_897 = vector.broadcast %lt3A_896 : i32 to vector<16xi32>
        %lt3A_898 = arith.cmpi slt, %broadcast_in_dim3A_895, %lt3A_897 : vector<16xi32>
        %add3A_899 = arith.constant 16 : i32
        %add3A_900 = vector.broadcast %add3A_899 : i32 to vector<16xi32>
        %add3A_901 = arith.addi %broadcast_in_dim3A_895, %add3A_900 : vector<16xi32>
        %select_n3A_902 = arith.select %lt3A_898, %add3A_901, %broadcast_in_dim3A_895 : vector<16xi1>, vector<16xi32>
        %broadcast_in_dim3A_903 = vector.shape_cast %select_n3A_902 : vector<16xi32> to vector<16x1xi32>
        %gather3A_904 = vector.shape_cast %broadcast_in_dim3A_903 : vector<16x1xi32> to vector<16xi32>
        %gather3A_905 = tpu.dynamic_gather %gather3A[%gather3A_904] in [0] : vector<16xf32>, vector<16xi32> -> vector<16xf32>
        %add3A_906 = arith.constant 512 : i32
        %add3A_907 = arith.addi %add3A_906, %scan3A_694 : i32
        %get3A_908 = arith.index_cast %add3A_907 : i32 to index
        %get3A_909 = arith.constant 0 : index
        %get3A_910 = tpu.vector_load %arg9[%get3A_908, %get3A_909] {strides = array<i32>} : memref<1280x32xf32, #tpu.memory_space<vmem>>, vector<16xf32>,
        %mul3A_911 = arith.mulf %gather3A_905, %get3A_910 : vector<16xf32>
        %add3A_912 = arith.addf %add3A_888, %mul3A_911 : vector<16xf32>
        %get3A_913 = arith.index_cast %add3A_907 : i32 to index
        %get3A_914 = arith.constant 16 : index
        %get3A_915 = tpu.vector_load %arg9[%get3A_913, %get3A_914] {strides = array<i32>} : memref<1280x32xf32, #tpu.memory_space<vmem>>, vector<16xf32>,
        %mul3A_916 = arith.mulf %gather3A_905, %get3A_915 : vector<16xf32>
        %add3A_917 = arith.addf %add3A_893, %mul3A_916 : vector<16xf32>
        %broadcast_in_dim3A_918 = arith.constant 9 : i32
        %broadcast_in_dim3A_919 = vector.broadcast %broadcast_in_dim3A_918 : i32 to vector<16xi32>
        %lt3A_920 = arith.constant 0 : i32
        %lt3A_921 = vector.broadcast %lt3A_920 : i32 to vector<16xi32>
        %lt3A_922 = arith.cmpi slt, %broadcast_in_dim3A_919, %lt3A_921 : vector<16xi32>
        %add3A_923 = arith.constant 16 : i32
        %add3A_924 = vector.broadcast %add3A_923 : i32 to vector<16xi32>
        %add3A_925 = arith.addi %broadcast_in_dim3A_919, %add3A_924 : vector<16xi32>
        %select_n3A_926 = arith.select %lt3A_922, %add3A_925, %broadcast_in_dim3A_919 : vector<16xi1>, vector<16xi32>
        %broadcast_in_dim3A_927 = vector.shape_cast %select_n3A_926 : vector<16xi32> to vector<16x1xi32>
        %gather3A_928 = vector.shape_cast %broadcast_in_dim3A_927 : vector<16x1xi32> to vector<16xi32>
        %gather3A_929 = tpu.dynamic_gather %gather3A[%gather3A_928] in [0] : vector<16xf32>, vector<16xi32> -> vector<16xf32>
        %add3A_930 = arith.constant 576 : i32
        %add3A_931 = arith.addi %add3A_930, %scan3A_694 : i32
        %get3A_932 = arith.index_cast %add3A_931 : i32 to index
        %get3A_933 = arith.constant 0 : index
        %get3A_934 = tpu.vector_load %arg9[%get3A_932, %get3A_933] {strides = array<i32>} : memref<1280x32xf32, #tpu.memory_space<vmem>>, vector<16xf32>,
        %mul3A_935 = arith.mulf %gather3A_929, %get3A_934 : vector<16xf32>
        %add3A_936 = arith.addf %add3A_912, %mul3A_935 : vector<16xf32>
        %get3A_937 = arith.index_cast %add3A_931 : i32 to index
        %get3A_938 = arith.constant 16 : index
        %get3A_939 = tpu.vector_load %arg9[%get3A_937, %get3A_938] {strides = array<i32>} : memref<1280x32xf32, #tpu.memory_space<vmem>>, vector<16xf32>,
        %mul3A_940 = arith.mulf %gather3A_929, %get3A_939 : vector<16xf32>
        %add3A_941 = arith.addf %add3A_917, %mul3A_940 : vector<16xf32>
        %broadcast_in_dim3A_942 = arith.constant 10 : i32
        %broadcast_in_dim3A_943 = vector.broadcast %broadcast_in_dim3A_942 : i32 to vector<16xi32>
        %lt3A_944 = arith.constant 0 : i32
        %lt3A_945 = vector.broadcast %lt3A_944 : i32 to vector<16xi32>
        %lt3A_946 = arith.cmpi slt, %broadcast_in_dim3A_943, %lt3A_945 : vector<16xi32>
        %add3A_947 = arith.constant 16 : i32
        %add3A_948 = vector.broadcast %add3A_947 : i32 to vector<16xi32>
        %add3A_949 = arith.addi %broadcast_in_dim3A_943, %add3A_948 : vector<16xi32>
        %select_n3A_950 = arith.select %lt3A_946, %add3A_949, %broadcast_in_dim3A_943 : vector<16xi1>, vector<16xi32>
        %broadcast_in_dim3A_951 = vector.shape_cast %select_n3A_950 : vector<16xi32> to vector<16x1xi32>
        %gather3A_952 = vector.shape_cast %broadcast_in_dim3A_951 : vector<16x1xi32> to vector<16xi32>
        %gather3A_953 = tpu.dynamic_gather %gather3A[%gather3A_952] in [0] : vector<16xf32>, vector<16xi32> -> vector<16xf32>
        %add3A_954 = arith.constant 640 : i32
        %add3A_955 = arith.addi %add3A_954, %scan3A_694 : i32
        %get3A_956 = arith.index_cast %add3A_955 : i32 to index
        %get3A_957 = arith.constant 0 : index
        %get3A_958 = tpu.vector_load %arg9[%get3A_956, %get3A_957] {strides = array<i32>} : memref<1280x32xf32, #tpu.memory_space<vmem>>, vector<16xf32>,
        %mul3A_959 = arith.mulf %gather3A_953, %get3A_958 : vector<16xf32>
        %add3A_960 = arith.addf %add3A_936, %mul3A_959 : vector<16xf32>
        %get3A_961 = arith.index_cast %add3A_955 : i32 to index
        %get3A_962 = arith.constant 16 : index
        %get3A_963 = tpu.vector_load %arg9[%get3A_961, %get3A_962] {strides = array<i32>} : memref<1280x32xf32, #tpu.memory_space<vmem>>, vector<16xf32>,
        %mul3A_964 = arith.mulf %gather3A_953, %get3A_963 : vector<16xf32>
        %add3A_965 = arith.addf %add3A_941, %mul3A_964 : vector<16xf32>
        %broadcast_in_dim3A_966 = arith.constant 11 : i32
        %broadcast_in_dim3A_967 = vector.broadcast %broadcast_in_dim3A_966 : i32 to vector<16xi32>
        %lt3A_968 = arith.constant 0 : i32
        %lt3A_969 = vector.broadcast %lt3A_968 : i32 to vector<16xi32>
        %lt3A_970 = arith.cmpi slt, %broadcast_in_dim3A_967, %lt3A_969 : vector<16xi32>
        %add3A_971 = arith.constant 16 : i32
        %add3A_972 = vector.broadcast %add3A_971 : i32 to vector<16xi32>
        %add3A_973 = arith.addi %broadcast_in_dim3A_967, %add3A_972 : vector<16xi32>
        %select_n3A_974 = arith.select %lt3A_970, %add3A_973, %broadcast_in_dim3A_967 : vector<16xi1>, vector<16xi32>
        %broadcast_in_dim3A_975 = vector.shape_cast %select_n3A_974 : vector<16xi32> to vector<16x1xi32>
        %gather3A_976 = vector.shape_cast %broadcast_in_dim3A_975 : vector<16x1xi32> to vector<16xi32>
        %gather3A_977 = tpu.dynamic_gather %gather3A[%gather3A_976] in [0] : vector<16xf32>, vector<16xi32> -> vector<16xf32>
        %add3A_978 = arith.constant 704 : i32
        %add3A_979 = arith.addi %add3A_978, %scan3A_694 : i32
        %get3A_980 = arith.index_cast %add3A_979 : i32 to index
        %get3A_981 = arith.constant 0 : index
        %get3A_982 = tpu.vector_load %arg9[%get3A_980, %get3A_981] {strides = array<i32>} : memref<1280x32xf32, #tpu.memory_space<vmem>>, vector<16xf32>,
        %mul3A_983 = arith.mulf %gather3A_977, %get3A_982 : vector<16xf32>
        %add3A_984 = arith.addf %add3A_960, %mul3A_983 : vector<16xf32>
        %get3A_985 = arith.index_cast %add3A_979 : i32 to index
        %get3A_986 = arith.constant 16 : index
        %get3A_987 = tpu.vector_load %arg9[%get3A_985, %get3A_986] {strides = array<i32>} : memref<1280x32xf32, #tpu.memory_space<vmem>>, vector<16xf32>,
        %mul3A_988 = arith.mulf %gather3A_977, %get3A_987 : vector<16xf32>
        %add3A_989 = arith.addf %add3A_965, %mul3A_988 : vector<16xf32>
        %broadcast_in_dim3A_990 = arith.constant 12 : i32
        %broadcast_in_dim3A_991 = vector.broadcast %broadcast_in_dim3A_990 : i32 to vector<16xi32>
        %lt3A_992 = arith.constant 0 : i32
        %lt3A_993 = vector.broadcast %lt3A_992 : i32 to vector<16xi32>
        %lt3A_994 = arith.cmpi slt, %broadcast_in_dim3A_991, %lt3A_993 : vector<16xi32>
        %add3A_995 = arith.constant 16 : i32
        %add3A_996 = vector.broadcast %add3A_995 : i32 to vector<16xi32>
        %add3A_997 = arith.addi %broadcast_in_dim3A_991, %add3A_996 : vector<16xi32>
        %select_n3A_998 = arith.select %lt3A_994, %add3A_997, %broadcast_in_dim3A_991 : vector<16xi1>, vector<16xi32>
        %broadcast_in_dim3A_999 = vector.shape_cast %select_n3A_998 : vector<16xi32> to vector<16x1xi32>
        %gather3A_1000 = vector.shape_cast %broadcast_in_dim3A_999 : vector<16x1xi32> to vector<16xi32>
        %gather3A_1001 = tpu.dynamic_gather %gather3A[%gather3A_1000] in [0] : vector<16xf32>, vector<16xi32> -> vector<16xf32>
        %add3A_1002 = arith.constant 768 : i32
        %add3A_1003 = arith.addi %add3A_1002, %scan3A_694 : i32
        %get3A_1004 = arith.index_cast %add3A_1003 : i32 to index
        %get3A_1005 = arith.constant 0 : index
        %get3A_1006 = tpu.vector_load %arg9[%get3A_1004, %get3A_1005] {strides = array<i32>} : memref<1280x32xf32, #tpu.memory_space<vmem>>, vector<16xf32>,
        %mul3A_1007 = arith.mulf %gather3A_1001, %get3A_1006 : vector<16xf32>
        %add3A_1008 = arith.addf %add3A_984, %mul3A_1007 : vector<16xf32>
        %get3A_1009 = arith.index_cast %add3A_1003 : i32 to index
        %get3A_1010 = arith.constant 16 : index
        %get3A_1011 = tpu.vector_load %arg9[%get3A_1009, %get3A_1010] {strides = array<i32>} : memref<1280x32xf32, #tpu.memory_space<vmem>>, vector<16xf32>,
        %mul3A_1012 = arith.mulf %gather3A_1001, %get3A_1011 : vector<16xf32>
        %add3A_1013 = arith.addf %add3A_989, %mul3A_1012 : vector<16xf32>
        %broadcast_in_dim3A_1014 = arith.constant 13 : i32
        %broadcast_in_dim3A_1015 = vector.broadcast %broadcast_in_dim3A_1014 : i32 to vector<16xi32>
        %lt3A_1016 = arith.constant 0 : i32
        %lt3A_1017 = vector.broadcast %lt3A_1016 : i32 to vector<16xi32>
        %lt3A_1018 = arith.cmpi slt, %broadcast_in_dim3A_1015, %lt3A_1017 : vector<16xi32>
        %add3A_1019 = arith.constant 16 : i32
        %add3A_1020 = vector.broadcast %add3A_1019 : i32 to vector<16xi32>
        %add3A_1021 = arith.addi %broadcast_in_dim3A_1015, %add3A_1020 : vector<16xi32>
        %select_n3A_1022 = arith.select %lt3A_1018, %add3A_1021, %broadcast_in_dim3A_1015 : vector<16xi1>, vector<16xi32>
        %broadcast_in_dim3A_1023 = vector.shape_cast %select_n3A_1022 : vector<16xi32> to vector<16x1xi32>
        %gather3A_1024 = vector.shape_cast %broadcast_in_dim3A_1023 : vector<16x1xi32> to vector<16xi32>
        %gather3A_1025 = tpu.dynamic_gather %gather3A[%gather3A_1024] in [0] : vector<16xf32>, vector<16xi32> -> vector<16xf32>
        %add3A_1026 = arith.constant 832 : i32
        %add3A_1027 = arith.addi %add3A_1026, %scan3A_694 : i32
        %get3A_1028 = arith.index_cast %add3A_1027 : i32 to index
        %get3A_1029 = arith.constant 0 : index
        %get3A_1030 = tpu.vector_load %arg9[%get3A_1028, %get3A_1029] {strides = array<i32>} : memref<1280x32xf32, #tpu.memory_space<vmem>>, vector<16xf32>,
        %mul3A_1031 = arith.mulf %gather3A_1025, %get3A_1030 : vector<16xf32>
        %add3A_1032 = arith.addf %add3A_1008, %mul3A_1031 : vector<16xf32>
        %get3A_1033 = arith.index_cast %add3A_1027 : i32 to index
        %get3A_1034 = arith.constant 16 : index
        %get3A_1035 = tpu.vector_load %arg9[%get3A_1033, %get3A_1034] {strides = array<i32>} : memref<1280x32xf32, #tpu.memory_space<vmem>>, vector<16xf32>,
        %mul3A_1036 = arith.mulf %gather3A_1025, %get3A_1035 : vector<16xf32>
        %add3A_1037 = arith.addf %add3A_1013, %mul3A_1036 : vector<16xf32>
        %broadcast_in_dim3A_1038 = arith.constant 14 : i32
        %broadcast_in_dim3A_1039 = vector.broadcast %broadcast_in_dim3A_1038 : i32 to vector<16xi32>
        %lt3A_1040 = arith.constant 0 : i32
        %lt3A_1041 = vector.broadcast %lt3A_1040 : i32 to vector<16xi32>
        %lt3A_1042 = arith.cmpi slt, %broadcast_in_dim3A_1039, %lt3A_1041 : vector<16xi32>
        %add3A_1043 = arith.constant 16 : i32
        %add3A_1044 = vector.broadcast %add3A_1043 : i32 to vector<16xi32>
        %add3A_1045 = arith.addi %broadcast_in_dim3A_1039, %add3A_1044 : vector<16xi32>
        %select_n3A_1046 = arith.select %lt3A_1042, %add3A_1045, %broadcast_in_dim3A_1039 : vector<16xi1>, vector<16xi32>
        %broadcast_in_dim3A_1047 = vector.shape_cast %select_n3A_1046 : vector<16xi32> to vector<16x1xi32>
        %gather3A_1048 = vector.shape_cast %broadcast_in_dim3A_1047 : vector<16x1xi32> to vector<16xi32>
        %gather3A_1049 = tpu.dynamic_gather %gather3A[%gather3A_1048] in [0] : vector<16xf32>, vector<16xi32> -> vector<16xf32>
        %add3A_1050 = arith.constant 896 : i32
        %add3A_1051 = arith.addi %add3A_1050, %scan3A_694 : i32
        %get3A_1052 = arith.index_cast %add3A_1051 : i32 to index
        %get3A_1053 = arith.constant 0 : index
        %get3A_1054 = tpu.vector_load %arg9[%get3A_1052, %get3A_1053] {strides = array<i32>} : memref<1280x32xf32, #tpu.memory_space<vmem>>, vector<16xf32>,
        %mul3A_1055 = arith.mulf %gather3A_1049, %get3A_1054 : vector<16xf32>
        %add3A_1056 = arith.addf %add3A_1032, %mul3A_1055 : vector<16xf32>
        %get3A_1057 = arith.index_cast %add3A_1051 : i32 to index
        %get3A_1058 = arith.constant 16 : index
        %get3A_1059 = tpu.vector_load %arg9[%get3A_1057, %get3A_1058] {strides = array<i32>} : memref<1280x32xf32, #tpu.memory_space<vmem>>, vector<16xf32>,
        %mul3A_1060 = arith.mulf %gather3A_1049, %get3A_1059 : vector<16xf32>
        %add3A_1061 = arith.addf %add3A_1037, %mul3A_1060 : vector<16xf32>
        %broadcast_in_dim3A_1062 = arith.constant 15 : i32
        %broadcast_in_dim3A_1063 = vector.broadcast %broadcast_in_dim3A_1062 : i32 to vector<16xi32>
        %lt3A_1064 = arith.constant 0 : i32
        %lt3A_1065 = vector.broadcast %lt3A_1064 : i32 to vector<16xi32>
        %lt3A_1066 = arith.cmpi slt, %broadcast_in_dim3A_1063, %lt3A_1065 : vector<16xi32>
        %add3A_1067 = arith.constant 16 : i32
        %add3A_1068 = vector.broadcast %add3A_1067 : i32 to vector<16xi32>
        %add3A_1069 = arith.addi %broadcast_in_dim3A_1063, %add3A_1068 : vector<16xi32>
        %select_n3A_1070 = arith.select %lt3A_1066, %add3A_1069, %broadcast_in_dim3A_1063 : vector<16xi1>, vector<16xi32>
        %broadcast_in_dim3A_1071 = vector.shape_cast %select_n3A_1070 : vector<16xi32> to vector<16x1xi32>
        %gather3A_1072 = vector.shape_cast %broadcast_in_dim3A_1071 : vector<16x1xi32> to vector<16xi32>
        %gather3A_1073 = tpu.dynamic_gather %gather3A[%gather3A_1072] in [0] : vector<16xf32>, vector<16xi32> -> vector<16xf32>
        %add3A_1074 = arith.constant 960 : i32
        %add3A_1075 = arith.addi %add3A_1074, %scan3A_694 : i32
        %get3A_1076 = arith.index_cast %add3A_1075 : i32 to index
        %get3A_1077 = arith.constant 0 : index
        %get3A_1078 = tpu.vector_load %arg9[%get3A_1076, %get3A_1077] {strides = array<i32>} : memref<1280x32xf32, #tpu.memory_space<vmem>>, vector<16xf32>,
        %mul3A_1079 = arith.mulf %gather3A_1073, %get3A_1078 : vector<16xf32>
        %add3A_1080 = arith.addf %add3A_1056, %mul3A_1079 : vector<16xf32>
        %get3A_1081 = arith.index_cast %add3A_1075 : i32 to index
        %get3A_1082 = arith.constant 16 : index
        %get3A_1083 = tpu.vector_load %arg9[%get3A_1081, %get3A_1082] {strides = array<i32>} : memref<1280x32xf32, #tpu.memory_space<vmem>>, vector<16xf32>,
        %mul3A_1084 = arith.mulf %gather3A_1073, %get3A_1083 : vector<16xf32>
        %add3A_1085 = arith.addf %add3A_1061, %mul3A_1084 : vector<16xf32>
        %broadcast_in_dim3A_1086 = arith.constant 0 : i32
        %broadcast_in_dim3A_1087 = vector.broadcast %broadcast_in_dim3A_1086 : i32 to vector<16xi32>
        %lt3A_1088 = arith.constant 0 : i32
        %lt3A_1089 = vector.broadcast %lt3A_1088 : i32 to vector<16xi32>
        %lt3A_1090 = arith.cmpi slt, %broadcast_in_dim3A_1087, %lt3A_1089 : vector<16xi32>
        %add3A_1091 = arith.constant 16 : i32
        %add3A_1092 = vector.broadcast %add3A_1091 : i32 to vector<16xi32>
        %add3A_1093 = arith.addi %broadcast_in_dim3A_1087, %add3A_1092 : vector<16xi32>
        %select_n3A_1094 = arith.select %lt3A_1090, %add3A_1093, %broadcast_in_dim3A_1087 : vector<16xi1>, vector<16xi32>
        %broadcast_in_dim3A_1095 = vector.shape_cast %select_n3A_1094 : vector<16xi32> to vector<16x1xi32>
        %gather3A_1096 = vector.shape_cast %broadcast_in_dim3A_1095 : vector<16x1xi32> to vector<16xi32>
        %gather3A_1097 = tpu.dynamic_gather %gather3A_698[%gather3A_1096] in [0] : vector<16xf32>, vector<16xi32> -> vector<16xf32>
        %add3A_1098 = arith.constant 1024 : i32
        %add3A_1099 = arith.addi %add3A_1098, %scan3A_694 : i32
        %get3A_1100 = arith.index_cast %add3A_1099 : i32 to index
        %get3A_1101 = arith.constant 0 : index
        %get3A_1102 = tpu.vector_load %arg9[%get3A_1100, %get3A_1101] {strides = array<i32>} : memref<1280x32xf32, #tpu.memory_space<vmem>>, vector<16xf32>,
        %mul3A_1103 = arith.mulf %gather3A_1097, %get3A_1102 : vector<16xf32>
        %add3A_1104 = arith.addf %add3A_1080, %mul3A_1103 : vector<16xf32>
        %get3A_1105 = arith.index_cast %add3A_1099 : i32 to index
        %get3A_1106 = arith.constant 16 : index
        %get3A_1107 = tpu.vector_load %arg9[%get3A_1105, %get3A_1106] {strides = array<i32>} : memref<1280x32xf32, #tpu.memory_space<vmem>>, vector<16xf32>,
        %mul3A_1108 = arith.mulf %gather3A_1097, %get3A_1107 : vector<16xf32>
        %add3A_1109 = arith.addf %add3A_1085, %mul3A_1108 : vector<16xf32>
        %broadcast_in_dim3A_1110 = arith.constant 1 : i32
        %broadcast_in_dim3A_1111 = vector.broadcast %broadcast_in_dim3A_1110 : i32 to vector<16xi32>
        %lt3A_1112 = arith.constant 0 : i32
        %lt3A_1113 = vector.broadcast %lt3A_1112 : i32 to vector<16xi32>
        %lt3A_1114 = arith.cmpi slt, %broadcast_in_dim3A_1111, %lt3A_1113 : vector<16xi32>
        %add3A_1115 = arith.constant 16 : i32
        %add3A_1116 = vector.broadcast %add3A_1115 : i32 to vector<16xi32>
        %add3A_1117 = arith.addi %broadcast_in_dim3A_1111, %add3A_1116 : vector<16xi32>
        %select_n3A_1118 = arith.select %lt3A_1114, %add3A_1117, %broadcast_in_dim3A_1111 : vector<16xi1>, vector<16xi32>
        %broadcast_in_dim3A_1119 = vector.shape_cast %select_n3A_1118 : vector<16xi32> to vector<16x1xi32>
        %gather3A_1120 = vector.shape_cast %broadcast_in_dim3A_1119 : vector<16x1xi32> to vector<16xi32>
        %gather3A_1121 = tpu.dynamic_gather %gather3A_698[%gather3A_1120] in [0] : vector<16xf32>, vector<16xi32> -> vector<16xf32>
        %add3A_1122 = arith.constant 1088 : i32
        %add3A_1123 = arith.addi %add3A_1122, %scan3A_694 : i32
        %get3A_1124 = arith.index_cast %add3A_1123 : i32 to index
        %get3A_1125 = arith.constant 0 : index
        %get3A_1126 = tpu.vector_load %arg9[%get3A_1124, %get3A_1125] {strides = array<i32>} : memref<1280x32xf32, #tpu.memory_space<vmem>>, vector<16xf32>,
        %mul3A_1127 = arith.mulf %gather3A_1121, %get3A_1126 : vector<16xf32>
        %add3A_1128 = arith.addf %add3A_1104, %mul3A_1127 : vector<16xf32>
        %get3A_1129 = arith.index_cast %add3A_1123 : i32 to index
        %get3A_1130 = arith.constant 16 : index
        %get3A_1131 = tpu.vector_load %arg9[%get3A_1129, %get3A_1130] {strides = array<i32>} : memref<1280x32xf32, #tpu.memory_space<vmem>>, vector<16xf32>,
        %mul3A_1132 = arith.mulf %gather3A_1121, %get3A_1131 : vector<16xf32>
        %add3A_1133 = arith.addf %add3A_1109, %mul3A_1132 : vector<16xf32>
        %broadcast_in_dim3A_1134 = arith.constant 2 : i32
        %broadcast_in_dim3A_1135 = vector.broadcast %broadcast_in_dim3A_1134 : i32 to vector<16xi32>
        %lt3A_1136 = arith.constant 0 : i32
        %lt3A_1137 = vector.broadcast %lt3A_1136 : i32 to vector<16xi32>
        %lt3A_1138 = arith.cmpi slt, %broadcast_in_dim3A_1135, %lt3A_1137 : vector<16xi32>
        %add3A_1139 = arith.constant 16 : i32
        %add3A_1140 = vector.broadcast %add3A_1139 : i32 to vector<16xi32>
        %add3A_1141 = arith.addi %broadcast_in_dim3A_1135, %add3A_1140 : vector<16xi32>
        %select_n3A_1142 = arith.select %lt3A_1138, %add3A_1141, %broadcast_in_dim3A_1135 : vector<16xi1>, vector<16xi32>
        %broadcast_in_dim3A_1143 = vector.shape_cast %select_n3A_1142 : vector<16xi32> to vector<16x1xi32>
        %gather3A_1144 = vector.shape_cast %broadcast_in_dim3A_1143 : vector<16x1xi32> to vector<16xi32>
        %gather3A_1145 = tpu.dynamic_gather %gather3A_698[%gather3A_1144] in [0] : vector<16xf32>, vector<16xi32> -> vector<16xf32>
        %add3A_1146 = arith.constant 1152 : i32
        %add3A_1147 = arith.addi %add3A_1146, %scan3A_694 : i32
        %get3A_1148 = arith.index_cast %add3A_1147 : i32 to index
        %get3A_1149 = arith.constant 0 : index
        %get3A_1150 = tpu.vector_load %arg9[%get3A_1148, %get3A_1149] {strides = array<i32>} : memref<1280x32xf32, #tpu.memory_space<vmem>>, vector<16xf32>,
        %mul3A_1151 = arith.mulf %gather3A_1145, %get3A_1150 : vector<16xf32>
        %add3A_1152 = arith.addf %add3A_1128, %mul3A_1151 : vector<16xf32>
        %get3A_1153 = arith.index_cast %add3A_1147 : i32 to index
        %get3A_1154 = arith.constant 16 : index
        %get3A_1155 = tpu.vector_load %arg9[%get3A_1153, %get3A_1154] {strides = array<i32>} : memref<1280x32xf32, #tpu.memory_space<vmem>>, vector<16xf32>,
        %mul3A_1156 = arith.mulf %gather3A_1145, %get3A_1155 : vector<16xf32>
        %add3A_1157 = arith.addf %add3A_1133, %mul3A_1156 : vector<16xf32>
        %broadcast_in_dim3A_1158 = arith.constant 3 : i32
        %broadcast_in_dim3A_1159 = vector.broadcast %broadcast_in_dim3A_1158 : i32 to vector<16xi32>
        %lt3A_1160 = arith.constant 0 : i32
        %lt3A_1161 = vector.broadcast %lt3A_1160 : i32 to vector<16xi32>
        %lt3A_1162 = arith.cmpi slt, %broadcast_in_dim3A_1159, %lt3A_1161 : vector<16xi32>
        %add3A_1163 = arith.constant 16 : i32
        %add3A_1164 = vector.broadcast %add3A_1163 : i32 to vector<16xi32>
        %add3A_1165 = arith.addi %broadcast_in_dim3A_1159, %add3A_1164 : vector<16xi32>
        %select_n3A_1166 = arith.select %lt3A_1162, %add3A_1165, %broadcast_in_dim3A_1159 : vector<16xi1>, vector<16xi32>
        %broadcast_in_dim3A_1167 = vector.shape_cast %select_n3A_1166 : vector<16xi32> to vector<16x1xi32>
        %gather3A_1168 = vector.shape_cast %broadcast_in_dim3A_1167 : vector<16x1xi32> to vector<16xi32>
        %gather3A_1169 = tpu.dynamic_gather %gather3A_698[%gather3A_1168] in [0] : vector<16xf32>, vector<16xi32> -> vector<16xf32>
        %add3A_1170 = arith.constant 1216 : i32
        %add3A_1171 = arith.addi %add3A_1170, %scan3A_694 : i32
        %get3A_1172 = arith.index_cast %add3A_1171 : i32 to index
        %get3A_1173 = arith.constant 0 : index
        %get3A_1174 = tpu.vector_load %arg9[%get3A_1172, %get3A_1173] {strides = array<i32>} : memref<1280x32xf32, #tpu.memory_space<vmem>>, vector<16xf32>,
        %mul3A_1175 = arith.mulf %gather3A_1169, %get3A_1174 : vector<16xf32>
        %add3A_1176 = arith.addf %add3A_1152, %mul3A_1175 : vector<16xf32>
        %get3A_1177 = arith.index_cast %add3A_1171 : i32 to index
        %get3A_1178 = arith.constant 16 : index
        %get3A_1179 = tpu.vector_load %arg9[%get3A_1177, %get3A_1178] {strides = array<i32>} : memref<1280x32xf32, #tpu.memory_space<vmem>>, vector<16xf32>,
        %mul3A_1180 = arith.mulf %gather3A_1169, %get3A_1179 : vector<16xf32>
        %add3A_1181 = arith.addf %add3A_1157, %mul3A_1180 : vector<16xf32>
        %swap3A = arith.index_cast %scan3A_694 : i32 to index
        %swap3A_1182 = arith.constant 0 : index
        %swap3A_1183 = tpu.vector_load %arg12[%swap3A, %swap3A_1182] {strides = array<i32>} : memref<64x32xf32, #tpu.memory_space<vmem>>, vector<16xf32>,
        tpu.vector_store %arg12[%swap3A, %swap3A_1182], %add3A_1176 {strides = array<i32>} : memref<64x32xf32, #tpu.memory_space<vmem>>, vector<16xf32>,
        %swap3A_1184 = arith.index_cast %scan3A_694 : i32 to index
        %swap3A_1185 = arith.constant 16 : index
        %swap3A_1186 = tpu.vector_load %arg12[%swap3A_1184, %swap3A_1185] {strides = array<i32>} : memref<64x32xf32, #tpu.memory_space<vmem>>, vector<16xf32>,
        tpu.vector_store %arg12[%swap3A_1184, %swap3A_1185], %add3A_1181 {strides = array<i32>} : memref<64x32xf32, #tpu.memory_space<vmem>>, vector<16xf32>,
      }
      %scan3A_688 = arith.constant 64 : i32
      %mul3A_689 = arith.constant 512 : i32
      %mul3A_690 = arith.muli %add3A, %mul3A_689 : i32
      %mul3A_691 = arith.constant 64 : i32
      %mul3A_692 = arith.muli %add3A_450, %mul3A_691 : i32
      %add3A_693 = arith.addi %mul3A_690, %mul3A_692 : i32
      "tpu.region"() ({
        %run_scoped3A = tpu.sem_alloc : memref<!tpu.dma_semaphore, #tpu.memory_space<semaphore_mem>>
        %dma_start3A_694 = arith.constant 0 : i32
        %dma_start3A_695 = tpu.memref_slice %arg5[%add3A_693, %dma_start3A_694] : memref<16384x32xf32, #tpu.memory_space<hbm>> -> memref<64x32xf32, #tpu.memory_space<hbm>>
        %dma_start3A_696 = arith.constant 0 : i32
        %dma_start3A_697 = tpu.memref_slice %arg5[%add3A_693, %dma_start3A_696] : memref<16384x32xf32, #tpu.memory_space<hbm>> -> memref<64x32xf32, #tpu.memory_space<hbm>>
        tpu.enqueue_dma source(%arg12 : memref<64x32xf32, #tpu.memory_space<vmem>>) target(%dma_start3A_697 : memref<64x32xf32, #tpu.memory_space<hbm>>) target_semaphore(%run_scoped3A : memref<!tpu.dma_semaphore, #tpu.memory_space<semaphore_mem>>)
        %dma_wait3A_698 = arith.constant 0 : i32
        %dma_wait3A_699 = tpu.memref_slice %arg5[%add3A_693, %dma_wait3A_698] : memref<16384x32xf32, #tpu.memory_space<hbm>> -> memref<64x32xf32, #tpu.memory_space<hbm>>
        %dma_wait3A_700 = arith.constant 0 : i32
        %dma_wait3A_701 = tpu.memref_slice %arg5[%add3A_693, %dma_wait3A_700] : memref<16384x32xf32, #tpu.memory_space<hbm>> -> memref<64x32xf32, #tpu.memory_space<hbm>>
        tpu.wait_dma2 semaphore(%run_scoped3A : memref<!tpu.dma_semaphore, #tpu.memory_space<semaphore_mem>>) src(%arg12 : memref<64x32xf32, #tpu.memory_space<vmem>>) dst(%dma_wait3A_701 : memref<64x32xf32, #tpu.memory_space<hbm>>)
        tpu.yield
      }) : () -> ()
    }
    %scan3A_208 = arith.constant 4 : i32
    return
  }
}

</mosaic_0001>

<sc_bundles>
// kernel: kernel.3.cloned.1.call-start
scs
__scs_entry_jumppad:
0x0: {  	(pc) =	sbr.rel $0x88, $3  }
0x1: {  	(tag) =	ssettag $0x0;
	lr =	simm.s32 $0x1  }
0x2: {  	[smem:$0x3F9E] =	sst lr;
	_ =	strace $0xD0000000  }
0x3: {  	_ = 	snop  }
0x4: {  	_ = 	snop  }
0x5: {  	_ = 	snop  }
0x6: {  	_ = 	snop  }
0x7: {  	_ = 	snop  }
__scs_overlays_trampoline_lowered:
0x8: {  	[smem:$0x3FAD] =	sst s0  }
0x9: {  	[smem:$0x3FAE] =	sst s1  }
0xa: {  	[smem:$0x3FAF] =	sst s2  }
0xb: {  	[smem:$0x3FB0] =	sst s3  }
0xc: {  	[smem:$0x3FB1] =	sst s4  }
0xd: {  	[smem:$0x3FB2] =	sst s5  }
0xe: {  	[smem:$0x3FB3] =	sst s6  }
0xf: {  	[smem:$0x3FB4] =	sst s7  }
0x10: {  	[smem:$0x3FB5] =	sst s8  }
0x11: {  	[smem:$0x3FB6] =	sst s9;
	s0 =	simm.s32 @!p0 $0x0  }
0x12: {  	s1 =	sld [smem:$0x3F9C];
	s0 =	simm.s32 @p0 $0x1  }
0x13: {  	[smem:$0x3FB7] =	sst s0;
	s0 =	simm.s32 @!p1 $0x0  }
0x14: {  	s2 =	sld [smem:$0x3F9B];
	s0 =	simm.s32 @p1 $0x1  }
0x15: {  	[smem:$0x3FB8] =	sst s0;
	s0 =	simm.s32 @!p2 $0x0  }
0x16: {  	s3 =	sld [smem:$0x3FDB];
	s0 =	simm.s32 @p2 $0x1  }
0x17: {  	s4 =	simm.s32 $0x1BF5;
	[smem:$0x3FBA] =	sst s0  }
0x18: {  	s0 =	sld [smem:$0x3F9D];
	_ =	swait.ge [sflag:s4], $0x0  }
0x19: {  	s7 =	sld [smem:$0x3F9E]  }
0x1a: {  	s8 =	sadd.s32 $0xFFFFE003, lr  }
0x1b: {  	s9 =	sadd.s32 $0xFFFFFEF7, lr;
	s5 =	simm.s32 $0xFFFFFFFF;
	p2 =	slt.u32 s8, $0xFFFFF086  }
0x1c: {  	p1 =	slt.u32 s9, $0xF7A;
	s5 =	simm.s32 @!p2 $0x0  }
0x1d: {  	s5 =	simm.s32 @p1 $0x1;
	p0 =	seq.s32 s7, s2  }
0x1e: {  	s7 =	smul.u32 @!p0 $0xF7A, s2;
	p2 =	seq.s32 @!p0 s5, $0x0  }
0x1f: {  	s9 =	smul.u32 $0xF7A, s1;
	s8 =	simm.s32 @!p0 $0x1BF5;
	p2 =	por !p2, p0  }
0x20: {  	[sflag:s8] =	ssyncset.s32 @!p0 $0xFFFFF086;
	s6 =	sadd.s32 @!p0 s3, s7;
	s7 =	simm.s32 @!p0 $0x108  }
0x21: {  	s3 =	sadd.s32 s3, s9;
	s6 =	sadd.s32 @!p0 $0x88, s6;
	s7 =	simm.s32 @p2 $0x1082  }
0x22: {  	[simem:s7], [sflag:s8] =	dma.local @!p0 [hbm:s6], $0xF7A  }
0x23: {  	s9 =	sor.u32 $0xD0000000, s2;
	s6 =	simm.s32 $0x108;
	_ =	swait.ge @!p0 [sflag:s8], $0x0  }
0x24: {  	s3 =	sadd.s32 $0x88, s3;
	s6 =	simm.s32 @!p1 $0x1082;
	[sflag:s4] =	ssyncset.s32 $0xFFFFF086  }
0x25: {  	[simem:s6], [sflag:s4] =	dma.local [hbm:s3], $0xF7A  }
0x26: {  	[smem:$0x3F9E] =	sst s1;
	(tag) =	ssettag s2;
	_ =	strace s9  }
0x27: {  	s1 =	sld [smem:$0x3FAE]  }
0x28: {  	s2 =	sld [smem:$0x3FAF]  }
0x29: {  	s4 =	sld [smem:$0x3FB1]  }
0x2a: {  	p0 =	seq.s32 s5, $0x0;
	s5 =	sld [smem:$0x3FB2]  }
0x2b: {  	s6 =	sld [smem:$0x3FB3]  }
0x2c: {  	s7 =	sld [smem:$0x3FB4]  }
0x2d: {  	s3 =	simm.s32 $0x108;
	s8 =	sld [smem:$0x3FB5]  }
0x2e: {  	s3 =	simm.s32 @!p0 $0x1082;
	s9 =	sld [smem:$0x3FB6]  }
0x2f: {  	lr =	sadd.s32 s0, s3;
	s0 =	sld [smem:$0x3FAD]  }
0x30: {  	s3 =	sld [smem:$0x3FB0]  }
0x31: {  	[smem:$0x3FB9] =	sst s10  }
0x32: {  	s10 =	sld [smem:$0x3FB7];
	_ =	sdelay $0x3  }
0x33: {  	p0 =	seq.s32 s10, $0x1;
	s10 =	sld [smem:$0x3FB9];
	_ =	sdelay $0x3  }
0x34: {  	[smem:$0x3FB9] =	sst s10  }
0x35: {  	s10 =	sld [smem:$0x3FB8];
	_ =	sdelay $0x3  }
0x36: {  	p1 =	seq.s32 s10, $0x1;
	s10 =	sld [smem:$0x3FB9];
	_ =	sdelay $0x3  }
0x37: {  	[smem:$0x3FB9] =	sst s10  }
0x38: {  	s10 =	sld [smem:$0x3FBA]  }
0x39: {  	_ = 	snop;
	(pc) =	sbr.ind lr, $3  }
0x3a: {  	_ = 	snop  }
0x3b: {  	_ = 	snop  }
0x3c: {  	p2 =	seq.s32 s10, $0x1;
	s10 =	sld [smem:$0x3FB9]  }
0x3d: {  	_ =	shalt  }
0x3e: {  	_ =	shalt  }
0x3f: {  	_ =	shalt  }
0x40: {  	_ =	shalt  }
0x41: {  	_ =	shalt  }
0x42: {  	_ =	shalt  }
0x43: {  	_ =	shalt  }
0x44: {  	_ =	shalt  }
0x45: {  	_ =	shalt  }
0x46: {  	_ =	shalt  }
0x47: {  	_ =	shalt  }
0x48: {  	_ =	shalt  }
0x49: {  	_ =	shalt  }
0x4a: {  	_ =	shalt  }
0x4b: {  	_ =	shalt  }
0x4c: {  	_ =	shalt  }
0x4d: {  	_ =	shalt  }
0x4e: {  	_ =	shalt  }
0x4f: {  	_ =	shalt  }
0x50: {  	_ =	shalt  }
0x51: {  	_ =	shalt  }
0x52: {  	_ =	shalt  }
0x53: {  	_ =	shalt  }
0x54: {  	_ =	shalt  }
0x55: {  	_ =	shalt  }
0x56: {  	_ =	shalt  }
0x57: {  	_ =	shalt  }
0x58: {  	_ =	shalt  }
0x59: {  	_ =	shalt  }
0x5a: {  	_ =	shalt  }
0x5b: {  	_ =	shalt  }
0x5c: {  	_ =	shalt  }
0x5d: {  	_ =	shalt  }
0x5e: {  	_ =	shalt  }
0x5f: {  	_ =	shalt  }
0x60: {  	_ =	shalt  }
0x61: {  	_ =	shalt  }
0x62: {  	_ =	shalt  }
0x63: {  	_ =	shalt  }
0x64: {  	_ =	shalt  }
0x65: {  	_ =	shalt  }
0x66: {  	_ =	shalt  }
0x67: {  	_ =	shalt  }
0x68: {  	_ =	shalt  }
0x69: {  	_ =	shalt  }
0x6a: {  	_ =	shalt  }
0x6b: {  	_ =	shalt  }
0x6c: {  	_ =	shalt  }
0x6d: {  	_ =	shalt  }
0x6e: {  	_ =	shalt  }
0x6f: {  	_ =	shalt  }
0x70: {  	_ =	shalt  }
0x71: {  	_ =	shalt  }
0x72: {  	_ =	shalt  }
0x73: {  	_ =	shalt  }
0x74: {  	_ =	shalt  }
0x75: {  	_ =	shalt  }
0x76: {  	_ =	shalt  }
0x77: {  	_ =	shalt  }
0x78: {  	_ =	shalt  }
0x79: {  	_ =	shalt  }
0x7a: {  	_ =	shalt  }
0x7b: {  	_ =	shalt  }
0x7c: {  	_ =	shalt  }
0x7d: {  	_ =	shalt  }
0x7e: {  	_ =	shalt  }
0x7f: {  	_ =	shalt  }
0x80: {  	_ =	shalt  }
0x81: {  	_ =	shalt  }
0x82: {  	_ =	shalt  }
0x83: {  	_ =	shalt  }
0x84: {  	_ =	shalt  }
0x85: {  	_ =	shalt  }
0x86: {  	_ =	shalt  }
0x87: {  	_ =	shalt  }
.Lfunc_end0:
.L_simem_size_0:
called_computation_lowered:
.L_overlay_start_0:
0x88: {  	s2 =	sld [smem:$0x3FD9]  }
0x89: {  	s3 =	sld [smem:$0x3FFE];
	_ =	sdelay $0x1  }
0x8a: {  	s1 =	srdreg.scid  }
0x8b: {  	s0 =	sand.u32 $0x1, s1  }
0x8c: {  	s17 =	sshll.u32 s0, $0xA;
	s2 =	sadd.s32 s3, s2  }
0x8d: {  	s2 =	sadd.s32 s2, s17  }
0x8e: {  	[smem:$0x3FC5] =	sst s2  }
0x8f: {  	_ = 	snop  }
0x90: {  	s2 =	sld [smem:$0x3FD0];
	(tm) =	ssettm $0x1  }
0x91: {  	s18 =	sld [smem:$0x3FFB];
	_ =	sdelay $0x3  }
0x92: {  	_ =	strace s18  }
0x93: {  	s3 =	sld [smem:$0x3FFC];
	_ =	sdelay $0x3  }
0x94: {  	_ =	strace s3  }
0x95: {  	s3 =	sld [smem:$0x3FFD];
	_ =	sdelay $0x3  }
0x96: {  	_ =	strace s3  }
0x97: {  	_ =	strace $0x8FFFFFFF  }
0x98: {  	s19 =	sld [smem:$0x3FDB];
	_ =	sdelay $0x1  }
0x99: {  	s4 =	simm.s32 $_scs_section_size  }
0x9a: {  	s5 =	simm.s32 $_size__tile_overlayer_lowered;
	s6 =	simm.s32 $_tile_overlayer_lowered  }
0x9b: {  	s22 =	simm.s32 $0x1BFF;
	s21 =	sshll.u32 s6, $0x1;
	s3 =	sadd.s32 s4, s19  }
0x9c: {  	s7 =	simm.s32 $0x0;
	s20 =	sshll.u32 s5, $0x1;
	s5 =	sadd.s32 s21, s3  }
0x9d: {  	[timem:s7], [sflag:s22] =	dma.local [hbm:s5], s20  }
0x9e: {  	_ =	swait.ge [sflag:s22], s20  }
0x9f: {  	s4 =	ssub.s32 $0x0, s20;
	[sflag:s22] =	ssyncset.done $0x0  }
0xa0: {  	[sflag:s22] =	ssyncadd.s32 s4;
	_ =	sdelay $0x1  }
0xa1: {  	s23 =	simm.s32 $0x1B8B  }
0xa2: {  	_ =	swait.ge [sflag:s23], $0x1  }
0xa3: {  	[sflag:s23] =	ssyncset.done $0x0  }
0xa4: {  	s25 =	simm.s32 $0x1B8E;
	s24 =	sld [smem:$0x3FFE];
	[sflag:s23] =	ssyncadd.s32 $0xFFFFFFFF  }
0xa5: {  	s26 =	simm.s32 $execute0_lowered;
	[smem:$0x3FD2] =	sst s25  }
0xa6: {  	s5 =	sshll.u32 s26, $0x1;
	_ =	strace $0x80000046;
	[dreg:$0x1] =	wrdreg $0xFFFFFFFF  }
0xa7: {  	s28 =	simm.s32 $_size_execute0_lowered;
	s3 =	sadd.s32 s3, s5;
	[dreg:$0x0] =	wrdreg $0x0  }
0xa8: {  	s5 =	sshll.u32 s28, $0x1;
	[dreg:$0x2] =	wrdreg s3  }
0xa9: {  	[dreg:$0x3] =	wrdreg s5  }
0xaa: {  	[dreg:$0x4] =	wrdreg $0xC0  }
0xab: {  	_ =	task [dreg:s7], $0x5FFFF  }
0xac: {  	[dreg:$0x1] =	wrdreg $0xFFFFFFFF  }
0xad: {  	[dreg:$0x0] =	wrdreg $0x60  }
0xae: {  	[dreg:$0x2] =	wrdreg s24  }
0xaf: {  	[dreg:$0x3] =	wrdreg s2  }
0xb0: {  	[dreg:$0x4] =	wrdreg $0x9  }
0xb1: {  	_ =	task.clear_ibuf [dreg:s7], $0x5FFFF;
	_ =	strace $0x90000046  }
0xb2: {  	s29 =	simm.s32 $0x9;
	_ =	strace $0x80000048  }
0xb3: {  	_ =	swait.ge [sflag:s29], $0x1  }
0xb4: {  	[sflag:s29] =	ssyncadd.s32 $0xFFFFFFFF  }
0xb5: {  	_ =	strace $0x90000048  }
0xb6: {  	_ =	sfence  }
0xb7: {  	s30 =	sld [smem:$0x0];
	_ =	sdelay $0x2  }
0xb8: {  	s31 =	sshll.u32 s1, $0xD;
	s1 =	sshrl.u32 s1, $0x2  }
0xb9: {  	s3 =	sand.u32 $0x4000, s31;
	s1 =	sadd.s32 s1, s30  }
0xba: {  	s0 =	sor.u32 s3, s0;
	s1 =	sshll.u32 s1, $0x11  }
0xbb: {  	s0 =	sor.u32 s1, s0  }
0xbc: {  	s0 =	sadd.s32 $0x8F2B, s0  }
0xbd: {  	[sflag:s0] =	ssyncadd.remote.s32 $0x1  }
0xbe: {  	_ =	sfence.sel $0xFFFF  }
0xbf: {  	[dreg:$0x0] =	wrdreg $0xFFFFFFFF;
	(pc) =	sbr.abs _section_cstart, $3  }
0xc0: {  	[dreg:$0x1] =	wrdreg $0xFFFFFFFF  }
0xc1: {  	_ =	task.clear_ibuf [dreg:s7], $0x2FFFF;
	_ =	strace $0x9FFFFFFF  }
0xc2: {  	(tm) =	ssettm $0x7FFFFFFF  }
0xc3: {  	_ =	shalt  }
tec
execute0_lowered:
.L_overlay_start_1:
0x0: {  	(tag) =	ssettag $0x1  }
0x1: {  	s0 =	rddreg [dreg:$0x0]  }
0x2: {  	s2 =	rddreg [dreg:$0x1];
	s1 =	simm.s32 $0x0  }
0x3: {  	s4 =	srdreg.scid;
	s6 =	stileid.u32;
	s12 =	simm.s32 $0x40  }
0x4: {  	s13 =	simm.s32 $0x4000;
	s14 =	simm.s32 $0x3;
	s28 =	simm.s32 $0x13200  }
0x5: {  	s29 =	simm.s32 $0x980;
	s30 =	simm.s32 $0x13A00;
	s31 =	simm.s32 $0x9C0  }
0x6: {  	s10 =	simm.s32 $0x14F00;
	s11 =	simm.s32 $0x15400;
	s15 =	simm.s32 $0x2  }
0x7: {  	s17 =	simm.s32 $0x0;
	[smem:$0x7FF] =	sst s1;
	s3 =	sadd.s32 $0xA800, s0  }
0x8: {  	s4 =	sand.u32 $0x1, s4;
	s6 =	sshll.u32 s6, $0x9;
	_ =	strace $0x80000047  }
0x9: {  	s7 =	ssub.s32 $0x2, s4;
	s5 =	sshll.u32 s4, $0xD;
	s4 =	sadd.s32 $0x800, s0  }
0xa: {  	s8 =	sshrl.u32 s7, $0x1;
	s5 =	sor.u32 s6, s5;
	s6 =	sadd.s32 $0xF42C00, s0  }
0xb: {  	v0 =	vlaneseq.u32;
	v2 =	vimm.s32 $0x0;
	v3 =	vimm.s32 $0x1;
	s22 =	ssub.s32 s7, s8;
	s23 =	sshrl.u32 s5, $0x3;
	s25 =	sshll.u32 s5, $0x2  }
0xc: {  	v4 =	vimm.s32 $0x2;
	v5 =	vimm.s32 $0x3;
	v6 =	vimm.s32 $0x4;
	s26 =	sor.u32 $0x80, s5;
	s8 =	simm.s32 $0x1;
	s24 =	sadd.s32 s3, s23  }
0xd: {  	v7 =	vimm.s32 $0x5;
	v8 =	vimm.s32 $0x6;
	v9 =	vimm.s32 $0x7;
	s7 =	sadd.s32 s4, s23;
	s9 =	sadd.s32 s2, s25;
	[dreg:$0x5] =	wrdreg s26  }
0xe: {  	v10 =	vimm.s32 $0x8;
	v11 =	vimm.s32 $0x9;
	v1 =	vand.u32 $0x3, v0;
	s0 =	smax.u32 s22, $0x1;
	s2 =	simm.s32 $0x14A00;
	[dreg:$0x3] =	wrdreg s24  }
0xf: {  	v12 =	vimm.s32 $0xA;
	v13 =	vimm.s32 $0xB;
	v1 =	vmul.u32 $0x40, v1;
	s22 =	simm.s32 $0x8C0;
	s23 =	simm.s32 $0x12200;
	[dreg:$0x4] =	wrdreg s7  }
0x10: {  	v14 =	vimm.s32 $0xC;
	v15 =	vimm.s32 $0xD;
	v16 =	vimm.s32 $0xE;
	s25 =	simm.s32 $0x12A00;
	s26 =	simm.s32 $0x940;
	[dreg:$0x6] =	wrdreg s0  }
0x11: {  	v17 =	vimm.s32 $0xF;
	v0 =	vmul.u32 $0x40, v0;
	v1 =	vor.u32 $0x400, v1;
	s7 =	simm.s32 $0x500;
	s24 =	simm.s32 $0x900;
	s0 =	simm.s32 $0x14200  }
.LBB2_1:
0x12: {  	[dreg:$0x7] =	wrdreg s17  }
0x13: {  	s16 =	rddreg [dreg:$0x3]  }
0x14: {  	[tilespmem:s1], [sflag:$0x3] =	stream.strided.gather [hbm4b:s16+s12], $0x500, s13, s12, $0x38;
	[tilespmem:$0x15C00] =	vst v63  }
0x15: {  	_ =	swait.ge [sflag:s14], $0x500  }
0x16: {  	[sflag:s14] =	ssyncset.done $0x0  }
0x17: {  	s21 =	simm.s32 $0xA00;
	[sflag:s14] =	ssyncadd.s32 $0xFFFFFB00  }
0x18: {  	[tilespmem:s21], [sflag:$0x1] =	stream.indirect.gather [hbm4b:s6+s12], $0x20, s1, s12, $0xb8;
	[tilespmem:$0x15C00] =	vst v63  }
0x19: {  	s17 =	simm.s32 $0x1200  }
0x1a: {  	[tilespmem:s17], [sflag:$0x1] =	stream.indirect.gather [hbm4b:s6+s12], $0x20, s12, s12, $0xb8;
	[tilespmem:$0x15C00] =	vst v63  }
0x1b: {  	s18 =	simm.s32 $0x80;
	s19 =	simm.s32 $0x1A00  }
0x1c: {  	[tilespmem:s19], [sflag:$0x1] =	stream.indirect.gather [hbm4b:s6+s12], $0x20, s18, s12, $0xb8;
	[tilespmem:$0x15C00] =	vst v63  }
0x1d: {  	s20 =	simm.s32 $0xC0;
	s21 =	simm.s32 $0x2200  }
0x1e: {  	[tilespmem:s21], [sflag:$0x1] =	stream.indirect.gather [hbm4b:s6+s12], $0x20, s20, s12, $0xb8;
	[tilespmem:$0x15C00] =	vst v63  }
0x1f: {  	s18 =	simm.s32 $0x100;
	s19 =	simm.s32 $0x2A00  }
0x20: {  	[tilespmem:s19], [sflag:$0x1] =	stream.indirect.gather [hbm4b:s6+s12], $0x20, s18, s12, $0xb8;
	[tilespmem:$0x15C00] =	vst v63  }
0x21: {  	s20 =	simm.s32 $0x140;
	s21 =	simm.s32 $0x3200  }
0x22: {  	[tilespmem:s21], [sflag:$0x1] =	stream.indirect.gather [hbm4b:s6+s12], $0x20, s20, s12, $0xb8;
	[tilespmem:$0x15C00] =	vst v63  }
0x23: {  	s18 =	simm.s32 $0x180;
	s19 =	simm.s32 $0x3A00  }
0x24: {  	[tilespmem:s19], [sflag:$0x1] =	stream.indirect.gather [hbm4b:s6+s12], $0x20, s18, s12, $0xb8;
	[tilespmem:$0x15C00] =	vst v63  }
0x25: {  	s20 =	simm.s32 $0x1C0;
	s21 =	simm.s32 $0x4200  }
0x26: {  	[tilespmem:s21], [sflag:$0x1] =	stream.indirect.gather [hbm4b:s6+s12], $0x20, s20, s12, $0xb8;
	[tilespmem:$0x15C00] =	vst v63  }
0x27: {  	s18 =	simm.s32 $0x200;
	s19 =	simm.s32 $0x4A00  }
0x28: {  	[tilespmem:s19], [sflag:$0x1] =	stream.indirect.gather [hbm4b:s6+s12], $0x20, s18, s12, $0xb8;
	[tilespmem:$0x15C00] =	vst v63  }
0x29: {  	s20 =	simm.s32 $0x240;
	s21 =	simm.s32 $0x5200  }
0x2a: {  	[tilespmem:s21], [sflag:$0x1] =	stream.indirect.gather [hbm4b:s6+s12], $0x20, s20, s12, $0xb8;
	[tilespmem:$0x15C00] =	vst v63  }
0x2b: {  	s18 =	simm.s32 $0x280;
	s19 =	simm.s32 $0x5A00  }
0x2c: {  	[tilespmem:s19], [sflag:$0x1] =	stream.indirect.gather [hbm4b:s6+s12], $0x20, s18, s12, $0xb8;
	[tilespmem:$0x15C00] =	vst v63  }
0x2d: {  	s20 =	simm.s32 $0x2C0;
	s21 =	simm.s32 $0x6200  }
0x2e: {  	[tilespmem:s21], [sflag:$0x1] =	stream.indirect.gather [hbm4b:s6+s12], $0x20, s20, s12, $0xb8;
	[tilespmem:$0x15C00] =	vst v63  }
0x2f: {  	s18 =	simm.s32 $0x300;
	s19 =	simm.s32 $0x6A00  }
0x30: {  	[tilespmem:s19], [sflag:$0x1] =	stream.indirect.gather [hbm4b:s6+s12], $0x20, s18, s12, $0xb8;
	[tilespmem:$0x15C00] =	vst v63  }
0x31: {  	s20 =	simm.s32 $0x340;
	s21 =	simm.s32 $0x7200  }
0x32: {  	[tilespmem:s21], [sflag:$0x1] =	stream.indirect.gather [hbm4b:s6+s12], $0x20, s20, s12, $0xb8;
	[tilespmem:$0x15C00] =	vst v63  }
0x33: {  	s18 =	simm.s32 $0x380;
	s19 =	simm.s32 $0x7A00  }
0x34: {  	[tilespmem:s19], [sflag:$0x1] =	stream.indirect.gather [hbm4b:s6+s12], $0x20, s18, s12, $0xb8;
	[tilespmem:$0x15C00] =	vst v63  }
0x35: {  	s20 =	simm.s32 $0x3C0;
	s21 =	simm.s32 $0x8200  }
0x36: {  	[tilespmem:s21], [sflag:$0x1] =	stream.indirect.gather [hbm4b:s6+s12], $0x20, s20, s12, $0xb8;
	[tilespmem:$0x15C00] =	vst v63  }
0x37: {  	s18 =	simm.s32 $0x400;
	s19 =	simm.s32 $0x8A00  }
0x38: {  	[tilespmem:s19], [sflag:$0x1] =	stream.indirect.gather [hbm4b:s6+s12], $0x20, s18, s12, $0xb8;
	[tilespmem:$0x15C00] =	vst v63  }
0x39: {  	s20 =	simm.s32 $0x440;
	s21 =	simm.s32 $0x9200  }
0x3a: {  	[tilespmem:s21], [sflag:$0x1] =	stream.indirect.gather [hbm4b:s6+s12], $0x20, s20, s12, $0xb8;
	[tilespmem:$0x15C00] =	vst v63  }
0x3b: {  	s17 =	simm.s32 $0x480;
	s18 =	simm.s32 $0x9A00  }
0x3c: {  	[tilespmem:s18], [sflag:$0x1] =	stream.indirect.gather [hbm4b:s6+s12], $0x20, s17, s12, $0xb8;
	[tilespmem:$0x15C00] =	vst v63  }
0x3d: {  	s19 =	simm.s32 $0x4C0;
	s20 =	simm.s32 $0xA200  }
0x3e: {  	[tilespmem:s20], [sflag:$0x1] =	stream.indirect.gather [hbm4b:s6+s12], $0x20, s19, s12, $0xb8;
	[tilespmem:$0x15C00] =	vst v63  }
0x3f: {  	s21 =	rddreg [dreg:$0x4]  }
0x40: {  	[tilespmem:s2], [sflag:$0x3] =	stream.strided.gather [hbm4b:s21+s12], $0x500, s13, s12, $0x38;
	[tilespmem:$0x15C00] =	vst v63  }
0x41: {  	_ =	swait.ge [sflag:s14], $0x500  }
0x42: {  	[sflag:s14] =	ssyncset.done $0x0  }
0x43: {  	s16 =	simm.s32 $0x0;
	[sflag:s14] =	ssyncadd.s32 $0xFFFFFB00  }
.LBB2_2:
0x44: {  	s17 =	sshllo.u32 s16, $0x1  }
0x45: {  	s18 =	sshll.u32 s17, $0x6  }
0x46: {  	s18 =	sadd.s32 s5, s18  }
0x47: {  	s18 =	sshrl.u32 s18, $0x3  }
0x48: {  	s19 =	sadd.s32 s3, s18  }
0x49: {  	[tilespmem:s7], [sflag:$0x3] =	stream.strided.gather [hbm4b:s19+s12], $0x500, s13, s12, $0x38;
	[tilespmem:$0x15C00] =	vst v63  }
0x4a: {  	_ =	swait.ge [sflag:s14], $0x500  }
0x4b: {  	[sflag:s14] =	ssyncset.done $0x0  }
0x4c: {  	s20 =	simm.s32 $0xAA00;
	[sflag:s14] =	ssyncadd.s32 $0xFFFFFB00  }
0x4d: {  	[tilespmem:s20], [sflag:$0x2] =	stream.indirect.gather [hbm4b:s6+s12], $0x20, s7, s12, $0xb8;
	[tilespmem:$0x15C00] =	vst v63  }
0x4e: {  	s21 =	simm.s32 $0x540;
	s20 =	simm.s32 $0xB200  }
0x4f: {  	[tilespmem:s20], [sflag:$0x2] =	stream.indirect.gather [hbm4b:s6+s12], $0x20, s21, s12, $0xb8;
	[tilespmem:$0x15C00] =	vst v63  }
0x50: {  	s20 =	simm.s32 $0x580;
	s21 =	simm.s32 $0xBA00  }
0x51: {  	[tilespmem:s21], [sflag:$0x2] =	stream.indirect.gather [hbm4b:s6+s12], $0x20, s20, s12, $0xb8;
	[tilespmem:$0x15C00] =	vst v63  }
0x52: {  	s20 =	simm.s32 $0x5C0;
	s21 =	simm.s32 $0xC200  }
0x53: {  	[tilespmem:s21], [sflag:$0x2] =	stream.indirect.gather [hbm4b:s6+s12], $0x20, s20, s12, $0xb8;
	[tilespmem:$0x15C00] =	vst v63  }
0x54: {  	s20 =	simm.s32 $0x600;
	s21 =	simm.s32 $0xCA00  }
0x55: {  	[tilespmem:s21], [sflag:$0x2] =	stream.indirect.gather [hbm4b:s6+s12], $0x20, s20, s12, $0xb8;
	[tilespmem:$0x15C00] =	vst v63  }
0x56: {  	s20 =	simm.s32 $0x640;
	s21 =	simm.s32 $0xD200  }
0x57: {  	[tilespmem:s21], [sflag:$0x2] =	stream.indirect.gather [hbm4b:s6+s12], $0x20, s20, s12, $0xb8;
	[tilespmem:$0x15C00] =	vst v63  }
0x58: {  	s20 =	simm.s32 $0x680;
	s21 =	simm.s32 $0xDA00  }
0x59: {  	[tilespmem:s21], [sflag:$0x2] =	stream.indirect.gather [hbm4b:s6+s12], $0x20, s20, s12, $0xb8;
	[tilespmem:$0x15C00] =	vst v63  }
0x5a: {  	s20 =	simm.s32 $0x6C0;
	s21 =	simm.s32 $0xE200  }
0x5b: {  	[tilespmem:s21], [sflag:$0x2] =	stream.indirect.gather [hbm4b:s6+s12], $0x20, s20, s12, $0xb8;
	[tilespmem:$0x15C00] =	vst v63  }
0x5c: {  	s20 =	simm.s32 $0x700;
	s21 =	simm.s32 $0xEA00  }
0x5d: {  	[tilespmem:s21], [sflag:$0x2] =	stream.indirect.gather [hbm4b:s6+s12], $0x20, s20, s12, $0xb8;
	[tilespmem:$0x15C00] =	vst v63  }
0x5e: {  	s20 =	simm.s32 $0x740;
	s21 =	simm.s32 $0xF200  }
0x5f: {  	[tilespmem:s21], [sflag:$0x2] =	stream.indirect.gather [hbm4b:s6+s12], $0x20, s20, s12, $0xb8;
	[tilespmem:$0x15C00] =	vst v63  }
0x60: {  	s20 =	simm.s32 $0x780;
	s21 =	simm.s32 $0xFA00  }
0x61: {  	[tilespmem:s21], [sflag:$0x2] =	stream.indirect.gather [hbm4b:s6+s12], $0x20, s20, s12, $0xb8;
	[tilespmem:$0x15C00] =	vst v63  }
0x62: {  	s20 =	simm.s32 $0x7C0;
	s21 =	simm.s32 $0x10200  }
0x63: {  	[tilespmem:s21], [sflag:$0x2] =	stream.indirect.gather [hbm4b:s6+s12], $0x20, s20, s12, $0xb8;
	[tilespmem:$0x15C00] =	vst v63  }
0x64: {  	s20 =	simm.s32 $0x800;
	s21 =	simm.s32 $0x10A00  }
0x65: {  	[tilespmem:s21], [sflag:$0x2] =	stream.indirect.gather [hbm4b:s6+s12], $0x20, s20, s12, $0xb8;
	[tilespmem:$0x15C00] =	vst v63  }
0x66: {  	s20 =	simm.s32 $0x840;
	s21 =	simm.s32 $0x11200  }
0x67: {  	[tilespmem:s21], [sflag:$0x2] =	stream.indirect.gather [hbm4b:s6+s12], $0x20, s20, s12, $0xb8;
	[tilespmem:$0x15C00] =	vst v63  }
0x68: {  	s20 =	simm.s32 $0x880;
	s21 =	simm.s32 $0x11A00  }
0x69: {  	[tilespmem:s21], [sflag:$0x2] =	stream.indirect.gather [hbm4b:s6+s12], $0x20, s20, s12, $0xb8;
	[tilespmem:$0x15C00] =	vst v63  }
0x6a: {  	_ = 	snop  }
0x6b: {  	[tilespmem:s23], [sflag:$0x2] =	stream.indirect.gather [hbm4b:s6+s12], $0x20, s22, s12, $0xb8;
	[tilespmem:$0x15C00] =	vst v63  }
0x6c: {  	_ = 	snop  }
0x6d: {  	[tilespmem:s25], [sflag:$0x2] =	stream.indirect.gather [hbm4b:s6+s12], $0x20, s24, s12, $0xb8;
	[tilespmem:$0x15C00] =	vst v63  }
0x6e: {  	_ = 	snop  }
0x6f: {  	[tilespmem:s28], [sflag:$0x2] =	stream.indirect.gather [hbm4b:s6+s12], $0x20, s26, s12, $0xb8;
	[tilespmem:$0x15C00] =	vst v63  }
0x70: {  	_ = 	snop  }
0x71: {  	[tilespmem:s30], [sflag:$0x2] =	stream.indirect.gather [hbm4b:s6+s12], $0x20, s29, s12, $0xb8;
	[tilespmem:$0x15C00] =	vst v63  }
0x72: {  	_ = 	snop  }
0x73: {  	[tilespmem:s0], [sflag:$0x2] =	stream.indirect.gather [hbm4b:s6+s12], $0x20, s31, s12, $0xb8;
	[tilespmem:$0x15C00] =	vst v63  }
0x74: {  	s18 =	sadd.s32 s4, s18  }
0x75: {  	[tilespmem:s10], [sflag:$0x3] =	stream.strided.gather [hbm4b:s18+s12], $0x500, s13, s12, $0x38;
	[tilespmem:$0x15C00] =	vst v63  }
0x76: {  	_ =	swait.ge [sflag:s14], $0x500  }
0x77: {  	[sflag:s14] =	ssyncset.done $0x0  }
0x78: {  	[sflag:s14] =	ssyncadd.s32 $0xFFFFFB00  }
0x79: {  	_ =	swait.ge [sflag:s8], $0x800  }
0x7a: {  	[sflag:s8] =	ssyncset.done $0x0  }
0x7b: {  	[sflag:s8] =	ssyncadd.s32 $0xFFFFF800  }
0x7c: {  	_ =	swait.ge [sflag:s8], $0x800  }
0x7d: {  	[sflag:s8] =	ssyncset.done $0x0  }
0x7e: {  	[sflag:s8] =	ssyncadd.s32 $0xFFFFF800  }
0x7f: {  	_ =	swait.ge [sflag:s8], $0x800  }
0x80: {  	[sflag:s8] =	ssyncset.done $0x0  }
0x81: {  	[sflag:s8] =	ssyncadd.s32 $0xFFFFF800  }
0x82: {  	_ =	swait.ge [sflag:s8], $0x800  }
0x83: {  	[sflag:s8] =	ssyncset.done $0x0  }
0x84: {  	[sflag:s8] =	ssyncadd.s32 $0xFFFFF800  }
0x85: {  	_ =	swait.ge [sflag:s8], $0x800  }
0x86: {  	[sflag:s8] =	ssyncset.done $0x0  }
0x87: {  	[sflag:s8] =	ssyncadd.s32 $0xFFFFF800  }
0x88: {  	_ =	swait.ge [sflag:s8], $0x800  }
0x89: {  	[sflag:s8] =	ssyncset.done $0x0  }
0x8a: {  	[sflag:s8] =	ssyncadd.s32 $0xFFFFF800  }
0x8b: {  	_ =	swait.ge [sflag:s8], $0x800  }
0x8c: {  	[sflag:s8] =	ssyncset.done $0x0  }
0x8d: {  	[sflag:s8] =	ssyncadd.s32 $0xFFFFF800  }
0x8e: {  	_ =	swait.ge [sflag:s8], $0x800  }
0x8f: {  	[sflag:s8] =	ssyncset.done $0x0  }
0x90: {  	[sflag:s8] =	ssyncadd.s32 $0xFFFFF800  }
0x91: {  	_ =	swait.ge [sflag:s8], $0x800  }
0x92: {  	[sflag:s8] =	ssyncset.done $0x0  }
0x93: {  	[sflag:s8] =	ssyncadd.s32 $0xFFFFF800  }
0x94: {  	_ =	swait.ge [sflag:s8], $0x800  }
0x95: {  	[sflag:s8] =	ssyncset.done $0x0  }
0x96: {  	[sflag:s8] =	ssyncadd.s32 $0xFFFFF800  }
0x97: {  	_ =	swait.ge [sflag:s8], $0x800  }
0x98: {  	[sflag:s8] =	ssyncset.done $0x0  }
0x99: {  	[sflag:s8] =	ssyncadd.s32 $0xFFFFF800  }
0x9a: {  	_ =	swait.ge [sflag:s8], $0x800  }
0x9b: {  	[sflag:s8] =	ssyncset.done $0x0  }
0x9c: {  	[sflag:s8] =	ssyncadd.s32 $0xFFFFF800  }
0x9d: {  	_ =	swait.ge [sflag:s8], $0x800  }
0x9e: {  	[sflag:s8] =	ssyncset.done $0x0  }
0x9f: {  	[sflag:s8] =	ssyncadd.s32 $0xFFFFF800  }
0xa0: {  	_ =	swait.ge [sflag:s8], $0x800  }
0xa1: {  	[sflag:s8] =	ssyncset.done $0x0  }
0xa2: {  	[sflag:s8] =	ssyncadd.s32 $0xFFFFF800  }
0xa3: {  	_ =	swait.ge [sflag:s8], $0x800  }
0xa4: {  	[sflag:s8] =	ssyncset.done $0x0  }
0xa5: {  	[sflag:s8] =	ssyncadd.s32 $0xFFFFF800  }
0xa6: {  	_ =	swait.ge [sflag:s8], $0x800  }
0xa7: {  	[sflag:s8] =	ssyncset.done $0x0  }
0xa8: {  	[sflag:s8] =	ssyncadd.s32 $0xFFFFF800  }
0xa9: {  	_ =	swait.ge [sflag:s8], $0x800  }
0xaa: {  	[sflag:s8] =	ssyncset.done $0x0  }
0xab: {  	s21 =	simm.s32 $0x0;
	[sflag:s8] =	ssyncadd.s32 $0xFFFFF800  }
0xac: {  	v18 =	vmov s21;
	_ =	swait.ge [sflag:s8], $0x800  }
0xad: {  	v18 =	vand.u32 $0x3F, v18;
	[sflag:s8] =	ssyncset.done $0x0  }
0xae: {  	v18 =	vbroadcast v18, $0x0;
	[sflag:s8] =	ssyncadd.s32 $0xFFFFF800  }
0xaf: {  	_ =	swait.ge [sflag:s8], $0x800  }
0xb0: {  	v19 =	vor.u32 v0, v18;
	[sflag:s8] =	ssyncset.done $0x0  }
0xb1: {  	[sflag:s8] =	ssyncadd.s32 $0xFFFFF800  }
0xb2: {  	_ =	swait.ge [sflag:s8], $0x800  }
0xb3: {  	[sflag:s8] =	ssyncset.done $0x0  }
0xb4: {  	[sflag:s8] =	ssyncadd.s32 $0xFFFFF800  }
0xb5: {  	s18 =	simm.s32 $0x0;
	v19 =	vld.idx.msk [tilespmem:v19+s2+$0x0], $0xffff  }
0xb6: {  	v20 =	vld [tilespmem:s18+$0x7A00]  }
0xb7: {  	v21 =	vld [tilespmem:s18+$0xA10]  }
0xb8: {  	v22 =	vld [tilespmem:s18+$0xA00]  }
0xb9: {  	v23 =	vld [tilespmem:s18+$0x1210]  }
0xba: {  	v25 =	vld [tilespmem:s18+$0x1200];
	v24 =	vperm.xlane v19, v2  }
0xbb: {  	v26 =	vld [tilespmem:s18+$0x1A10]  }
0xbc: {  	v28 =	vld [tilespmem:s18+$0x1A00];
	v27 =	vperm.xlane v19, v3;
	v21 =	vmul.f32 v21, v24  }
0xbd: {  	v22 =	vmul.f32 v22, v24;
	v24 =	vld [tilespmem:s18+$0x2210]  }
0xbe: {  	v30 =	vld [tilespmem:s18+$0x2200];
	v29 =	vperm.xlane v19, v4;
	v23 =	vmul.f32 v23, v27;
	v21 =	vadd.f32 $0.0e+00, v21  }
0xbf: {  	v25 =	vmul.f32 v25, v27;
	v27 =	vld [tilespmem:s18+$0x2A10];
	v22 =	vadd.f32 $0.0e+00, v22  }
0xc0: {  	v31 =	vld [tilespmem:s18+$0x2A00];
	v21 =	vadd.f32 v23, v21;
	v23 =	vmul.f32 v26, v29;
	v26 =	vperm.xlane v19, v5  }
0xc1: {  	v22 =	vadd.f32 v25, v22;
	v25 =	vmul.f32 v28, v29;
	v28 =	vld [tilespmem:s18+$0x3210]  }
0xc2: {  	v29 =	vld [tilespmem:s18+$0x3200];
	v21 =	vadd.f32 v23, v21;
	v23 =	vmul.f32 v24, v26;
	v24 =	vperm.xlane v19, v6  }
0xc3: {  	v22 =	vadd.f32 v25, v22;
	v25 =	vmul.f32 v30, v26;
	v26 =	vld [tilespmem:s18+$0x3A10]  }
0xc4: {  	v30 =	vld [tilespmem:s18+$0x3A00];
	v21 =	vadd.f32 v23, v21;
	v23 =	vmul.f32 v27, v24;
	v27 =	vperm.xlane v19, v7  }
0xc5: {  	v22 =	vadd.f32 v25, v22;
	v24 =	vmul.f32 v31, v24;
	v25 =	vld [tilespmem:s18+$0x4210]  }
0xc6: {  	v31 =	vld [tilespmem:s18+$0x4200];
	v21 =	vadd.f32 v23, v21;
	v23 =	vmul.f32 v28, v27;
	v28 =	vperm.xlane v19, v8  }
0xc7: {  	v22 =	vadd.f32 v24, v22;
	v24 =	vmul.f32 v29, v27;
	v27 =	vld [tilespmem:s18+$0x4A10]  }
0xc8: {  	v29 =	vld [tilespmem:s18+$0x4A00];
	v21 =	vadd.f32 v23, v21;
	v23 =	vmul.f32 v26, v28;
	v26 =	vperm.xlane v19, v9  }
0xc9: {  	v22 =	vadd.f32 v24, v22;
	v24 =	vmul.f32 v30, v28;
	v28 =	vld [tilespmem:s18+$0x5210]  }
0xca: {  	v30 =	vld [tilespmem:s18+$0x5200];
	v21 =	vadd.f32 v23, v21;
	v23 =	vmul.f32 v25, v26;
	v25 =	vperm.xlane v19, v10  }
0xcb: {  	v22 =	vadd.f32 v24, v22;
	v24 =	vmul.f32 v31, v26;
	v26 =	vld [tilespmem:s18+$0x5A10]  }
0xcc: {  	v31 =	vld [tilespmem:s18+$0x5A00];
	v21 =	vadd.f32 v23, v21;
	v23 =	vmul.f32 v27, v25;
	v27 =	vperm.xlane v19, v11  }
0xcd: {  	v22 =	vadd.f32 v24, v22;
	v24 =	vmul.f32 v29, v25;
	v25 =	vld [tilespmem:s18+$0x6210]  }
0xce: {  	v29 =	vld [tilespmem:s18+$0x6200];
	v21 =	vadd.f32 v23, v21;
	v23 =	vmul.f32 v28, v27;
	v28 =	vperm.xlane v19, v12  }
0xcf: {  	v18 =	vor.u32 v1, v18;
	v22 =	vadd.f32 v24, v22;
	v24 =	vmul.f32 v30, v27;
	v27 =	vld [tilespmem:s18+$0x6A10]  }
0xd0: {  	v30 =	vld [tilespmem:s18+$0x6A00];
	v21 =	vadd.f32 v23, v21;
	v23 =	vmul.f32 v26, v28;
	v26 =	vperm.xlane v19, v13  }
0xd1: {  	v22 =	vadd.f32 v24, v22;
	v24 =	vmul.f32 v31, v28;
	v28 =	vld [tilespmem:s18+$0x7210]  }
0xd2: {  	v32 =	vld [tilespmem:s18+$0x7200];
	v31 =	vperm.xlane v19, v14;
	v23 =	vadd.f32 v23, v21;
	v25 =	vmul.f32 v25, v26  }
0xd3: {  	v22 =	vadd.f32 v24, v22;
	v24 =	vmul.f32 v29, v26;
	v26 =	vld [tilespmem:s18+$0x7A10]  }
0xd4: {  	v21 =	vld.idx.msk [tilespmem:v18+s2+$0x0], $0xffff;
	v18 =	vadd.f32 v25, v23;
	v23 =	vmul.f32 v27, v31;
	v25 =	vperm.xlane v19, v15  }
0xd5: {  	v22 =	vadd.f32 v24, v22;
	v24 =	vmul.f32 v30, v31;
	v27 =	vld [tilespmem:s18+$0x8210]  }
0xd6: {  	v29 =	vld [tilespmem:s18+$0x8200];
	v18 =	vadd.f32 v23, v18;
	v23 =	vmul.f32 v28, v25  }
0xd7: {  	v30 =	vld [tilespmem:s18+$0x9200];
	v28 =	vperm.xlane v19, v16;
	v22 =	vadd.f32 v24, v22;
	v24 =	vmul.f32 v32, v25  }
0xd8: {  	v25 =	vld [tilespmem:s18+$0x8A10];
	v19 =	vperm.xlane v19, v17;
	v18 =	vadd.f32 v23, v18  }
0xd9: {  	v23 =	vmul.f32 v26, v28;
	v26 =	vld [tilespmem:s18+$0x8A00];
	v22 =	vadd.f32 v24, v22;
	v20 =	vmul.f32 v20, v28  }
0xda: {  	v28 =	vld [tilespmem:s18+$0x9210];
	v24 =	vmul.f32 v27, v19;
	v27 =	vperm.xlane v21, v2  }
0xdb: {  	v23 =	vadd.f32 v23, v18;
	v20 =	vadd.f32 v20, v22;
	v22 =	vmul.f32 v29, v19;
	v18 =	vld [tilespmem:s18+$0xA200]  }
0xdc: {  	v29 =	vperm.xlane v21, v3;
	v19 =	vld [tilespmem:s18+$0x9A10]  }
0xdd: {  	s20 =	simm.s32 $0x1;
	v23 =	vadd.f32 v24, v23;
	v24 =	vmul.f32 v25, v27;
	v63 =	vadd.f32 v22, v20;
	v20 =	vld [tilespmem:s18+$0x9A00]  }
0xde: {  	v31 =	vmov s20;
	v22 =	vld [tilespmem:s18+$0xA210];
	v27 =	vmul.f32 v26, v27  }
0xdf: {  	v25 =	vmul.f32 v28, v29;
	v24 =	vadd.f32 v24, v23;
	v23 =	vperm.xlane v21, v4  }
0xe0: {  	s19 =	simm.s32 $0x80;
	s21 =	simm.s32 $0x100;
	v26 =	vand.u32 $0x3F, v31;
	v28 =	vmul.f32 v30, v29;
	v27 =	vadd.f32 v27, v63  }
.LBB2_3:
0xe1: {  	p0 =	sne.s32 s21, $0x1F80;
	v24 =	vadd.f32 v25, v24;
	v19 =	vmul.f32 v19, v23;
	v21 =	vperm.xlane v21, v5  }
0xe2: {  	v25 =	vbroadcast v26, $0x0;
	v26 =	vadd.f32 v28, v27;
	v20 =	vmul.f32 v20, v23  }
0xe3: {  	v19 =	vadd.f32 v19, v24;
	v18 =	vmul.f32 v18, v21;
	v21 =	vmul.f32 v22, v21  }
0xe4: {  	v22 =	vor.u32 v0, v25;
	v20 =	vadd.f32 v20, v26  }
0xe5: {  	v19 =	vadd.f32 v21, v19  }
0xe6: {  	v18 =	vadd.f32 v18, v20  }
0xe7: {  	[tilespmem:s18+$0x15410] =	vst v19  }
0xe8: {  	[tilespmem:s18+$0x15400] =	vst v18  }
0xe9: {  	s18 =	sshra.s32 s19, $0x2;
	s19 =	smov.u32 s21;
	v19 =	vld.idx.msk [tilespmem:v22+s2+$0x0], $0xffff  }
0xea: {  	v18 =	vld [tilespmem:s18+$0xA200]  }
0xeb: {  	v20 =	vld [tilespmem:s18+$0x7A00]  }
0xec: {  	v21 =	vld [tilespmem:s18+$0xA10]  }
0xed: {  	v22 =	vld [tilespmem:s18+$0xA00]  }
0xee: {  	v23 =	vld [tilespmem:s18+$0x1210]  }
0xef: {  	v24 =	vperm.xlane v19, v2;
	v26 =	vld [tilespmem:s18+$0x1200]  }
0xf0: {  	v27 =	vld [tilespmem:s18+$0x1A10]  }
0xf1: {  	v28 =	vperm.xlane v19, v3;
	v21 =	vmul.f32 v21, v24;
	v29 =	vld [tilespmem:s18+$0x1A00]  }
0xf2: {  	v22 =	vmul.f32 v22, v24;
	v24 =	vld [tilespmem:s18+$0x2210]  }
0xf3: {  	v30 =	vperm.xlane v19, v4;
	v21 =	vadd.f32 $0.0e+00, v21;
	v23 =	vmul.f32 v23, v28;
	v31 =	vld [tilespmem:s18+$0x2200]  }
0xf4: {  	v22 =	vadd.f32 $0.0e+00, v22;
	v26 =	vmul.f32 v26, v28;
	v28 =	vld [tilespmem:s18+$0x2A10]  }
0xf5: {  	v21 =	vadd.f32 v23, v21;
	v23 =	vmul.f32 v27, v30;
	v27 =	vperm.xlane v19, v5;
	v32 =	vld [tilespmem:s18+$0x2A00]  }
0xf6: {  	v22 =	vadd.f32 v26, v22;
	v26 =	vmul.f32 v29, v30;
	v29 =	vld [tilespmem:s18+$0x3210]  }
0xf7: {  	v21 =	vadd.f32 v23, v21;
	v23 =	vmul.f32 v24, v27;
	v24 =	vperm.xlane v19, v6;
	v30 =	vld [tilespmem:s18+$0x3200]  }
0xf8: {  	v22 =	vadd.f32 v26, v22;
	v26 =	vmul.f32 v31, v27;
	v27 =	vld [tilespmem:s18+$0x3A10]  }
0xf9: {  	v21 =	vadd.f32 v23, v21;
	v23 =	vmul.f32 v28, v24;
	v28 =	vperm.xlane v19, v7;
	v31 =	vld [tilespmem:s18+$0x3A00]  }
0xfa: {  	v22 =	vadd.f32 v26, v22;
	v24 =	vmul.f32 v32, v24;
	v26 =	vld [tilespmem:s18+$0x4210]  }
0xfb: {  	v21 =	vadd.f32 v23, v21;
	v23 =	vmul.f32 v29, v28;
	v29 =	vperm.xlane v19, v8;
	v32 =	vld [tilespmem:s18+$0x4200]  }
0xfc: {  	v22 =	vadd.f32 v24, v22;
	v24 =	vmul.f32 v30, v28;
	v28 =	vld [tilespmem:s18+$0x4A10]  }
0xfd: {  	v21 =	vadd.f32 v23, v21;
	v23 =	vmul.f32 v27, v29;
	v27 =	vperm.xlane v19, v9;
	v30 =	vld [tilespmem:s18+$0x4A00]  }
0xfe: {  	v22 =	vadd.f32 v24, v22;
	v24 =	vmul.f32 v31, v29;
	v29 =	vld [tilespmem:s18+$0x5210]  }
0xff: {  	v21 =	vadd.f32 v23, v21;
	v23 =	vmul.f32 v26, v27;
	v26 =	vperm.xlane v19, v10;
	v31 =	vld [tilespmem:s18+$0x5200]  }
0x100: {  	v22 =	vadd.f32 v24, v22;
	v24 =	vmul.f32 v32, v27;
	v27 =	vld [tilespmem:s18+$0x5A10]  }
0x101: {  	v21 =	vadd.f32 v23, v21;
	v23 =	vmul.f32 v28, v26;
	v28 =	vperm.xlane v19, v11;
	v32 =	vld [tilespmem:s18+$0x5A00]  }
0x102: {  	v22 =	vadd.f32 v24, v22;
	v24 =	vmul.f32 v30, v26;
	v26 =	vld [tilespmem:s18+$0x6210]  }
0x103: {  	v21 =	vadd.f32 v23, v21;
	v23 =	vmul.f32 v29, v28;
	v29 =	vperm.xlane v19, v12;
	v30 =	vld [tilespmem:s18+$0x6200]  }
0x104: {  	v25 =	vor.u32 v1, v25;
	v22 =	vadd.f32 v24, v22;
	v24 =	vmul.f32 v31, v28;
	v28 =	vld [tilespmem:s18+$0x6A10]  }
0x105: {  	v21 =	vadd.f32 v23, v21;
	v23 =	vmul.f32 v27, v29;
	v27 =	vperm.xlane v19, v13;
	v31 =	vld [tilespmem:s18+$0x6A00]  }
0x106: {  	v22 =	vadd.f32 v24, v22;
	v24 =	vmul.f32 v32, v29;
	v29 =	vld [tilespmem:s18+$0x7210]  }
0x107: {  	v32 =	vperm.xlane v19, v14;
	v23 =	vadd.f32 v23, v21;
	v26 =	vmul.f32 v26, v27;
	v33 =	vld [tilespmem:s18+$0x7200]  }
0x108: {  	v22 =	vadd.f32 v24, v22;
	v24 =	vmul.f32 v30, v27;
	v27 =	vld [tilespmem:s18+$0x7A10]  }
0x109: {  	v21 =	vld.idx.msk [tilespmem:v25+s2+$0x0], $0xffff;
	v23 =	vadd.f32 v26, v23;
	v25 =	vmul.f32 v28, v32;
	v26 =	vperm.xlane v19, v15  }
0x10a: {  	v22 =	vadd.f32 v24, v22;
	v24 =	vmul.f32 v31, v32;
	v28 =	vld [tilespmem:s18+$0x8210]  }
0x10b: {  	v23 =	vadd.f32 v25, v23;
	v25 =	vmul.f32 v29, v26;
	v29 =	vperm.xlane v19, v16;
	v30 =	vld [tilespmem:s18+$0x8200]  }
0x10c: {  	v22 =	vadd.f32 v24, v22;
	v24 =	vmul.f32 v33, v26;
	v26 =	vld [tilespmem:s18+$0x8A10]  }
0x10d: {  	v19 =	vperm.xlane v19, v17;
	v23 =	vadd.f32 v25, v23;
	v25 =	vmul.f32 v27, v29;
	v27 =	vld [tilespmem:s18+$0x8A00]  }
0x10e: {  	v20 =	vmul.f32 v20, v29;
	v22 =	vadd.f32 v24, v22;
	v29 =	vld [tilespmem:s18+$0x9210]  }
0x10f: {  	v23 =	vadd.f32 v25, v23;
	v24 =	vmul.f32 v28, v19;
	v25 =	vperm.xlane v21, v2;
	v28 =	vld [tilespmem:s18+$0x9200]  }
.Ltmp0:
0x110: {  	v22 =	vadd.f32 v20, v22;
	v30 =	vmul.f32 v30, v19;
	v19 =	vld [tilespmem:s18+$0x9A10];
	(pc) =	sbr.rel @p0 .LBB2_3-.Ltmp0, $4  }
0x111: {  	s20 =	sadd.s32 $0x1, s20;
	v31 =	vperm.xlane v21, v3;
	v23 =	vadd.f32 v24, v23;
	v24 =	vmul.f32 v26, v25;
	v20 =	vld [tilespmem:s18+$0x9A00]  }
0x112: {  	v26 =	vmov s20;
	v30 =	vadd.f32 v30, v22;
	v27 =	vmul.f32 v27, v25;
	v22 =	vld [tilespmem:s18+$0xA210]  }
0x113: {  	v24 =	vadd.f32 v24, v23;
	v25 =	vmul.f32 v29, v31;
	v23 =	vperm.xlane v21, v4  }
0x114: {  	s21 =	sadd.s32 $0x80, s21;
	v26 =	vand.u32 $0x3F, v26;
	v27 =	vadd.f32 v27, v30;
	v28 =	vmul.f32 v28, v31  }
0x115: {  	v24 =	vadd.f32 v25, v24;
	v19 =	vmul.f32 v19, v23;
	v21 =	vperm.xlane v21, v5  }
0x116: {  	v25 =	vbroadcast v26, $0x0;
	v41 =	vadd.f32 v28, v27;
	v20 =	vmul.f32 v20, v23  }
0x117: {  	v19 =	vadd.f32 v19, v24;
	v22 =	vmul.f32 v22, v21  }
0x118: {  	v18 =	vmul.f32 v18, v21;
	v42 =	vor.u32 v0, v25;
	v20 =	vadd.f32 v20, v41  }
0x119: {  	v19 =	vadd.f32 v22, v19  }
0x11a: {  	v18 =	vadd.f32 v18, v20  }
0x11b: {  	[tilespmem:s18+$0x15410] =	vst v19  }
0x11c: {  	[tilespmem:s18+$0x15400] =	vst v18  }
0x11d: {  	s19 =	sshra.s32 s19, $0x2;
	v18 =	vld.idx.msk [tilespmem:v42+s2+$0x0], $0xffff  }
0x11e: {  	v19 =	vld [tilespmem:s19+$0x7A00]  }
0x11f: {  	v43 =	vld [tilespmem:s19+$0xA10]  }
0x120: {  	v44 =	vld [tilespmem:s19+$0xA00]  }
0x121: {  	v45 =	vld [tilespmem:s19+$0x1210]  }
0x122: {  	v47 =	vld [tilespmem:s19+$0x1200];
	v46 =	vperm.xlane v18, v2  }
0x123: {  	v48 =	vld [tilespmem:s19+$0x1A10]  }
0x124: {  	v50 =	vld [tilespmem:s19+$0x1A00];
	v49 =	vperm.xlane v18, v3;
	v20 =	vmul.f32 v43, v46  }
0x125: {  	v51 =	vld [tilespmem:s19+$0x2210];
	v21 =	vmul.f32 v44, v46  }
0x126: {  	v30 =	vld [tilespmem:s19+$0x2200];
	v29 =	vperm.xlane v18, v4;
	v22 =	vmul.f32 v45, v49;
	v20 =	vadd.f32 $0.0e+00, v20  }
0x127: {  	v52 =	vld [tilespmem:s19+$0x2A10];
	v24 =	vmul.f32 v47, v49;
	v21 =	vadd.f32 $0.0e+00, v21  }
0x128: {  	v31 =	vld [tilespmem:s19+$0x2A00];
	v54 =	vperm.xlane v18, v5;
	v53 =	vmul.f32 v48, v29;
	v20 =	vadd.f32 v22, v20  }
0x129: {  	v56 =	vld [tilespmem:s19+$0x3210];
	v55 =	vmul.f32 v50, v29;
	v21 =	vadd.f32 v24, v21  }
0x12a: {  	v59 =	vld [tilespmem:s19+$0x3200];
	v58 =	vperm.xlane v18, v6;
	v57 =	vmul.f32 v51, v54;
	v20 =	vadd.f32 v53, v20  }
0x12b: {  	v61 =	vld [tilespmem:s19+$0x3A10];
	v60 =	vmul.f32 v30, v54;
	v21 =	vadd.f32 v55, v21  }
0x12c: {  	v33 =	vld [tilespmem:s19+$0x3A00];
	v63 =	vperm.xlane v18, v7;
	v62 =	vmul.f32 v52, v58;
	v20 =	vadd.f32 v57, v20  }
0x12d: {  	v34 =	vld [tilespmem:s19+$0x4210];
	v23 =	vmul.f32 v31, v58;
	v21 =	vadd.f32 v60, v21  }
0x12e: {  	v37 =	vld [tilespmem:s19+$0x4200];
	v36 =	vperm.xlane v18, v8;
	v35 =	vmul.f32 v56, v63;
	v20 =	vadd.f32 v62, v20  }
0x12f: {  	v39 =	vld [tilespmem:s19+$0x4A10];
	v38 =	vmul.f32 v59, v63;
	v21 =	vadd.f32 v23, v21  }
0x130: {  	v42 =	vld [tilespmem:s19+$0x4A00];
	v41 =	vperm.xlane v18, v9;
	v40 =	vmul.f32 v61, v36;
	v20 =	vadd.f32 v35, v20  }
0x131: {  	v43 =	vmul.f32 v33, v36;
	v44 =	vld [tilespmem:s19+$0x5210];
	v21 =	vadd.f32 v38, v21  }
0x132: {  	v45 =	vmul.f32 v34, v41;
	v46 =	vperm.xlane v18, v10;
	v47 =	vld [tilespmem:s19+$0x5200];
	v20 =	vadd.f32 v40, v20  }
0x133: {  	v48 =	vmul.f32 v37, v41;
	v49 =	vld [tilespmem:s19+$0x5A10];
	v21 =	vadd.f32 v43, v21  }
0x134: {  	v51 =	vperm.xlane v18, v11;
	v52 =	vld [tilespmem:s19+$0x5A00];
	v50 =	vmul.f32 v39, v46;
	v20 =	vadd.f32 v45, v20  }
0x135: {  	v54 =	vld [tilespmem:s19+$0x6210];
	v53 =	vmul.f32 v42, v46;
	v21 =	vadd.f32 v48, v21  }
0x136: {  	v56 =	vperm.xlane v18, v12;
	v55 =	vmul.f32 v44, v51;
	v57 =	vld [tilespmem:s19+$0x6200];
	v20 =	vadd.f32 v50, v20  }
0x137: {  	v25 =	vor.u32 v1, v25;
	v59 =	vld [tilespmem:s19+$0x6A10];
	v58 =	vmul.f32 v47, v51;
	v21 =	vadd.f32 v53, v21  }
0x138: {  	v61 =	vperm.xlane v18, v13;
	v60 =	vmul.f32 v49, v56;
	v62 =	vld [tilespmem:s19+$0x6A00];
	v20 =	vadd.f32 v55, v20  }
0x139: {  	v33 =	vld [tilespmem:s19+$0x7210];
	v63 =	vmul.f32 v52, v56;
	v21 =	vadd.f32 v58, v21  }
0x13a: {  	v36 =	vld [tilespmem:s19+$0x7200];
	v34 =	vmul.f32 v54, v61;
	v35 =	vperm.xlane v18, v14;
	v20 =	vadd.f32 v60, v20  }
0x13b: {  	v38 =	vld [tilespmem:s19+$0x7A10];
	v37 =	vmul.f32 v57, v61;
	v21 =	vadd.f32 v63, v21  }
0x13c: {  	v25 =	vld.idx.msk [tilespmem:v25+s2+$0x0], $0xffff;
	v39 =	vmul.f32 v59, v35;
	v40 =	vperm.xlane v18, v15;
	v20 =	vadd.f32 v34, v20  }
0x13d: {  	v42 =	vld [tilespmem:s19+$0x8210];
	v41 =	vmul.f32 v62, v35;
	v21 =	vadd.f32 v37, v21  }
0x13e: {  	v44 =	vperm.xlane v18, v16;
	v43 =	vmul.f32 v33, v40;
	v45 =	vld [tilespmem:s19+$0x8200];
	v20 =	vadd.f32 v39, v20  }
0x13f: {  	v47 =	vld [tilespmem:s19+$0x8A10];
	v46 =	vmul.f32 v36, v40;
	v21 =	vadd.f32 v41, v21  }
0x140: {  	v49 =	vld [tilespmem:s19+$0x8A00];
	v18 =	vperm.xlane v18, v17;
	v48 =	vmul.f32 v38, v44;
	v20 =	vadd.f32 v43, v20  }
0x141: {  	v19 =	vmul.f32 v19, v44;
	v50 =	vld [tilespmem:s19+$0x9210];
	v21 =	vadd.f32 v46, v21  }
0x142: {  	v52 =	vperm.xlane v25, v2;
	v51 =	vmul.f32 v42, v18;
	v53 =	vld [tilespmem:s19+$0x9200];
	v20 =	vadd.f32 v48, v20  }
0x143: {  	v54 =	vld [tilespmem:s19+$0x9A10];
	v18 =	vmul.f32 v45, v18;
	v19 =	vadd.f32 v19, v21  }
0x144: {  	v56 =	vperm.xlane v25, v3;
	v57 =	vld [tilespmem:s19+$0x9A00];
	v55 =	vmul.f32 v47, v52;
	v20 =	vadd.f32 v51, v20  }
0x145: {  	v58 =	vld [tilespmem:s19+$0xA210];
	v18 =	vadd.f32 v18, v19;
	v19 =	vmul.f32 v49, v52  }
0x146: {  	v61 =	vperm.xlane v25, v4;
	v59 =	vld [tilespmem:s19+$0xA200];
	v60 =	vmul.f32 v50, v56;
	v20 =	vadd.f32 v55, v20  }
0x147: {  	v18 =	vadd.f32 v19, v18;
	v19 =	vmul.f32 v53, v56  }
0x148: {  	v62 =	vperm.xlane v25, v5;
	v21 =	vmul.f32 v54, v61;
	v20 =	vadd.f32 v60, v20  }
0x149: {  	v18 =	vadd.f32 v19, v18;
	v19 =	vmul.f32 v57, v61  }
0x14a: {  	v63 =	vmul.f32 v58, v62;
	v20 =	vadd.f32 v21, v20  }
0x14b: {  	v22 =	vmul.f32 v59, v62;
	v18 =	vadd.f32 v19, v18  }
0x14c: {  	v19 =	vadd.f32 v63, v20  }
0x14d: {  	v18 =	vadd.f32 v22, v18  }
0x14e: {  	s20 =	sshll.u32 s16, $0x9;
	p0 =	seq.s32 s16, $0x3;
	[tilespmem:s19+$0x15410] =	vst v19  }
.Ltmp1:
0x14f: {  	s21 =	sadd.s32 s20, s9;
	[tilespmem:s19+$0x15400] =	vst v18;
	(pc) =	sbr.rel @p0 .LBB2_6-.Ltmp1, $4  }
0x150: {  	[hbm4b:s21+s1] =	stream.linear.scatter [tilespmem:s11], [sflag:$0x3], $0x800, $0x38;
	[tilespmem:$0x15C00] =	vst v63  }
0x151: {  	_ =	swait.ge [sflag:s14], $0x800  }
0x152: {  	[sflag:s14] =	ssyncset.done $0x0  }
0x153: {  	[sflag:s14] =	ssyncadd.s32 $0xFFFFF800  }
0x154: {  	s18 =	sshll.u32 s16, $0x7;
	s19 =	rddreg [dreg:$0x5]  }
0x155: {  	s18 =	sadd.s32 s18, s19  }
0x156: {  	s18 =	sshrl.u32 s18, $0x3  }
0x157: {  	s20 =	sadd.s32 s3, s18  }
0x158: {  	[tilespmem:s1], [sflag:$0x3] =	stream.strided.gather [hbm4b:s20+s12], $0x500, s13, s12, $0x38;
	[tilespmem:$0x15C00] =	vst v63  }
0x159: {  	_ =	swait.ge [sflag:s14], $0x500  }
0x15a: {  	[sflag:s14] =	ssyncset.done $0x0  }
0x15b: {  	s21 =	simm.s32 $0xA00;
	[sflag:s14] =	ssyncadd.s32 $0xFFFFFB00  }
0x15c: {  	[tilespmem:s21], [sflag:$0x1] =	stream.indirect.gather [hbm4b:s6+s12], $0x20, s1, s12, $0xb8;
	[tilespmem:$0x15C00] =	vst v63  }
0x15d: {  	s20 =	simm.s32 $0x1200  }
0x15e: {  	[tilespmem:s20], [sflag:$0x1] =	stream.indirect.gather [hbm4b:s6+s12], $0x20, s12, s12, $0xb8;
	[tilespmem:$0x15C00] =	vst v63  }
0x15f: {  	s21 =	simm.s32 $0x80;
	s20 =	simm.s32 $0x1A00  }
0x160: {  	[tilespmem:s20], [sflag:$0x1] =	stream.indirect.gather [hbm4b:s6+s12], $0x20, s21, s12, $0xb8;
	[tilespmem:$0x15C00] =	vst v63  }
0x161: {  	s20 =	simm.s32 $0xC0;
	s21 =	simm.s32 $0x2200  }
0x162: {  	[tilespmem:s21], [sflag:$0x1] =	stream.indirect.gather [hbm4b:s6+s12], $0x20, s20, s12, $0xb8;
	[tilespmem:$0x15C00] =	vst v63  }
0x163: {  	s20 =	simm.s32 $0x100;
	s21 =	simm.s32 $0x2A00  }
0x164: {  	[tilespmem:s21], [sflag:$0x1] =	stream.indirect.gather [hbm4b:s6+s12], $0x20, s20, s12, $0xb8;
	[tilespmem:$0x15C00] =	vst v63  }
0x165: {  	s20 =	simm.s32 $0x140;
	s21 =	simm.s32 $0x3200  }
0x166: {  	[tilespmem:s21], [sflag:$0x1] =	stream.indirect.gather [hbm4b:s6+s12], $0x20, s20, s12, $0xb8;
	[tilespmem:$0x15C00] =	vst v63  }
0x167: {  	s20 =	simm.s32 $0x180;
	s21 =	simm.s32 $0x3A00  }
0x168: {  	[tilespmem:s21], [sflag:$0x1] =	stream.indirect.gather [hbm4b:s6+s12], $0x20, s20, s12, $0xb8;
	[tilespmem:$0x15C00] =	vst v63  }
0x169: {  	s20 =	simm.s32 $0x1C0;
	s21 =	simm.s32 $0x4200  }
0x16a: {  	[tilespmem:s21], [sflag:$0x1] =	stream.indirect.gather [hbm4b:s6+s12], $0x20, s20, s12, $0xb8;
	[tilespmem:$0x15C00] =	vst v63  }
0x16b: {  	s20 =	simm.s32 $0x200;
	s21 =	simm.s32 $0x4A00  }
0x16c: {  	[tilespmem:s21], [sflag:$0x1] =	stream.indirect.gather [hbm4b:s6+s12], $0x20, s20, s12, $0xb8;
	[tilespmem:$0x15C00] =	vst v63  }
0x16d: {  	s20 =	simm.s32 $0x240;
	s21 =	simm.s32 $0x5200  }
0x16e: {  	[tilespmem:s21], [sflag:$0x1] =	stream.indirect.gather [hbm4b:s6+s12], $0x20, s20, s12, $0xb8;
	[tilespmem:$0x15C00] =	vst v63  }
0x16f: {  	s20 =	simm.s32 $0x280;
	s21 =	simm.s32 $0x5A00  }
0x170: {  	[tilespmem:s21], [sflag:$0x1] =	stream.indirect.gather [hbm4b:s6+s12], $0x20, s20, s12, $0xb8;
	[tilespmem:$0x15C00] =	vst v63  }
0x171: {  	s20 =	simm.s32 $0x2C0;
	s21 =	simm.s32 $0x6200  }
0x172: {  	[tilespmem:s21], [sflag:$0x1] =	stream.indirect.gather [hbm4b:s6+s12], $0x20, s20, s12, $0xb8;
	[tilespmem:$0x15C00] =	vst v63  }
0x173: {  	s20 =	simm.s32 $0x300;
	s21 =	simm.s32 $0x6A00  }
0x174: {  	[tilespmem:s21], [sflag:$0x1] =	stream.indirect.gather [hbm4b:s6+s12], $0x20, s20, s12, $0xb8;
	[tilespmem:$0x15C00] =	vst v63  }
0x175: {  	s20 =	simm.s32 $0x340;
	s21 =	simm.s32 $0x7200  }
0x176: {  	[tilespmem:s21], [sflag:$0x1] =	stream.indirect.gather [hbm4b:s6+s12], $0x20, s20, s12, $0xb8;
	[tilespmem:$0x15C00] =	vst v63  }
0x177: {  	s20 =	simm.s32 $0x380;
	s21 =	simm.s32 $0x7A00  }
0x178: {  	[tilespmem:s21], [sflag:$0x1] =	stream.indirect.gather [hbm4b:s6+s12], $0x20, s20, s12, $0xb8;
	[tilespmem:$0x15C00] =	vst v63  }
0x179: {  	s20 =	simm.s32 $0x3C0;
	s21 =	simm.s32 $0x8200  }
0x17a: {  	[tilespmem:s21], [sflag:$0x1] =	stream.indirect.gather [hbm4b:s6+s12], $0x20, s20, s12, $0xb8;
	[tilespmem:$0x15C00] =	vst v63  }
0x17b: {  	s20 =	simm.s32 $0x400;
	s21 =	simm.s32 $0x8A00  }
0x17c: {  	[tilespmem:s21], [sflag:$0x1] =	stream.indirect.gather [hbm4b:s6+s12], $0x20, s20, s12, $0xb8;
	[tilespmem:$0x15C00] =	vst v63  }
0x17d: {  	s20 =	simm.s32 $0x440;
	s21 =	simm.s32 $0x9200  }
0x17e: {  	[tilespmem:s21], [sflag:$0x1] =	stream.indirect.gather [hbm4b:s6+s12], $0x20, s20, s12, $0xb8;
	[tilespmem:$0x15C00] =	vst v63  }
0x17f: {  	s20 =	simm.s32 $0x480;
	s21 =	simm.s32 $0x9A00  }
0x180: {  	[tilespmem:s21], [sflag:$0x1] =	stream.indirect.gather [hbm4b:s6+s12], $0x20, s20, s12, $0xb8;
	[tilespmem:$0x15C00] =	vst v63  }
0x181: {  	s20 =	simm.s32 $0x4C0;
	s21 =	simm.s32 $0xA200  }
0x182: {  	[tilespmem:s21], [sflag:$0x1] =	stream.indirect.gather [hbm4b:s6+s12], $0x20, s20, s12, $0xb8;
	[tilespmem:$0x15C00] =	vst v63  }
0x183: {  	s18 =	sadd.s32 s4, s18  }
0x184: {  	[tilespmem:s2], [sflag:$0x3] =	stream.strided.gather [hbm4b:s18+s12], $0x500, s13, s12, $0x38;
	[tilespmem:$0x15C00] =	vst v63  }
0x185: {  	_ =	swait.ge [sflag:s14], $0x500  }
0x186: {  	[sflag:s14] =	ssyncset.done $0x0  }
0x187: {  	[sflag:s14] =	ssyncadd.s32 $0xFFFFFB00  }
.LBB2_6:
0x188: {  	_ =	swait.ge [sflag:s15], $0x800  }
0x189: {  	[sflag:s15] =	ssyncset.done $0x0  }
0x18a: {  	[sflag:s15] =	ssyncadd.s32 $0xFFFFF800  }
0x18b: {  	_ =	swait.ge [sflag:s15], $0x800  }
0x18c: {  	[sflag:s15] =	ssyncset.done $0x0  }
0x18d: {  	[sflag:s15] =	ssyncadd.s32 $0xFFFFF800  }
0x18e: {  	_ =	swait.ge [sflag:s15], $0x800  }
0x18f: {  	[sflag:s15] =	ssyncset.done $0x0  }
0x190: {  	[sflag:s15] =	ssyncadd.s32 $0xFFFFF800  }
0x191: {  	_ =	swait.ge [sflag:s15], $0x800  }
0x192: {  	[sflag:s15] =	ssyncset.done $0x0  }
0x193: {  	[sflag:s15] =	ssyncadd.s32 $0xFFFFF800  }
0x194: {  	_ =	swait.ge [sflag:s15], $0x800  }
0x195: {  	[sflag:s15] =	ssyncset.done $0x0  }
0x196: {  	[sflag:s15] =	ssyncadd.s32 $0xFFFFF800  }
0x197: {  	_ =	swait.ge [sflag:s15], $0x800  }
0x198: {  	[sflag:s15] =	ssyncset.done $0x0  }
0x199: {  	[sflag:s15] =	ssyncadd.s32 $0xFFFFF800  }
0x19a: {  	_ =	swait.ge [sflag:s15], $0x800  }
0x19b: {  	[sflag:s15] =	ssyncset.done $0x0  }
0x19c: {  	[sflag:s15] =	ssyncadd.s32 $0xFFFFF800  }
0x19d: {  	_ =	swait.ge [sflag:s15], $0x800  }
0x19e: {  	[sflag:s15] =	ssyncset.done $0x0  }
0x19f: {  	[sflag:s15] =	ssyncadd.s32 $0xFFFFF800  }
0x1a0: {  	_ =	swait.ge [sflag:s15], $0x800  }
0x1a1: {  	[sflag:s15] =	ssyncset.done $0x0  }
0x1a2: {  	[sflag:s15] =	ssyncadd.s32 $0xFFFFF800  }
0x1a3: {  	_ =	swait.ge [sflag:s15], $0x800  }
0x1a4: {  	[sflag:s15] =	ssyncset.done $0x0  }
0x1a5: {  	[sflag:s15] =	ssyncadd.s32 $0xFFFFF800  }
0x1a6: {  	_ =	swait.ge [sflag:s15], $0x800  }
0x1a7: {  	[sflag:s15] =	ssyncset.done $0x0  }
0x1a8: {  	[sflag:s15] =	ssyncadd.s32 $0xFFFFF800  }
0x1a9: {  	_ =	swait.ge [sflag:s15], $0x800  }
0x1aa: {  	[sflag:s15] =	ssyncset.done $0x0  }
0x1ab: {  	[sflag:s15] =	ssyncadd.s32 $0xFFFFF800  }
0x1ac: {  	_ =	swait.ge [sflag:s15], $0x800  }
0x1ad: {  	[sflag:s15] =	ssyncset.done $0x0  }
0x1ae: {  	[sflag:s15] =	ssyncadd.s32 $0xFFFFF800  }
0x1af: {  	_ =	swait.ge [sflag:s15], $0x800  }
0x1b0: {  	[sflag:s15] =	ssyncset.done $0x0  }
0x1b1: {  	[sflag:s15] =	ssyncadd.s32 $0xFFFFF800  }
0x1b2: {  	_ =	swait.ge [sflag:s15], $0x800  }
0x1b3: {  	[sflag:s15] =	ssyncset.done $0x0  }
0x1b4: {  	[sflag:s15] =	ssyncadd.s32 $0xFFFFF800  }
0x1b5: {  	_ =	swait.ge [sflag:s15], $0x800  }
0x1b6: {  	[sflag:s15] =	ssyncset.done $0x0  }
0x1b7: {  	[sflag:s15] =	ssyncadd.s32 $0xFFFFF800  }
0x1b8: {  	_ =	swait.ge [sflag:s15], $0x800  }
0x1b9: {  	[sflag:s15] =	ssyncset.done $0x0  }
0x1ba: {  	s18 =	simm.s32 $0x0;
	[sflag:s15] =	ssyncadd.s32 $0xFFFFF800  }
0x1bb: {  	v18 =	vmov s18;
	_ =	swait.ge [sflag:s15], $0x800  }
0x1bc: {  	v18 =	vand.u32 $0x3F, v18;
	[sflag:s15] =	ssyncset.done $0x0  }
0x1bd: {  	v18 =	vbroadcast v18, $0x0;
	[sflag:s15] =	ssyncadd.s32 $0xFFFFF800  }
0x1be: {  	_ =	swait.ge [sflag:s15], $0x800  }
0x1bf: {  	v19 =	vor.u32 v0, v18;
	[sflag:s15] =	ssyncset.done $0x0  }
0x1c0: {  	[sflag:s15] =	ssyncadd.s32 $0xFFFFF800  }
0x1c1: {  	_ =	swait.ge [sflag:s15], $0x800  }
0x1c2: {  	[sflag:s15] =	ssyncset.done $0x0  }
0x1c3: {  	[sflag:s15] =	ssyncadd.s32 $0xFFFFF800  }
0x1c4: {  	s18 =	simm.s32 $0x0;
	v19 =	vld.idx.msk [tilespmem:v19+s10+$0x0], $0xffff  }
0x1c5: {  	v20 =	vld [tilespmem:s18+$0x11A00]  }
0x1c6: {  	v21 =	vld [tilespmem:s18+$0xAA10]  }
0x1c7: {  	v22 =	vld [tilespmem:s18+$0xAA00]  }
0x1c8: {  	v23 =	vld [tilespmem:s18+$0xB210]  }
0x1c9: {  	v25 =	vld [tilespmem:s18+$0xB200];
	v24 =	vperm.xlane v19, v2  }
0x1ca: {  	v26 =	vld [tilespmem:s18+$0xBA10]  }
0x1cb: {  	v28 =	vld [tilespmem:s18+$0xBA00];
	v27 =	vperm.xlane v19, v3;
	v21 =	vmul.f32 v21, v24  }
0x1cc: {  	v22 =	vmul.f32 v22, v24;
	v24 =	vld [tilespmem:s18+$0xC210]  }
0x1cd: {  	v30 =	vld [tilespmem:s18+$0xC200];
	v29 =	vperm.xlane v19, v4;
	v23 =	vmul.f32 v23, v27;
	v21 =	vadd.f32 $0.0e+00, v21  }
0x1ce: {  	v25 =	vmul.f32 v25, v27;
	v27 =	vld [tilespmem:s18+$0xCA10];
	v22 =	vadd.f32 $0.0e+00, v22  }
0x1cf: {  	v31 =	vld [tilespmem:s18+$0xCA00];
	v21 =	vadd.f32 v23, v21;
	v23 =	vmul.f32 v26, v29;
	v26 =	vperm.xlane v19, v5  }
0x1d0: {  	v22 =	vadd.f32 v25, v22;
	v25 =	vmul.f32 v28, v29;
	v28 =	vld [tilespmem:s18+$0xD210]  }
0x1d1: {  	v29 =	vld [tilespmem:s18+$0xD200];
	v21 =	vadd.f32 v23, v21;
	v23 =	vmul.f32 v24, v26;
	v24 =	vperm.xlane v19, v6  }
0x1d2: {  	v22 =	vadd.f32 v25, v22;
	v25 =	vmul.f32 v30, v26;
	v26 =	vld [tilespmem:s18+$0xDA10]  }
0x1d3: {  	v30 =	vld [tilespmem:s18+$0xDA00];
	v21 =	vadd.f32 v23, v21;
	v23 =	vmul.f32 v27, v24;
	v27 =	vperm.xlane v19, v7  }
0x1d4: {  	v22 =	vadd.f32 v25, v22;
	v24 =	vmul.f32 v31, v24;
	v25 =	vld [tilespmem:s18+$0xE210]  }
0x1d5: {  	v31 =	vld [tilespmem:s18+$0xE200];
	v21 =	vadd.f32 v23, v21;
	v23 =	vmul.f32 v28, v27;
	v28 =	vperm.xlane v19, v8  }
0x1d6: {  	v22 =	vadd.f32 v24, v22;
	v24 =	vmul.f32 v29, v27;
	v27 =	vld [tilespmem:s18+$0xEA10]  }
0x1d7: {  	v29 =	vld [tilespmem:s18+$0xEA00];
	v21 =	vadd.f32 v23, v21;
	v23 =	vmul.f32 v26, v28;
	v26 =	vperm.xlane v19, v9  }
0x1d8: {  	v22 =	vadd.f32 v24, v22;
	v24 =	vmul.f32 v30, v28;
	v28 =	vld [tilespmem:s18+$0xF210]  }
0x1d9: {  	v30 =	vld [tilespmem:s18+$0xF200];
	v21 =	vadd.f32 v23, v21;
	v23 =	vmul.f32 v25, v26;
	v25 =	vperm.xlane v19, v10  }
0x1da: {  	v22 =	vadd.f32 v24, v22;
	v24 =	vmul.f32 v31, v26;
	v26 =	vld [tilespmem:s18+$0xFA10]  }
0x1db: {  	v31 =	vld [tilespmem:s18+$0xFA00];
	v21 =	vadd.f32 v23, v21;
	v23 =	vmul.f32 v27, v25;
	v27 =	vperm.xlane v19, v11  }
0x1dc: {  	v22 =	vadd.f32 v24, v22;
	v24 =	vmul.f32 v29, v25;
	v25 =	vld [tilespmem:s18+$0x10210]  }
0x1dd: {  	v29 =	vld [tilespmem:s18+$0x10200];
	v21 =	vadd.f32 v23, v21;
	v23 =	vmul.f32 v28, v27;
	v28 =	vperm.xlane v19, v12  }
0x1de: {  	v18 =	vor.u32 v1, v18;
	v22 =	vadd.f32 v24, v22;
	v24 =	vmul.f32 v30, v27;
	v27 =	vld [tilespmem:s18+$0x10A10]  }
0x1df: {  	v30 =	vld [tilespmem:s18+$0x10A00];
	v21 =	vadd.f32 v23, v21;
	v23 =	vmul.f32 v26, v28;
	v26 =	vperm.xlane v19, v13  }
0x1e0: {  	v22 =	vadd.f32 v24, v22;
	v24 =	vmul.f32 v31, v28;
	v28 =	vld [tilespmem:s18+$0x11210]  }
0x1e1: {  	v32 =	vld [tilespmem:s18+$0x11200];
	v31 =	vperm.xlane v19, v14;
	v23 =	vadd.f32 v23, v21;
	v25 =	vmul.f32 v25, v26  }
0x1e2: {  	v22 =	vadd.f32 v24, v22;
	v24 =	vmul.f32 v29, v26;
	v26 =	vld [tilespmem:s18+$0x11A10]  }
0x1e3: {  	v21 =	vld.idx.msk [tilespmem:v18+s10+$0x0], $0xffff;
	v18 =	vadd.f32 v25, v23;
	v23 =	vmul.f32 v27, v31;
	v25 =	vperm.xlane v19, v15  }
0x1e4: {  	v22 =	vadd.f32 v24, v22;
	v24 =	vmul.f32 v30, v31;
	v27 =	vld [tilespmem:s18+$0x12210]  }
0x1e5: {  	v29 =	vld [tilespmem:s18+$0x12200];
	v18 =	vadd.f32 v23, v18;
	v23 =	vmul.f32 v28, v25  }
0x1e6: {  	v30 =	vld [tilespmem:s18+$0x13200];
	v28 =	vperm.xlane v19, v16;
	v22 =	vadd.f32 v24, v22;
	v24 =	vmul.f32 v32, v25  }
0x1e7: {  	v25 =	vld [tilespmem:s18+$0x12A10];
	v19 =	vperm.xlane v19, v17;
	v18 =	vadd.f32 v23, v18  }
0x1e8: {  	v23 =	vmul.f32 v26, v28;
	v26 =	vld [tilespmem:s18+$0x12A00];
	v22 =	vadd.f32 v24, v22;
	v20 =	vmul.f32 v20, v28  }
0x1e9: {  	v28 =	vld [tilespmem:s18+$0x13210];
	v24 =	vmul.f32 v27, v19;
	v27 =	vperm.xlane v21, v2  }
0x1ea: {  	v23 =	vadd.f32 v23, v18;
	v20 =	vadd.f32 v20, v22;
	v22 =	vmul.f32 v29, v19;
	v18 =	vld [tilespmem:s18+$0x14200]  }
0x1eb: {  	v29 =	vperm.xlane v21, v3;
	v19 =	vld [tilespmem:s18+$0x13A10]  }
0x1ec: {  	s20 =	simm.s32 $0x1;
	v23 =	vadd.f32 v24, v23;
	v24 =	vmul.f32 v25, v27;
	v63 =	vadd.f32 v22, v20;
	v20 =	vld [tilespmem:s18+$0x13A00]  }
0x1ed: {  	v31 =	vmov s20;
	v22 =	vld [tilespmem:s18+$0x14210];
	v27 =	vmul.f32 v26, v27  }
0x1ee: {  	v25 =	vmul.f32 v28, v29;
	v24 =	vadd.f32 v24, v23;
	v23 =	vperm.xlane v21, v4  }
0x1ef: {  	s19 =	simm.s32 $0x80;
	s21 =	simm.s32 $0x100;
	v26 =	vand.u32 $0x3F, v31;
	v28 =	vmul.f32 v30, v29;
	v27 =	vadd.f32 v27, v63  }
.LBB2_7:
0x1f0: {  	p0 =	sne.s32 s21, $0x1F80;
	v24 =	vadd.f32 v25, v24;
	v19 =	vmul.f32 v19, v23;
	v21 =	vperm.xlane v21, v5  }
0x1f1: {  	v25 =	vbroadcast v26, $0x0;
	v26 =	vadd.f32 v28, v27;
	v20 =	vmul.f32 v20, v23  }
0x1f2: {  	v19 =	vadd.f32 v19, v24;
	v18 =	vmul.f32 v18, v21;
	v21 =	vmul.f32 v22, v21  }
0x1f3: {  	v22 =	vor.u32 v0, v25;
	v20 =	vadd.f32 v20, v26  }
0x1f4: {  	v19 =	vadd.f32 v21, v19  }
0x1f5: {  	v18 =	vadd.f32 v18, v20  }
0x1f6: {  	[tilespmem:s18+$0x15410] =	vst v19  }
0x1f7: {  	[tilespmem:s18+$0x15400] =	vst v18  }
0x1f8: {  	s18 =	sshra.s32 s19, $0x2;
	s19 =	smov.u32 s21;
	v19 =	vld.idx.msk [tilespmem:v22+s10+$0x0], $0xffff  }
0x1f9: {  	v18 =	vld [tilespmem:s18+$0x14200]  }
0x1fa: {  	v20 =	vld [tilespmem:s18+$0x11A00]  }
0x1fb: {  	v21 =	vld [tilespmem:s18+$0xAA10]  }
0x1fc: {  	v22 =	vld [tilespmem:s18+$0xAA00]  }
0x1fd: {  	v23 =	vld [tilespmem:s18+$0xB210]  }
0x1fe: {  	v24 =	vperm.xlane v19, v2;
	v26 =	vld [tilespmem:s18+$0xB200]  }
0x1ff: {  	v27 =	vld [tilespmem:s18+$0xBA10]  }
0x200: {  	v28 =	vperm.xlane v19, v3;
	v21 =	vmul.f32 v21, v24;
	v29 =	vld [tilespmem:s18+$0xBA00]  }
0x201: {  	v22 =	vmul.f32 v22, v24;
	v24 =	vld [tilespmem:s18+$0xC210]  }
0x202: {  	v30 =	vperm.xlane v19, v4;
	v21 =	vadd.f32 $0.0e+00, v21;
	v23 =	vmul.f32 v23, v28;
	v31 =	vld [tilespmem:s18+$0xC200]  }
0x203: {  	v22 =	vadd.f32 $0.0e+00, v22;
	v26 =	vmul.f32 v26, v28;
	v28 =	vld [tilespmem:s18+$0xCA10]  }
0x204: {  	v21 =	vadd.f32 v23, v21;
	v23 =	vmul.f32 v27, v30;
	v27 =	vperm.xlane v19, v5;
	v32 =	vld [tilespmem:s18+$0xCA00]  }
0x205: {  	v22 =	vadd.f32 v26, v22;
	v26 =	vmul.f32 v29, v30;
	v29 =	vld [tilespmem:s18+$0xD210]  }
0x206: {  	v21 =	vadd.f32 v23, v21;
	v23 =	vmul.f32 v24, v27;
	v24 =	vperm.xlane v19, v6;
	v30 =	vld [tilespmem:s18+$0xD200]  }
0x207: {  	v22 =	vadd.f32 v26, v22;
	v26 =	vmul.f32 v31, v27;
	v27 =	vld [tilespmem:s18+$0xDA10]  }
0x208: {  	v21 =	vadd.f32 v23, v21;
	v23 =	vmul.f32 v28, v24;
	v28 =	vperm.xlane v19, v7;
	v31 =	vld [tilespmem:s18+$0xDA00]  }
0x209: {  	v22 =	vadd.f32 v26, v22;
	v24 =	vmul.f32 v32, v24;
	v26 =	vld [tilespmem:s18+$0xE210]  }
0x20a: {  	v21 =	vadd.f32 v23, v21;
	v23 =	vmul.f32 v29, v28;
	v29 =	vperm.xlane v19, v8;
	v32 =	vld [tilespmem:s18+$0xE200]  }
0x20b: {  	v22 =	vadd.f32 v24, v22;
	v24 =	vmul.f32 v30, v28;
	v28 =	vld [tilespmem:s18+$0xEA10]  }
0x20c: {  	v21 =	vadd.f32 v23, v21;
	v23 =	vmul.f32 v27, v29;
	v27 =	vperm.xlane v19, v9;
	v30 =	vld [tilespmem:s18+$0xEA00]  }
0x20d: {  	v22 =	vadd.f32 v24, v22;
	v24 =	vmul.f32 v31, v29;
	v29 =	vld [tilespmem:s18+$0xF210]  }
0x20e: {  	v21 =	vadd.f32 v23, v21;
	v23 =	vmul.f32 v26, v27;
	v26 =	vperm.xlane v19, v10;
	v31 =	vld [tilespmem:s18+$0xF200]  }
0x20f: {  	v22 =	vadd.f32 v24, v22;
	v24 =	vmul.f32 v32, v27;
	v27 =	vld [tilespmem:s18+$0xFA10]  }
0x210: {  	v21 =	vadd.f32 v23, v21;
	v23 =	vmul.f32 v28, v26;
	v28 =	vperm.xlane v19, v11;
	v32 =	vld [tilespmem:s18+$0xFA00]  }
0x211: {  	v22 =	vadd.f32 v24, v22;
	v24 =	vmul.f32 v30, v26;
	v26 =	vld [tilespmem:s18+$0x10210]  }
0x212: {  	v21 =	vadd.f32 v23, v21;
	v23 =	vmul.f32 v29, v28;
	v29 =	vperm.xlane v19, v12;
	v30 =	vld [tilespmem:s18+$0x10200]  }
0x213: {  	v25 =	vor.u32 v1, v25;
	v22 =	vadd.f32 v24, v22;
	v24 =	vmul.f32 v31, v28;
	v28 =	vld [tilespmem:s18+$0x10A10]  }
0x214: {  	v21 =	vadd.f32 v23, v21;
	v23 =	vmul.f32 v27, v29;
	v27 =	vperm.xlane v19, v13;
	v31 =	vld [tilespmem:s18+$0x10A00]  }
0x215: {  	v22 =	vadd.f32 v24, v22;
	v24 =	vmul.f32 v32, v29;
	v29 =	vld [tilespmem:s18+$0x11210]  }
0x216: {  	v32 =	vperm.xlane v19, v14;
	v23 =	vadd.f32 v23, v21;
	v26 =	vmul.f32 v26, v27;
	v33 =	vld [tilespmem:s18+$0x11200]  }
0x217: {  	v22 =	vadd.f32 v24, v22;
	v24 =	vmul.f32 v30, v27;
	v27 =	vld [tilespmem:s18+$0x11A10]  }
0x218: {  	v21 =	vld.idx.msk [tilespmem:v25+s10+$0x0], $0xffff;
	v23 =	vadd.f32 v26, v23;
	v25 =	vmul.f32 v28, v32;
	v26 =	vperm.xlane v19, v15  }
0x219: {  	v22 =	vadd.f32 v24, v22;
	v24 =	vmul.f32 v31, v32;
	v28 =	vld [tilespmem:s18+$0x12210]  }
0x21a: {  	v23 =	vadd.f32 v25, v23;
	v25 =	vmul.f32 v29, v26;
	v29 =	vperm.xlane v19, v16;
	v30 =	vld [tilespmem:s18+$0x12200]  }
0x21b: {  	v22 =	vadd.f32 v24, v22;
	v24 =	vmul.f32 v33, v26;
	v26 =	vld [tilespmem:s18+$0x12A10]  }
0x21c: {  	v19 =	vperm.xlane v19, v17;
	v23 =	vadd.f32 v25, v23;
	v25 =	vmul.f32 v27, v29;
	v27 =	vld [tilespmem:s18+$0x12A00]  }
0x21d: {  	v20 =	vmul.f32 v20, v29;
	v22 =	vadd.f32 v24, v22;
	v29 =	vld [tilespmem:s18+$0x13210]  }
0x21e: {  	v23 =	vadd.f32 v25, v23;
	v24 =	vmul.f32 v28, v19;
	v25 =	vperm.xlane v21, v2;
	v28 =	vld [tilespmem:s18+$0x13200]  }
.Ltmp2:
0x21f: {  	v22 =	vadd.f32 v20, v22;
	v30 =	vmul.f32 v30, v19;
	v19 =	vld [tilespmem:s18+$0x13A10];
	(pc) =	sbr.rel @p0 .LBB2_7-.Ltmp2, $4  }
0x220: {  	s20 =	sadd.s32 $0x1, s20;
	v31 =	vperm.xlane v21, v3;
	v23 =	vadd.f32 v24, v23;
	v24 =	vmul.f32 v26, v25;
	v20 =	vld [tilespmem:s18+$0x13A00]  }
0x221: {  	v26 =	vmov s20;
	v30 =	vadd.f32 v30, v22;
	v27 =	vmul.f32 v27, v25;
	v22 =	vld [tilespmem:s18+$0x14210]  }
0x222: {  	v24 =	vadd.f32 v24, v23;
	v25 =	vmul.f32 v29, v31;
	v23 =	vperm.xlane v21, v4  }
0x223: {  	s21 =	sadd.s32 $0x80, s21;
	v26 =	vand.u32 $0x3F, v26;
	v27 =	vadd.f32 v27, v30;
	v28 =	vmul.f32 v28, v31  }
0x224: {  	v24 =	vadd.f32 v25, v24;
	v19 =	vmul.f32 v19, v23;
	v21 =	vperm.xlane v21, v5  }
0x225: {  	v25 =	vbroadcast v26, $0x0;
	v41 =	vadd.f32 v28, v27;
	v20 =	vmul.f32 v20, v23  }
0x226: {  	v19 =	vadd.f32 v19, v24;
	v22 =	vmul.f32 v22, v21  }
0x227: {  	v18 =	vmul.f32 v18, v21;
	v42 =	vor.u32 v0, v25;
	v20 =	vadd.f32 v20, v41  }
0x228: {  	v19 =	vadd.f32 v22, v19  }
0x229: {  	v18 =	vadd.f32 v18, v20  }
0x22a: {  	[tilespmem:s18+$0x15410] =	vst v19  }
0x22b: {  	[tilespmem:s18+$0x15400] =	vst v18  }
0x22c: {  	s21 =	sshra.s32 s19, $0x2;
	v18 =	vld.idx.msk [tilespmem:v42+s10+$0x0], $0xffff  }
0x22d: {  	v19 =	vld [tilespmem:s21+$0x11A00]  }
0x22e: {  	v43 =	vld [tilespmem:s21+$0xAA10]  }
0x22f: {  	v44 =	vld [tilespmem:s21+$0xAA00]  }
0x230: {  	v45 =	vld [tilespmem:s21+$0xB210]  }
0x231: {  	v47 =	vld [tilespmem:s21+$0xB200];
	v46 =	vperm.xlane v18, v2  }
0x232: {  	v48 =	vld [tilespmem:s21+$0xBA10]  }
0x233: {  	v50 =	vld [tilespmem:s21+$0xBA00];
	v49 =	vperm.xlane v18, v3;
	v20 =	vmul.f32 v43, v46  }
0x234: {  	v51 =	vld [tilespmem:s21+$0xC210];
	v21 =	vmul.f32 v44, v46  }
0x235: {  	v30 =	vld [tilespmem:s21+$0xC200];
	v29 =	vperm.xlane v18, v4;
	v22 =	vmul.f32 v45, v49;
	v20 =	vadd.f32 $0.0e+00, v20  }
0x236: {  	v52 =	vld [tilespmem:s21+$0xCA10];
	v24 =	vmul.f32 v47, v49;
	v21 =	vadd.f32 $0.0e+00, v21  }
0x237: {  	v31 =	vld [tilespmem:s21+$0xCA00];
	v54 =	vperm.xlane v18, v5;
	v53 =	vmul.f32 v48, v29;
	v20 =	vadd.f32 v22, v20  }
0x238: {  	v56 =	vld [tilespmem:s21+$0xD210];
	v55 =	vmul.f32 v50, v29;
	v21 =	vadd.f32 v24, v21  }
0x239: {  	v59 =	vld [tilespmem:s21+$0xD200];
	v58 =	vperm.xlane v18, v6;
	v57 =	vmul.f32 v51, v54;
	v20 =	vadd.f32 v53, v20  }
0x23a: {  	v61 =	vld [tilespmem:s21+$0xDA10];
	v60 =	vmul.f32 v30, v54;
	v21 =	vadd.f32 v55, v21  }
0x23b: {  	v33 =	vld [tilespmem:s21+$0xDA00];
	v63 =	vperm.xlane v18, v7;
	v62 =	vmul.f32 v52, v58;
	v20 =	vadd.f32 v57, v20  }
0x23c: {  	v34 =	vld [tilespmem:s21+$0xE210];
	v23 =	vmul.f32 v31, v58;
	v21 =	vadd.f32 v60, v21  }
0x23d: {  	v37 =	vld [tilespmem:s21+$0xE200];
	v36 =	vperm.xlane v18, v8;
	v35 =	vmul.f32 v56, v63;
	v20 =	vadd.f32 v62, v20  }
0x23e: {  	v39 =	vld [tilespmem:s21+$0xEA10];
	v38 =	vmul.f32 v59, v63;
	v21 =	vadd.f32 v23, v21  }
0x23f: {  	v42 =	vld [tilespmem:s21+$0xEA00];
	v41 =	vperm.xlane v18, v9;
	v40 =	vmul.f32 v61, v36;
	v20 =	vadd.f32 v35, v20  }
0x240: {  	v43 =	vmul.f32 v33, v36;
	v44 =	vld [tilespmem:s21+$0xF210];
	v21 =	vadd.f32 v38, v21  }
0x241: {  	v45 =	vmul.f32 v34, v41;
	v46 =	vperm.xlane v18, v10;
	v47 =	vld [tilespmem:s21+$0xF200];
	v20 =	vadd.f32 v40, v20  }
0x242: {  	v48 =	vmul.f32 v37, v41;
	v49 =	vld [tilespmem:s21+$0xFA10];
	v21 =	vadd.f32 v43, v21  }
0x243: {  	v51 =	vperm.xlane v18, v11;
	v52 =	vld [tilespmem:s21+$0xFA00];
	v50 =	vmul.f32 v39, v46;
	v20 =	vadd.f32 v45, v20  }
0x244: {  	v54 =	vld [tilespmem:s21+$0x10210];
	v53 =	vmul.f32 v42, v46;
	v21 =	vadd.f32 v48, v21  }
0x245: {  	v56 =	vperm.xlane v18, v12;
	v55 =	vmul.f32 v44, v51;
	v57 =	vld [tilespmem:s21+$0x10200];
	v20 =	vadd.f32 v50, v20  }
0x246: {  	v25 =	vor.u32 v1, v25;
	v59 =	vld [tilespmem:s21+$0x10A10];
	v58 =	vmul.f32 v47, v51;
	v21 =	vadd.f32 v53, v21  }
0x247: {  	v61 =	vperm.xlane v18, v13;
	v60 =	vmul.f32 v49, v56;
	v62 =	vld [tilespmem:s21+$0x10A00];
	v20 =	vadd.f32 v55, v20  }
0x248: {  	v33 =	vld [tilespmem:s21+$0x11210];
	v63 =	vmul.f32 v52, v56;
	v21 =	vadd.f32 v58, v21  }
0x249: {  	v36 =	vld [tilespmem:s21+$0x11200];
	v34 =	vmul.f32 v54, v61;
	v35 =	vperm.xlane v18, v14;
	v20 =	vadd.f32 v60, v20  }
0x24a: {  	v38 =	vld [tilespmem:s21+$0x11A10];
	v37 =	vmul.f32 v57, v61;
	v21 =	vadd.f32 v63, v21  }
0x24b: {  	v25 =	vld.idx.msk [tilespmem:v25+s10+$0x0], $0xffff;
	v39 =	vmul.f32 v59, v35;
	v40 =	vperm.xlane v18, v15;
	v20 =	vadd.f32 v34, v20  }
0x24c: {  	v42 =	vld [tilespmem:s21+$0x12210];
	v41 =	vmul.f32 v62, v35;
	v21 =	vadd.f32 v37, v21  }
0x24d: {  	v44 =	vperm.xlane v18, v16;
	v43 =	vmul.f32 v33, v40;
	v45 =	vld [tilespmem:s21+$0x12200];
	v20 =	vadd.f32 v39, v20  }
0x24e: {  	v47 =	vld [tilespmem:s21+$0x12A10];
	v46 =	vmul.f32 v36, v40;
	v21 =	vadd.f32 v41, v21  }
0x24f: {  	v49 =	vld [tilespmem:s21+$0x12A00];
	v18 =	vperm.xlane v18, v17;
	v48 =	vmul.f32 v38, v44;
	v20 =	vadd.f32 v43, v20  }
0x250: {  	v19 =	vmul.f32 v19, v44;
	v50 =	vld [tilespmem:s21+$0x13210];
	v21 =	vadd.f32 v46, v21  }
0x251: {  	v52 =	vperm.xlane v25, v2;
	v51 =	vmul.f32 v42, v18;
	v53 =	vld [tilespmem:s21+$0x13200];
	v20 =	vadd.f32 v48, v20  }
0x252: {  	v54 =	vld [tilespmem:s21+$0x13A10];
	v18 =	vmul.f32 v45, v18;
	v19 =	vadd.f32 v19, v21  }
0x253: {  	v56 =	vperm.xlane v25, v3;
	v57 =	vld [tilespmem:s21+$0x13A00];
	v55 =	vmul.f32 v47, v52;
	v20 =	vadd.f32 v51, v20  }
0x254: {  	v58 =	vld [tilespmem:s21+$0x14210];
	v18 =	vadd.f32 v18, v19;
	v19 =	vmul.f32 v49, v52  }
0x255: {  	v61 =	vperm.xlane v25, v4;
	v59 =	vld [tilespmem:s21+$0x14200];
	v60 =	vmul.f32 v50, v56;
	v20 =	vadd.f32 v55, v20  }
0x256: {  	v18 =	vadd.f32 v19, v18;
	v19 =	vmul.f32 v53, v56  }
0x257: {  	v62 =	vperm.xlane v25, v5;
	v21 =	vmul.f32 v54, v61;
	v20 =	vadd.f32 v60, v20  }
0x258: {  	v18 =	vadd.f32 v19, v18;
	v19 =	vmul.f32 v57, v61  }
0x259: {  	v63 =	vmul.f32 v58, v62;
	v20 =	vadd.f32 v21, v20  }
0x25a: {  	v22 =	vmul.f32 v59, v62;
	v18 =	vadd.f32 v19, v18  }
0x25b: {  	v19 =	vadd.f32 v63, v20  }
0x25c: {  	s16 =	sadd.s32 $0x1, s16;
	v18 =	vadd.f32 v22, v18  }
0x25d: {  	s17 =	sshll.u32 s17, $0x8;
	p0 =	sne.s32 s16, $0x4;
	[tilespmem:s21+$0x15410] =	vst v19  }
.Ltmp3:
0x25e: {  	s17 =	sadd.s32 s17, s9;
	[tilespmem:s21+$0x15400] =	vst v18;
	(pc) =	sbr.rel @p0 .LBB2_2-.Ltmp3, $4  }
0x25f: {  	[hbm4b:s17+s1] =	stream.linear.scatter [tilespmem:s11], [sflag:$0x3], $0x800, $0x38;
	[tilespmem:$0x15C00] =	vst v63  }
0x260: {  	_ =	swait.ge [sflag:s14], $0x800  }
0x261: {  	[sflag:s14] =	ssyncset.done $0x0  }
0x262: {  	[sflag:s14] =	ssyncadd.s32 $0xFFFFF800  }
0x263: {  	s17 =	rddreg [dreg:$0x7]  }
0x264: {  	s16 =	rddreg [dreg:$0x6];
	s17 =	sadd.s32 $0x1, s17  }
0x265: {  	p0 =	sne.s32 s17, s16  }
.Ltmp4:
0x266: {  	_ = 	snop;
	(pc) =	sbr.rel @p0 .LBB2_1-.Ltmp4, $1  }
0x267: {  	_ =	sdelay $0x3  }
0x268: {  	_ =	sfence.sel $0x180000  }
0x269: {  	[bflag:$0x0] =	sbarrier.arrive $0xFFFF  }
0x26a: {  	_ =	strace $0x90000047  }
0x26b: {  	s0 =	stileid.u32;
	[bflag:$0x2] =	sbarrier.arrive $0xFFFF  }
0x26c: {  	p0 =	sne.s32 s0, $0x0;
	s0 =	rddreg [dreg:$0x2]  }
0x26d: {  	s0 =	sadd.s32 @!p0 $0x100000, s0  }
0x26e: {  	[sflag:s0] =	ssyncadd.tile.s32 @!p0 $0x1;
	_ =	shalt  }
.Lfunc_end2:
_tile_overlayer_lowered:
.L_overlay_start_2:
0x26f: {  	(tag) =	ssettag $0x2  }
0x270: {  	s0 =	rddreg [dreg:$0x0];
	s2 =	stileid.u32  }
0x271: {  	s1 =	rddreg [dreg:$0x1];
	p0 =	sne.s32 s2, $0x0  }
0x272: {  	s3 =	rddreg [dreg:$0x2];
	[bflag:$0x3] =	sbarrier.arrive $0xFFFF;
	s2 =	simm.s32 @!p0 $0x1C03  }
0x273: {  	[timem:s3], [sflag:s2] =	dma.local @!p0 [hbm:s0], s1  }
0x274: {  	s0 =	simm.s32 @!p0 $0x3  }
0x275: {  	_ =	swait.ge @!p0 [sflag:s0], s1  }
0x276: {  	s1 =	ssub.s32 @!p0 $0x0, s1;
	[sflag:s0] =	ssyncset.done @!p0 $0x0  }
0x277: {  	[sflag:s0] =	ssyncadd.s32 @!p0 s1  }
0x278: {  	[bflag:$0x3] =	sbarrier.arrive $0xFFFF  }
0x279: {  	_ =	shalt  }

</sc_bundles>
